<compile_context>
chip_gen: v7x
topology: tpu7x:2x2x1
jax: 0.10.2.dev20260603
libtpu: 0.0.44.dev20260713+nightly
codegen_flags: <defaults>
</compile_context>

<pallas_src>
import functools

import jax
import jax.numpy as jnp
from jax import lax
from jax.experimental import pallas as pl
from jax.experimental.pallas import tpu as pltpu
from jax.experimental.pallas import tpu_sc as plsc

N = 10000
E = 320000
D = 128
G = 64
ED = 16

NC = 2
NS = 16
NW = NC * NS
EPW = E // NW
BLK_E = 80
NBLK = EPW // BLK_E
ROWS_PER_TILE = 624
TAIL_ROWS = N - NS * ROWS_PER_TILE
TAIL_OFF = NS * ROWS_PER_TILE



def _edge_lin_body(ea_ref, w1_ref, b1_ref, w2_ref, b2_ref, e1_ref, e2_ref):
    a = ea_ref[...]
    e1_ref[...] = jnp.dot(a, w1_ref[...], preferred_element_type=jnp.float32) + b1_ref[...]
    e2_ref[...] = jnp.dot(a, w2_ref[...], preferred_element_type=jnp.float32) + b2_ref[...]


def _edge_lin(ea, w1, b1, w2, b2):
    BLK = 4000
    grid = E // BLK
    return pl.pallas_call(
        _edge_lin_body,
        grid=(grid,),
        in_specs=[
            pl.BlockSpec((BLK, ED), lambda i: (i, 0)),
            pl.BlockSpec((ED, D), lambda i: (0, 0)),
            pl.BlockSpec((1, D), lambda i: (0, 0)),
            pl.BlockSpec((ED, D), lambda i: (0, 0)),
            pl.BlockSpec((1, D), lambda i: (0, 0)),
        ],
        out_specs=[
            pl.BlockSpec((BLK, D), lambda i: (i, 0)),
            pl.BlockSpec((BLK, D), lambda i: (i, 0)),
        ],
        out_shape=[jax.ShapeDtypeStruct((E, D), jnp.float32)] * 2,
    )(ea, w1, b1.reshape(1, D), w2, b2.reshape(1, D))



def _sc_agg_body(table, src, dst, e, zeros, out,
                 agg_sh, src_v, dst_v, rows_v, e_v,
                 sem_i, sem_g, sem_e, sem_s):
    c = lax.axis_index("c")
    s = lax.axis_index("s")
    wid = s * NC + c

    pltpu.sync_copy(zeros.at[pl.ds(s * ROWS_PER_TILE, ROWS_PER_TILE)],
                    agg_sh.at[pl.ds(s * ROWS_PER_TILE, ROWS_PER_TILE)])

    @pl.when(s == 0)
    def _():
        pltpu.sync_copy(zeros.at[pl.ds(TAIL_OFF, TAIL_ROWS)],
                        agg_sh.at[pl.ds(TAIL_OFF, TAIL_ROWS)])

    plsc.subcore_barrier()

    def _base(i):
        return pl.multiple_of(wid * EPW + i * BLK_E, 8)

    def _idx_start(i, slot):
        b = _base(i)
        pltpu.make_async_copy(src.at[pl.ds(b, BLK_E)], src_v.at[slot],
                              sem_i.at[slot]).start()
        pltpu.make_async_copy(dst.at[pl.ds(b, BLK_E)], dst_v.at[slot],
                              sem_i.at[slot]).start()

    def _idx_wait(i, slot):
        b = _base(i)
        pltpu.make_async_copy(src.at[pl.ds(b, BLK_E)], src_v.at[slot],
                              sem_i.at[slot]).wait()
        pltpu.make_async_copy(dst.at[pl.ds(b, BLK_E)], dst_v.at[slot],
                              sem_i.at[slot]).wait()

    def _data_start(i, islot, b):
        pltpu.make_async_copy(table.at[src_v.at[islot]], rows_v.at[b],
                              sem_g.at[b]).start()
        pltpu.make_async_copy(e.at[pl.ds(_base(i), BLK_E)], e_v.at[b],
                              sem_e.at[b]).start()

    def _scatter_drain(b):
        pltpu.make_async_copy(zeros.at[pl.ds(0, BLK_E)], rows_v.at[b],
                              sem_s.at[b]).wait()

    pltpu.sync_copy(src.at[pl.ds(_base(0), BLK_E)], src_v.at[0])
    pltpu.sync_copy(dst.at[pl.ds(_base(0), BLK_E)], dst_v.at[0])
    _idx_start(1, 1)
    _data_start(0, 0, 0)

    def blk(i, carry):
        b = i % 2
        nb = (i + 1) % 2

        @pl.when(i < NBLK - 1)
        def _():
            _idx_wait(i + 1, (i + 1) % 4)

            @pl.when(i >= 1)
            def _():
                _scatter_drain(nb)

            _data_start(i + 1, (i + 1) % 4, nb)

        @pl.when(i < NBLK - 2)
        def _():
            _idx_start(i + 2, (i + 2) % 4)

        pltpu.make_async_copy(table.at[src_v.at[i % 4]], rows_v.at[b],
                              sem_g.at[b]).wait()
        pltpu.make_async_copy(e.at[pl.ds(_base(i), BLK_E)], e_v.at[b],
                              sem_e.at[b]).wait()

        @plsc.parallel_loop(0, BLK_E, 1, unroll=4)
        def _edge(k):
            for j in range(D // 16):
                sl = pl.ds(j * 16, 16)
                v = rows_v[b, k, sl] + e_v[b, k, sl]
                rows_v[b, k, sl] = jnp.maximum(v, 0.0)

        pltpu.async_copy(rows_v.at[b], agg_sh.at[dst_v.at[i % 4]],
                         sem_s.at[b], add=True)
        return carry

    lax.fori_loop(0, NBLK, blk, 0)
    _scatter_drain(0)
    _scatter_drain(1)
    plsc.subcore_barrier()
    pltpu.sync_copy(agg_sh.at[pl.ds(s * ROWS_PER_TILE, ROWS_PER_TILE)],
                    out.at[c, pl.ds(s * ROWS_PER_TILE, ROWS_PER_TILE)])

    @pl.when(s == 0)
    def _():
        pltpu.sync_copy(agg_sh.at[pl.ds(TAIL_OFF, TAIL_ROWS)],
                        out.at[c, pl.ds(TAIL_OFF, TAIL_ROWS)])


_sc_agg = functools.partial(
    pl.kernel,
    out_type=jax.ShapeDtypeStruct((NC, N, D), jnp.float32),
    mesh=plsc.VectorSubcoreMesh(core_axis_name="c", subcore_axis_name="s"),
    scratch_types=[
        pltpu.VMEM_SHARED((N, D), jnp.float32),
        pltpu.VMEM((4, BLK_E), jnp.int32),
        pltpu.VMEM((4, BLK_E), jnp.int32),
        pltpu.VMEM((2, BLK_E, D), jnp.float32),
        pltpu.VMEM((2, BLK_E, D), jnp.float32),
        pltpu.SemaphoreType.DMA((4,)),
        pltpu.SemaphoreType.DMA((2,)),
        pltpu.SemaphoreType.DMA((2,)),
        pltpu.SemaphoreType.DMA((2,)),
    ],
)(_sc_agg_body)



BLK_N = 1000
GRID_N = N // BLK_N


def _mlp_body(x_ref, a0_ref, a1_ref, w1_ref, b1_ref, w2_ref, b2_ref, o_ref):
    t = x_ref[...] + a0_ref[...] + a1_ref[...]
    t = jnp.maximum(jnp.dot(t, w1_ref[...], preferred_element_type=jnp.float32) + b1_ref[...], 0.0)
    t = jnp.dot(t, w2_ref[...], preferred_element_type=jnp.float32) + b2_ref[...]
    o_ref[...] = jnp.maximum(t, 0.0)


def _mlp(x, a0, a1, w1, b1, w2, b2):
    return pl.pallas_call(
        _mlp_body,
        grid=(GRID_N,),
        in_specs=[
            pl.BlockSpec((BLK_N, D), lambda i: (i, 0)),
            pl.BlockSpec((BLK_N, D), lambda i: (i, 0)),
            pl.BlockSpec((BLK_N, D), lambda i: (i, 0)),
            pl.BlockSpec((D, D), lambda i: (0, 0)),
            pl.BlockSpec((1, D), lambda i: (0, 0)),
            pl.BlockSpec((D, D), lambda i: (0, 0)),
            pl.BlockSpec((1, D), lambda i: (0, 0)),
        ],
        out_specs=pl.BlockSpec((BLK_N, D), lambda i: (i, 0)),
        out_shape=jax.ShapeDtypeStruct((N, D), jnp.float32),
    )(x, a0, a1, w1, b1.reshape(1, D), w2, b2.reshape(1, D))



def _mlp_pool_body(x_ref, a0_ref, a1_ref, w1_ref, b1_ref, w2_ref, b2_ref,
                   batch_ref, fcw_ref, fcb_ref, o_ref, acc_ref, cnt_ref):
    i = pl.program_id(0)

    @pl.when(i == 0)
    def _():
        acc_ref[...] = jnp.zeros_like(acc_ref)
        cnt_ref[...] = jnp.zeros_like(cnt_ref)

    t = x_ref[...] + a0_ref[...] + a1_ref[...]
    t = jnp.maximum(jnp.dot(t, w1_ref[...], preferred_element_type=jnp.float32) + b1_ref[...], 0.0)
    t = jnp.dot(t, w2_ref[...], preferred_element_type=jnp.float32) + b2_ref[...]
    t = jnp.maximum(t, 0.0)

    b = batch_ref[0, 0, :]
    gids = lax.broadcasted_iota(jnp.int32, (G, BLK_N), 0)
    onehot = (b[None, :] == gids).astype(jnp.float32)
    acc_ref[...] += jnp.dot(onehot, t, preferred_element_type=jnp.float32)
    cnt_ref[...] += jnp.sum(onehot, axis=1, keepdims=True)

    @pl.when(i == GRID_N - 1)
    def _():
        mean = acc_ref[...] / jnp.maximum(cnt_ref[...], 1.0)
        o_ref[...] = jnp.dot(mean, fcw_ref[...], preferred_element_type=jnp.float32) + fcb_ref[...]


def _mlp_pool(x, a0, a1, w1, b1, w2, b2, batch, fcw, fcb):
    return pl.pallas_call(
        _mlp_pool_body,
        grid=(GRID_N,),
        in_specs=[
            pl.BlockSpec((BLK_N, D), lambda i: (i, 0)),
            pl.BlockSpec((BLK_N, D), lambda i: (i, 0)),
            pl.BlockSpec((BLK_N, D), lambda i: (i, 0)),
            pl.BlockSpec((D, D), lambda i: (0, 0)),
            pl.BlockSpec((1, D), lambda i: (0, 0)),
            pl.BlockSpec((D, D), lambda i: (0, 0)),
            pl.BlockSpec((1, D), lambda i: (0, 0)),
            pl.BlockSpec((1, 1, BLK_N), lambda i: (i, 0, 0)),
            pl.BlockSpec((D, D), lambda i: (0, 0)),
            pl.BlockSpec((1, D), lambda i: (0, 0)),
        ],
        out_specs=pl.BlockSpec((G, D), lambda i: (0, 0)),
        out_shape=jax.ShapeDtypeStruct((G, D), jnp.float32),
        scratch_shapes=[
            pltpu.VMEM((G, D), jnp.float32),
            pltpu.VMEM((G, 1), jnp.float32),
        ],
    )(x, a0, a1, w1, b1.reshape(1, D), w2, b2.reshape(1, D),
      batch.reshape(GRID_N, 1, BLK_N), fcw, fcb.reshape(1, D))



def kernel(x, edge_index, edge_attr, batch,
           le1_W, le1_b, m1_W1, m1_b1, m1_W2, m1_b2,
           le2_W, le2_b, m2_W1, m2_b1, m2_W2, m2_b2,
           fc_W, fc_b):
    src = edge_index[0]
    dst = edge_index[1]
    e1, e2 = _edge_lin(edge_attr, le1_W, le1_b, le2_W, le2_b)
    zeros = jnp.zeros((N, D), jnp.float32)

    agg1 = _sc_agg(x, src, dst, e1, zeros)
    h = _mlp(x, agg1[0], agg1[1], m1_W1, m1_b1, m1_W2, m1_b2)

    agg2 = _sc_agg(h, src, dst, e2, zeros)
    out = _mlp_pool(h, agg2[0], agg2[1], m2_W1, m2_b1, m2_W2, m2_b2,
                    batch, fc_W, fc_b)
    return out

# --- scband reference (transcript-rebuilt; emitter-appended) ---
"""Pipeline reference for scband-gine-2-d-12352325943372 (READ-ONLY COPY).

The authoritative reference and input builder live on the scoring server;
editing this copy changes nothing except your own understanding.
"""

import jax, jax.numpy as jnp
import numpy as np

N = 10000
E = 320000
D = 128
H = 128
OUT = 128
ED = 16
G = 64


def setup_inputs(seed: int = 0) -> dict:
    key = jax.random.key(seed)
    ks = jax.random.split(key, 22)
    s = 0.05
    inp = {
        "x": jax.random.normal(ks[0], (N, D), dtype=jnp.float32),
        "edge_index": jax.random.randint(ks[1], (2, E), 0, N, dtype=jnp.int32),
        "edge_attr": jax.random.normal(ks[2], (E, ED), dtype=jnp.float32),
        "batch": jnp.sort(jax.random.randint(ks[3], (N,), 0, G, dtype=jnp.int32)),
        # GINEConv 1: edge linear (edge_dim -> in_channels) + mlp1
        "le1_W": jax.random.normal(ks[4], (ED, D), dtype=jnp.float32) * s,
        "le1_b": jnp.zeros((D,), dtype=jnp.float32),
        "m1_W1": jax.random.normal(ks[5], (D, H), dtype=jnp.float32) * s,
        "m1_b1": jnp.zeros((H,), dtype=jnp.float32),
        "m1_W2": jax.random.normal(ks[6], (H, H), dtype=jnp.float32) * s,
        "m1_b2": jnp.zeros((H,), dtype=jnp.float32),
        # GINEConv 2
        "le2_W": jax.random.normal(ks[7], (ED, H), dtype=jnp.float32) * s,
        "le2_b": jnp.zeros((H,), dtype=jnp.float32),
        "m2_W1": jax.random.normal(ks[8], (H, H), dtype=jnp.float32) * s,
        "m2_b1": jnp.zeros((H,), dtype=jnp.float32),
        "m2_W2": jax.random.normal(ks[9], (H, H), dtype=jnp.float32) * s,
        "m2_b2": jnp.zeros((H,), dtype=jnp.float32),
        # final fc
        "fc_W": jax.random.normal(ks[10], (H, OUT), dtype=jnp.float32) * s,
        "fc_b": jnp.zeros((OUT,), dtype=jnp.float32),
    }
    return inp


def _gine_conv(x, src, dst, edge_attr, le_W, le_b, W1, b1, W2, b2, eps=0.0):
    # message: ReLU(x_j + lin_edge(edge_attr)), sum-aggregated at dst
    e = edge_attr @ le_W + le_b
    m = jax.nn.relu(x[src] + e)
    agg = jax.ops.segment_sum(m, dst, num_segments=x.shape[0])
    h = (1.0 + eps) * x + agg
    h = jax.nn.relu(h @ W1 + b1) @ W2 + b2
    return h


def reference(x, edge_index, edge_attr, batch,
              le1_W, le1_b, m1_W1, m1_b1, m1_W2, m1_b2,
              le2_W, le2_b, m2_W1, m2_b1, m2_W2, m2_b2,
              fc_W, fc_b):
    src = edge_index[0]
    dst = edge_index[1]
    h = _gine_conv(x, src, dst, edge_attr, le1_W, le1_b, m1_W1, m1_b1, m1_W2, m1_b2)
    h = jax.nn.relu(h)
    # dropout is identity in eval mode
    h = _gine_conv(h, src, dst, edge_attr, le2_W, le2_b, m2_W1, m2_b1, m2_W2, m2_b2)
    h = jax.nn.relu(h)
    # global mean pool over batch ids
    sums = jax.ops.segment_sum(h, batch, num_segments=G)
    cnt = jax.ops.segment_sum(jnp.ones((h.shape[0],), dtype=h.dtype), batch, num_segments=G)
    mean = sums / jnp.clip(cnt, 1.0, None)[:, None]
    out = mean @ fc_W + fc_b
    return out

if __name__ == "__main__":
    import jax
    _d = setup_inputs()
    print(jax.jit(kernel)(*tuple(_d.values())))

</pallas_src>

<mosaic_0001>
#map = affine_map<(d0, d1) -> (0, 0)>
#map1 = affine_map<(d0, d1) -> (0)>
#map2 = affine_map<(d0, d1) -> (0, 0, 0)>
module attributes {stable_mosaic.version = 14 : i64} {
  func.func @_sc_agg_body(%arg0: i32, %arg1: i32, %arg2: memref<10000x128xf32, #tpu.memory_space<hbm>>, %arg3: memref<320000xi32, #tpu.memory_space<hbm>>, %arg4: memref<320000xi32, #tpu.memory_space<hbm>>, %arg5: memref<320000x128xf32, #tpu.memory_space<hbm>>, %arg6: memref<10000x128xf32, #tpu.memory_space<hbm>>, %arg7: memref<2x10000x128xf32, #tpu.memory_space<hbm>>, %arg8: memref<10000x128xf32, #tpu.memory_space<vmem_shared>>, %arg9: memref<4x80xi32, #tpu.memory_space<vmem>>, %arg10: memref<4x80xi32, #tpu.memory_space<vmem>>, %arg11: memref<2x80x128xf32, #tpu.memory_space<vmem>>, %arg12: memref<2x80x128xf32, #tpu.memory_space<vmem>>, %arg13: memref<4x!tpu.dma_semaphore, #tpu.memory_space<semaphore_mem>>, %arg14: memref<2x!tpu.dma_semaphore, #tpu.memory_space<semaphore_mem>>, %arg15: memref<2x!tpu.dma_semaphore, #tpu.memory_space<semaphore_mem>>, %arg16: memref<2x!tpu.dma_semaphore, #tpu.memory_space<semaphore_mem>>) attributes {dimension_semantics = [#tpu.dimension_semantics<core_parallel>, #tpu.dimension_semantics<subcore_parallel>], iteration_bounds = array<i64: 2, 16>, scalar_prefetch = 0 : i64, scratch_operands = 9 : i64, tpu.core_type = #tpu.core_type<sc_vector_subcore>, window_params = [{transform_indices = #map}, {transform_indices = #map1}, {transform_indices = #map1}, {transform_indices = #map}, {transform_indices = #map}, {transform_indices = #map2}]} {
    %mul3A = arith.constant 2 : i32
    %mul3A_0 = arith.muli %arg1, %mul3A : i32
    %add3A = arith.addi %mul3A_0, %arg0 : i32
    %mul3A_1 = arith.constant 624 : i32
    %mul3A_2 = arith.muli %arg1, %mul3A_1 : i32
    %mul3A_3 = arith.constant 624 : i32
    %mul3A_4 = arith.muli %arg1, %mul3A_3 : i32
    "tpu.region"() ({
      %run_scoped3A_131 = tpu.sem_alloc : memref<!tpu.dma_semaphore, #tpu.memory_space<semaphore_mem>>
      %dma_start3A_132 = arith.constant 0 : i32
      %dma_start3A_133 = tpu.memref_slice %arg8[%mul3A_4, %dma_start3A_132] : memref<10000x128xf32, #tpu.memory_space<vmem_shared>> -> memref<624x128xf32, #tpu.memory_space<vmem_shared>>
      %dma_start3A_134 = arith.constant 0 : i32
      %dma_start3A_135 = tpu.memref_slice %arg6[%mul3A_2, %dma_start3A_134] : memref<10000x128xf32, #tpu.memory_space<hbm>> -> memref<624x128xf32, #tpu.memory_space<hbm>>
      tpu.enqueue_dma source(%dma_start3A_135 : memref<624x128xf32, #tpu.memory_space<hbm>>) target(%dma_start3A_133 : memref<624x128xf32, #tpu.memory_space<vmem_shared>>) target_semaphore(%run_scoped3A_131 : memref<!tpu.dma_semaphore, #tpu.memory_space<semaphore_mem>>)
      %dma_wait3A_136 = arith.constant 0 : i32
      %dma_wait3A_137 = tpu.memref_slice %arg8[%mul3A_4, %dma_wait3A_136] : memref<10000x128xf32, #tpu.memory_space<vmem_shared>> -> memref<624x128xf32, #tpu.memory_space<vmem_shared>>
      %dma_wait3A_138 = arith.constant 0 : i32
      %dma_wait3A_139 = tpu.memref_slice %arg6[%mul3A_2, %dma_wait3A_138] : memref<10000x128xf32, #tpu.memory_space<hbm>> -> memref<624x128xf32, #tpu.memory_space<hbm>>
      tpu.wait_dma2 semaphore(%run_scoped3A_131 : memref<!tpu.dma_semaphore, #tpu.memory_space<semaphore_mem>>) src(%dma_wait3A_139 : memref<624x128xf32, #tpu.memory_space<hbm>>) dst(%dma_wait3A_137 : memref<624x128xf32, #tpu.memory_space<vmem_shared>>)
      tpu.yield
    }) : () -> ()
    %eq3A = arith.constant 0 : i32
    %eq3A_5 = arith.cmpi eq, %arg1, %eq3A : i32
    %convert_element_type3A = arith.extui %eq3A_5 : i1 to i32
    %cond3A = arith.constant 0 : i32
    %cond3A_6 = arith.cmpi ne, %convert_element_type3A, %cond3A : i32
    scf.if %cond3A_6 {
      "tpu.region"() ({
        %run_scoped3A_131 = tpu.sem_alloc : memref<!tpu.dma_semaphore, #tpu.memory_space<semaphore_mem>>
        %dma_start3A_132 = arith.constant 9984 : i32
        %dma_start3A_133 = arith.constant 0 : i32
        %dma_start3A_134 = tpu.memref_slice %arg8[%dma_start3A_132, %dma_start3A_133] : memref<10000x128xf32, #tpu.memory_space<vmem_shared>> -> memref<16x128xf32, #tpu.memory_space<vmem_shared>>
        %dma_start3A_135 = arith.constant 9984 : i32
        %dma_start3A_136 = arith.constant 0 : i32
        %dma_start3A_137 = tpu.memref_slice %arg6[%dma_start3A_135, %dma_start3A_136] : memref<10000x128xf32, #tpu.memory_space<hbm>> -> memref<16x128xf32, #tpu.memory_space<hbm>>
        tpu.enqueue_dma source(%dma_start3A_137 : memref<16x128xf32, #tpu.memory_space<hbm>>) target(%dma_start3A_134 : memref<16x128xf32, #tpu.memory_space<vmem_shared>>) target_semaphore(%run_scoped3A_131 : memref<!tpu.dma_semaphore, #tpu.memory_space<semaphore_mem>>)
        %dma_wait3A_138 = arith.constant 9984 : i32
        %dma_wait3A_139 = arith.constant 0 : i32
        %dma_wait3A_140 = tpu.memref_slice %arg8[%dma_wait3A_138, %dma_wait3A_139] : memref<10000x128xf32, #tpu.memory_space<vmem_shared>> -> memref<16x128xf32, #tpu.memory_space<vmem_shared>>
        %dma_wait3A_141 = arith.constant 9984 : i32
        %dma_wait3A_142 = arith.constant 0 : i32
        %dma_wait3A_143 = tpu.memref_slice %arg6[%dma_wait3A_141, %dma_wait3A_142] : memref<10000x128xf32, #tpu.memory_space<hbm>> -> memref<16x128xf32, #tpu.memory_space<hbm>>
        tpu.wait_dma2 semaphore(%run_scoped3A_131 : memref<!tpu.dma_semaphore, #tpu.memory_space<semaphore_mem>>) src(%dma_wait3A_143 : memref<16x128xf32, #tpu.memory_space<hbm>>) dst(%dma_wait3A_140 : memref<16x128xf32, #tpu.memory_space<vmem_shared>>)
        tpu.yield
      }) : () -> ()
    } else {
    }
    %barrier3A = arith.constant 0 : index
    tpu.barrier barrier_id(%barrier3A)
    %mul3A_7 = arith.constant 10000 : i32
    %mul3A_8 = arith.muli %add3A, %mul3A_7 : i32
    %add3A_9 = arith.constant 0 : i32
    %add3A_10 = arith.addi %mul3A_8, %add3A_9 : i32
    %multiple_of3A = tpu.assume_multiple %add3A_10, 8 : i32
    %run_scoped3A = arith.constant 0 : i32
    "tpu.region"() ({
      %run_scoped3A_131 = tpu.sem_alloc : memref<!tpu.dma_semaphore, #tpu.memory_space<semaphore_mem>>
      %dma_start3A_132 = arith.constant 0 : i32
      %dma_start3A_133 = tpu.memref_slice %arg9[%run_scoped3A, %dma_start3A_132] : memref<4x80xi32, #tpu.memory_space<vmem>> -> memref<1x80xi32, #tpu.memory_space<vmem>>
      %dma_start3A_134 = tpu.memref_squeeze %dma_start3A_133 : memref<1x80xi32, #tpu.memory_space<vmem>> -> memref<80xi32, #tpu.memory_space<vmem>>
      %dma_start3A_135 = tpu.memref_slice %arg3[%multiple_of3A] : memref<320000xi32, #tpu.memory_space<hbm>> -> memref<80xi32, #tpu.memory_space<hbm>>
      %dma_start3A_136 = arith.constant 0 : i32
      %dma_start3A_137 = tpu.memref_slice %arg9[%run_scoped3A, %dma_start3A_136] : memref<4x80xi32, #tpu.memory_space<vmem>> -> memref<1x80xi32, #tpu.memory_space<vmem>>
      %dma_start3A_138 = tpu.memref_squeeze %dma_start3A_137 : memref<1x80xi32, #tpu.memory_space<vmem>> -> memref<80xi32, #tpu.memory_space<vmem>>
      %dma_start3A_139 = tpu.memref_slice %arg3[%multiple_of3A] : memref<320000xi32, #tpu.memory_space<hbm>> -> memref<80xi32, #tpu.memory_space<hbm>>
      tpu.enqueue_dma source(%dma_start3A_139 : memref<80xi32, #tpu.memory_space<hbm>>) target(%dma_start3A_138 : memref<80xi32, #tpu.memory_space<vmem>>) target_semaphore(%run_scoped3A_131 : memref<!tpu.dma_semaphore, #tpu.memory_space<semaphore_mem>>)
      %dma_wait3A_140 = arith.constant 0 : i32
      %dma_wait3A_141 = tpu.memref_slice %arg9[%run_scoped3A, %dma_wait3A_140] : memref<4x80xi32, #tpu.memory_space<vmem>> -> memref<1x80xi32, #tpu.memory_space<vmem>>
      %dma_wait3A_142 = tpu.memref_squeeze %dma_wait3A_141 : memref<1x80xi32, #tpu.memory_space<vmem>> -> memref<80xi32, #tpu.memory_space<vmem>>
      %dma_wait3A_143 = tpu.memref_slice %arg3[%multiple_of3A] : memref<320000xi32, #tpu.memory_space<hbm>> -> memref<80xi32, #tpu.memory_space<hbm>>
      %dma_wait3A_144 = arith.constant 0 : i32
      %dma_wait3A_145 = tpu.memref_slice %arg9[%run_scoped3A, %dma_wait3A_144] : memref<4x80xi32, #tpu.memory_space<vmem>> -> memref<1x80xi32, #tpu.memory_space<vmem>>
      %dma_wait3A_146 = tpu.memref_squeeze %dma_wait3A_145 : memref<1x80xi32, #tpu.memory_space<vmem>> -> memref<80xi32, #tpu.memory_space<vmem>>
      %dma_wait3A_147 = tpu.memref_slice %arg3[%multiple_of3A] : memref<320000xi32, #tpu.memory_space<hbm>> -> memref<80xi32, #tpu.memory_space<hbm>>
      tpu.wait_dma2 semaphore(%run_scoped3A_131 : memref<!tpu.dma_semaphore, #tpu.memory_space<semaphore_mem>>) src(%dma_wait3A_147 : memref<80xi32, #tpu.memory_space<hbm>>) dst(%dma_wait3A_146 : memref<80xi32, #tpu.memory_space<vmem>>)
      tpu.yield
    }) : () -> ()
    %mul3A_11 = arith.constant 10000 : i32
    %mul3A_12 = arith.muli %add3A, %mul3A_11 : i32
    %add3A_13 = arith.constant 0 : i32
    %add3A_14 = arith.addi %mul3A_12, %add3A_13 : i32
    %multiple_of3A_15 = tpu.assume_multiple %add3A_14, 8 : i32
    %run_scoped3A_16 = arith.constant 0 : i32
    "tpu.region"() ({
      %run_scoped3A_131 = tpu.sem_alloc : memref<!tpu.dma_semaphore, #tpu.memory_space<semaphore_mem>>
      %dma_start3A_132 = arith.constant 0 : i32
      %dma_start3A_133 = tpu.memref_slice %arg10[%run_scoped3A_16, %dma_start3A_132] : memref<4x80xi32, #tpu.memory_space<vmem>> -> memref<1x80xi32, #tpu.memory_space<vmem>>
      %dma_start3A_134 = tpu.memref_squeeze %dma_start3A_133 : memref<1x80xi32, #tpu.memory_space<vmem>> -> memref<80xi32, #tpu.memory_space<vmem>>
      %dma_start3A_135 = tpu.memref_slice %arg4[%multiple_of3A_15] : memref<320000xi32, #tpu.memory_space<hbm>> -> memref<80xi32, #tpu.memory_space<hbm>>
      %dma_start3A_136 = arith.constant 0 : i32
      %dma_start3A_137 = tpu.memref_slice %arg10[%run_scoped3A_16, %dma_start3A_136] : memref<4x80xi32, #tpu.memory_space<vmem>> -> memref<1x80xi32, #tpu.memory_space<vmem>>
      %dma_start3A_138 = tpu.memref_squeeze %dma_start3A_137 : memref<1x80xi32, #tpu.memory_space<vmem>> -> memref<80xi32, #tpu.memory_space<vmem>>
      %dma_start3A_139 = tpu.memref_slice %arg4[%multiple_of3A_15] : memref<320000xi32, #tpu.memory_space<hbm>> -> memref<80xi32, #tpu.memory_space<hbm>>
      tpu.enqueue_dma source(%dma_start3A_139 : memref<80xi32, #tpu.memory_space<hbm>>) target(%dma_start3A_138 : memref<80xi32, #tpu.memory_space<vmem>>) target_semaphore(%run_scoped3A_131 : memref<!tpu.dma_semaphore, #tpu.memory_space<semaphore_mem>>)
      %dma_wait3A_140 = arith.constant 0 : i32
      %dma_wait3A_141 = tpu.memref_slice %arg10[%run_scoped3A_16, %dma_wait3A_140] : memref<4x80xi32, #tpu.memory_space<vmem>> -> memref<1x80xi32, #tpu.memory_space<vmem>>
      %dma_wait3A_142 = tpu.memref_squeeze %dma_wait3A_141 : memref<1x80xi32, #tpu.memory_space<vmem>> -> memref<80xi32, #tpu.memory_space<vmem>>
      %dma_wait3A_143 = tpu.memref_slice %arg4[%multiple_of3A_15] : memref<320000xi32, #tpu.memory_space<hbm>> -> memref<80xi32, #tpu.memory_space<hbm>>
      %dma_wait3A_144 = arith.constant 0 : i32
      %dma_wait3A_145 = tpu.memref_slice %arg10[%run_scoped3A_16, %dma_wait3A_144] : memref<4x80xi32, #tpu.memory_space<vmem>> -> memref<1x80xi32, #tpu.memory_space<vmem>>
      %dma_wait3A_146 = tpu.memref_squeeze %dma_wait3A_145 : memref<1x80xi32, #tpu.memory_space<vmem>> -> memref<80xi32, #tpu.memory_space<vmem>>
      %dma_wait3A_147 = tpu.memref_slice %arg4[%multiple_of3A_15] : memref<320000xi32, #tpu.memory_space<hbm>> -> memref<80xi32, #tpu.memory_space<hbm>>
      tpu.wait_dma2 semaphore(%run_scoped3A_131 : memref<!tpu.dma_semaphore, #tpu.memory_space<semaphore_mem>>) src(%dma_wait3A_147 : memref<80xi32, #tpu.memory_space<hbm>>) dst(%dma_wait3A_146 : memref<80xi32, #tpu.memory_space<vmem>>)
      tpu.yield
    }) : () -> ()
    %mul3A_17 = arith.constant 10000 : i32
    %mul3A_18 = arith.muli %add3A, %mul3A_17 : i32
    %add3A_19 = arith.constant 80 : i32
    %add3A_20 = arith.addi %mul3A_18, %add3A_19 : i32
    %multiple_of3A_21 = tpu.assume_multiple %add3A_20, 8 : i32
    %dma_start3A = arith.constant 1 : i32
    %dma_start3A_22 = arith.constant 1 : i32
    %dma_start3A_23 = arith.constant 0 : i32
    %dma_start3A_24 = tpu.memref_slice %arg9[%dma_start3A, %dma_start3A_23] : memref<4x80xi32, #tpu.memory_space<vmem>> -> memref<1x80xi32, #tpu.memory_space<vmem>>
    %dma_start3A_25 = tpu.memref_squeeze %dma_start3A_24 : memref<1x80xi32, #tpu.memory_space<vmem>> -> memref<80xi32, #tpu.memory_space<vmem>>
    %dma_start3A_26 = tpu.memref_slice %arg3[%multiple_of3A_21] : memref<320000xi32, #tpu.memory_space<hbm>> -> memref<80xi32, #tpu.memory_space<hbm>>
    %dma_start3A_27 = tpu.memref_slice %arg13[%dma_start3A_22] : memref<4x!tpu.dma_semaphore, #tpu.memory_space<semaphore_mem>> -> memref<1x!tpu.dma_semaphore, #tpu.memory_space<semaphore_mem>>
    %dma_start3A_28 = tpu.memref_squeeze %dma_start3A_27 : memref<1x!tpu.dma_semaphore, #tpu.memory_space<semaphore_mem>> -> memref<!tpu.dma_semaphore, #tpu.memory_space<semaphore_mem>>
    %dma_start3A_29 = arith.constant 0 : i32
    %dma_start3A_30 = tpu.memref_slice %arg9[%dma_start3A, %dma_start3A_29] : memref<4x80xi32, #tpu.memory_space<vmem>> -> memref<1x80xi32, #tpu.memory_space<vmem>>
    %dma_start3A_31 = tpu.memref_squeeze %dma_start3A_30 : memref<1x80xi32, #tpu.memory_space<vmem>> -> memref<80xi32, #tpu.memory_space<vmem>>
    %dma_start3A_32 = tpu.memref_slice %arg3[%multiple_of3A_21] : memref<320000xi32, #tpu.memory_space<hbm>> -> memref<80xi32, #tpu.memory_space<hbm>>
    tpu.enqueue_dma source(%dma_start3A_32 : memref<80xi32, #tpu.memory_space<hbm>>) target(%dma_start3A_31 : memref<80xi32, #tpu.memory_space<vmem>>) target_semaphore(%dma_start3A_28 : memref<!tpu.dma_semaphore, #tpu.memory_space<semaphore_mem>>)
    %dma_start3A_33 = arith.constant 1 : i32
    %dma_start3A_34 = arith.constant 1 : i32
    %dma_start3A_35 = arith.constant 0 : i32
    %dma_start3A_36 = tpu.memref_slice %arg10[%dma_start3A_33, %dma_start3A_35] : memref<4x80xi32, #tpu.memory_space<vmem>> -> memref<1x80xi32, #tpu.memory_space<vmem>>
    %dma_start3A_37 = tpu.memref_squeeze %dma_start3A_36 : memref<1x80xi32, #tpu.memory_space<vmem>> -> memref<80xi32, #tpu.memory_space<vmem>>
    %dma_start3A_38 = tpu.memref_slice %arg4[%multiple_of3A_21] : memref<320000xi32, #tpu.memory_space<hbm>> -> memref<80xi32, #tpu.memory_space<hbm>>
    %dma_start3A_39 = tpu.memref_slice %arg13[%dma_start3A_34] : memref<4x!tpu.dma_semaphore, #tpu.memory_space<semaphore_mem>> -> memref<1x!tpu.dma_semaphore, #tpu.memory_space<semaphore_mem>>
    %dma_start3A_40 = tpu.memref_squeeze %dma_start3A_39 : memref<1x!tpu.dma_semaphore, #tpu.memory_space<semaphore_mem>> -> memref<!tpu.dma_semaphore, #tpu.memory_space<semaphore_mem>>
    %dma_start3A_41 = arith.constant 0 : i32
    %dma_start3A_42 = tpu.memref_slice %arg10[%dma_start3A_33, %dma_start3A_41] : memref<4x80xi32, #tpu.memory_space<vmem>> -> memref<1x80xi32, #tpu.memory_space<vmem>>
    %dma_start3A_43 = tpu.memref_squeeze %dma_start3A_42 : memref<1x80xi32, #tpu.memory_space<vmem>> -> memref<80xi32, #tpu.memory_space<vmem>>
    %dma_start3A_44 = tpu.memref_slice %arg4[%multiple_of3A_21] : memref<320000xi32, #tpu.memory_space<hbm>> -> memref<80xi32, #tpu.memory_space<hbm>>
    tpu.enqueue_dma source(%dma_start3A_44 : memref<80xi32, #tpu.memory_space<hbm>>) target(%dma_start3A_43 : memref<80xi32, #tpu.memory_space<vmem>>) target_semaphore(%dma_start3A_40 : memref<!tpu.dma_semaphore, #tpu.memory_space<semaphore_mem>>)
    %dma_start3A_45 = arith.constant 0 : i32
    %dma_start3A_46 = arith.constant 0 : i32
    %dma_start3A_47 = arith.constant 0 : i32
    %dma_start3A_48 = arith.constant 0 : i32
    %dma_start3A_49 = arith.constant 0 : i32
    %dma_start3A_50 = tpu.memref_slice %arg11[%dma_start3A_46, %dma_start3A_48, %dma_start3A_49] : memref<2x80x128xf32, #tpu.memory_space<vmem>> -> memref<1x80x128xf32, #tpu.memory_space<vmem>>
    %dma_start3A_51 = tpu.memref_squeeze %dma_start3A_50 : memref<1x80x128xf32, #tpu.memory_space<vmem>> -> memref<80x128xf32, #tpu.memory_space<vmem>>
    %dma_start3A_52 = arith.constant 0 : i32
    %dma_start3A_53 = tpu.memref_slice %arg9[%dma_start3A_45, %dma_start3A_52] : memref<4x80xi32, #tpu.memory_space<vmem>> -> memref<1x80xi32, #tpu.memory_space<vmem>>
    %dma_start3A_54 = tpu.memref_squeeze %dma_start3A_53 : memref<1x80xi32, #tpu.memory_space<vmem>> -> memref<80xi32, #tpu.memory_space<vmem>>
    %dma_start3A_55 = arith.constant 0 : i32
    %dma_start3A_56 = arith.constant 0 : i32
    %dma_start3A_57 = tpu.memref_slice %arg2[%dma_start3A_55, %dma_start3A_56] : memref<10000x128xf32, #tpu.memory_space<hbm>> -> memref<10000x128xf32, #tpu.memory_space<hbm>>
    %dma_start3A_58 = tpu.memref_slice %arg14[%dma_start3A_47] : memref<2x!tpu.dma_semaphore, #tpu.memory_space<semaphore_mem>> -> memref<1x!tpu.dma_semaphore, #tpu.memory_space<semaphore_mem>>
    %dma_start3A_59 = tpu.memref_squeeze %dma_start3A_58 : memref<1x!tpu.dma_semaphore, #tpu.memory_space<semaphore_mem>> -> memref<!tpu.dma_semaphore, #tpu.memory_space<semaphore_mem>>
    tpu.enqueue_indirect_dma source(%dma_start3A_57 : memref<10000x128xf32, #tpu.memory_space<hbm>>) target(%dma_start3A_51 : memref<80x128xf32, #tpu.memory_space<vmem>>) offsets(%dma_start3A_54 : memref<80xi32, #tpu.memory_space<vmem>>) semaphore(%dma_start3A_59 : memref<!tpu.dma_semaphore, #tpu.memory_space<semaphore_mem>>)
    %mul3A_60 = arith.constant 10000 : i32
    %mul3A_61 = arith.muli %add3A, %mul3A_60 : i32
    %add3A_62 = arith.constant 0 : i32
    %add3A_63 = arith.addi %mul3A_61, %add3A_62 : i32
    %multiple_of3A_64 = tpu.assume_multiple %add3A_63, 8 : i32
    %dma_start3A_65 = arith.constant 0 : i32
    %dma_start3A_66 = arith.constant 0 : i32
    %dma_start3A_67 = arith.constant 0 : i32
    %dma_start3A_68 = arith.constant 0 : i32
    %dma_start3A_69 = tpu.memref_slice %arg12[%dma_start3A_65, %dma_start3A_67, %dma_start3A_68] : memref<2x80x128xf32, #tpu.memory_space<vmem>> -> memref<1x80x128xf32, #tpu.memory_space<vmem>>
    %dma_start3A_70 = tpu.memref_squeeze %dma_start3A_69 : memref<1x80x128xf32, #tpu.memory_space<vmem>> -> memref<80x128xf32, #tpu.memory_space<vmem>>
    %dma_start3A_71 = arith.constant 0 : i32
    %dma_start3A_72 = tpu.memref_slice %arg5[%multiple_of3A_64, %dma_start3A_71] : memref<320000x128xf32, #tpu.memory_space<hbm>> -> memref<80x128xf32, #tpu.memory_space<hbm>>
    %dma_start3A_73 = tpu.memref_slice %arg15[%dma_start3A_66] : memref<2x!tpu.dma_semaphore, #tpu.memory_space<semaphore_mem>> -> memref<1x!tpu.dma_semaphore, #tpu.memory_space<semaphore_mem>>
    %dma_start3A_74 = tpu.memref_squeeze %dma_start3A_73 : memref<1x!tpu.dma_semaphore, #tpu.memory_space<semaphore_mem>> -> memref<!tpu.dma_semaphore, #tpu.memory_space<semaphore_mem>>
    %dma_start3A_75 = arith.constant 0 : i32
    %dma_start3A_76 = arith.constant 0 : i32
    %dma_start3A_77 = tpu.memref_slice %arg12[%dma_start3A_65, %dma_start3A_75, %dma_start3A_76] : memref<2x80x128xf32, #tpu.memory_space<vmem>> -> memref<1x80x128xf32, #tpu.memory_space<vmem>>
    %dma_start3A_78 = tpu.memref_squeeze %dma_start3A_77 : memref<1x80x128xf32, #tpu.memory_space<vmem>> -> memref<80x128xf32, #tpu.memory_space<vmem>>
    %dma_start3A_79 = arith.constant 0 : i32
    %dma_start3A_80 = tpu.memref_slice %arg5[%multiple_of3A_64, %dma_start3A_79] : memref<320000x128xf32, #tpu.memory_space<hbm>> -> memref<80x128xf32, #tpu.memory_space<hbm>>
    tpu.enqueue_dma source(%dma_start3A_80 : memref<80x128xf32, #tpu.memory_space<hbm>>) target(%dma_start3A_78 : memref<80x128xf32, #tpu.memory_space<vmem>>) target_semaphore(%dma_start3A_74 : memref<!tpu.dma_semaphore, #tpu.memory_space<semaphore_mem>>)
    %scan3A = arith.constant 0 : i32
    %scan3A_81 = arith.constant 0 : i32
    %scan3A_82 = arith.constant 125 : i32
    %scan3A_83 = arith.addi %scan3A_81, %scan3A_82 : i32
    %scan3A_84 = arith.constant 1 : i32
    scf.for %scan3A_131 = %scan3A_81 to %scan3A_83 step %scan3A_84  : i32 {
      %jit3A = arith.constant 2 : i32
      %eq3A_132 = arith.constant 0 : i32
      %eq3A_133 = arith.cmpi eq, %jit3A, %eq3A_132 : i32
      %jit3A_134 = arith.constant 1 : i32
      %select_n3A = arith.select %eq3A_133, %jit3A_134, %jit3A : i32
      %rem3A = arith.remsi %scan3A_131, %select_n3A : i32
      %ne3A = arith.constant 0 : i32
      %ne3A_135 = arith.cmpi ne, %rem3A, %ne3A : i32
      %lt3A = arith.constant 0 : i32
      %lt3A_136 = arith.cmpi slt, %rem3A, %lt3A : i32
      %lt3A_137 = arith.constant 0 : i32
      %lt3A_138 = arith.cmpi slt, %select_n3A, %lt3A_137 : i32
      %ne3A_139 = arith.xori %lt3A_136, %lt3A_138 : i1
      %and3A = arith.andi %ne3A_139, %ne3A_135 : i1
      %add3A_140 = arith.addi %rem3A, %select_n3A : i32
      %select_n3A_141 = arith.select %and3A, %add3A_140, %rem3A : i32
      %add3A_142 = arith.constant 1 : i32
      %add3A_143 = arith.addi %scan3A_131, %add3A_142 : i32
      %jit3A_144 = arith.constant 2 : i32
      %eq3A_145 = arith.constant 0 : i32
      %eq3A_146 = arith.cmpi eq, %jit3A_144, %eq3A_145 : i32
      %jit3A_147 = arith.constant 1 : i32
      %select_n3A_148 = arith.select %eq3A_146, %jit3A_147, %jit3A_144 : i32
      %rem3A_149 = arith.remsi %add3A_143, %select_n3A_148 : i32
      %ne3A_150 = arith.constant 0 : i32
      %ne3A_151 = arith.cmpi ne, %rem3A_149, %ne3A_150 : i32
      %lt3A_152 = arith.constant 0 : i32
      %lt3A_153 = arith.cmpi slt, %rem3A_149, %lt3A_152 : i32
      %lt3A_154 = arith.constant 0 : i32
      %lt3A_155 = arith.cmpi slt, %select_n3A_148, %lt3A_154 : i32
      %ne3A_156 = arith.xori %lt3A_153, %lt3A_155 : i1
      %and3A_157 = arith.andi %ne3A_156, %ne3A_151 : i1
      %add3A_158 = arith.addi %rem3A_149, %select_n3A_148 : i32
      %select_n3A_159 = arith.select %and3A_157, %add3A_158, %rem3A_149 : i32
      %lt3A_160 = arith.constant 124 : i32
      %lt3A_161 = arith.cmpi slt, %scan3A_131, %lt3A_160 : i32
      %convert_element_type3A_162 = arith.extui %lt3A_161 : i1 to i32
      %cond3A_163 = arith.constant 0 : i32
      %cond3A_164 = arith.cmpi ne, %convert_element_type3A_162, %cond3A_163 : i32
      scf.if %cond3A_164 {
        %add3A_248 = arith.constant 1 : i32
        %add3A_249 = arith.addi %scan3A_131, %add3A_248 : i32
        %add3A_250 = arith.constant 1 : i32
        %add3A_251 = arith.addi %scan3A_131, %add3A_250 : i32
        %jit3A_252 = arith.constant 4 : i32
        %eq3A_253 = arith.constant 0 : i32
        %eq3A_254 = arith.cmpi eq, %jit3A_252, %eq3A_253 : i32
        %jit3A_255 = arith.constant 1 : i32
        %select_n3A_256 = arith.select %eq3A_254, %jit3A_255, %jit3A_252 : i32
        %rem3A_257 = arith.remsi %add3A_251, %select_n3A_256 : i32
        %ne3A_258 = arith.constant 0 : i32
        %ne3A_259 = arith.cmpi ne, %rem3A_257, %ne3A_258 : i32
        %lt3A_260 = arith.constant 0 : i32
        %lt3A_261 = arith.cmpi slt, %rem3A_257, %lt3A_260 : i32
        %lt3A_262 = arith.constant 0 : i32
        %lt3A_263 = arith.cmpi slt, %select_n3A_256, %lt3A_262 : i32
        %ne3A_264 = arith.xori %lt3A_261, %lt3A_263 : i1
        %and3A_265 = arith.andi %ne3A_264, %ne3A_259 : i1
        %add3A_266 = arith.addi %rem3A_257, %select_n3A_256 : i32
        %select_n3A_267 = arith.select %and3A_265, %add3A_266, %rem3A_257 : i32
        %mul3A_268 = arith.constant 10000 : i32
        %mul3A_269 = arith.muli %add3A, %mul3A_268 : i32
        %mul3A_270 = arith.constant 80 : i32
        %mul3A_271 = arith.muli %add3A_249, %mul3A_270 : i32
        %add3A_272 = arith.addi %mul3A_269, %mul3A_271 : i32
        %multiple_of3A_273 = tpu.assume_multiple %add3A_272, 8 : i32
        %dma_wait3A_274 = arith.constant 0 : i32
        %dma_wait3A_275 = tpu.memref_slice %arg9[%select_n3A_267, %dma_wait3A_274] : memref<4x80xi32, #tpu.memory_space<vmem>> -> memref<1x80xi32, #tpu.memory_space<vmem>>
        %dma_wait3A_276 = tpu.memref_squeeze %dma_wait3A_275 : memref<1x80xi32, #tpu.memory_space<vmem>> -> memref<80xi32, #tpu.memory_space<vmem>>
        %dma_wait3A_277 = tpu.memref_slice %arg3[%multiple_of3A_273] : memref<320000xi32, #tpu.memory_space<hbm>> -> memref<80xi32, #tpu.memory_space<hbm>>
        %dma_wait3A_278 = tpu.memref_slice %arg13[%select_n3A_267] : memref<4x!tpu.dma_semaphore, #tpu.memory_space<semaphore_mem>> -> memref<1x!tpu.dma_semaphore, #tpu.memory_space<semaphore_mem>>
        %dma_wait3A_279 = tpu.memref_squeeze %dma_wait3A_278 : memref<1x!tpu.dma_semaphore, #tpu.memory_space<semaphore_mem>> -> memref<!tpu.dma_semaphore, #tpu.memory_space<semaphore_mem>>
        %dma_wait3A_280 = arith.constant 0 : i32
        %dma_wait3A_281 = tpu.memref_slice %arg9[%select_n3A_267, %dma_wait3A_280] : memref<4x80xi32, #tpu.memory_space<vmem>> -> memref<1x80xi32, #tpu.memory_space<vmem>>
        %dma_wait3A_282 = tpu.memref_squeeze %dma_wait3A_281 : memref<1x80xi32, #tpu.memory_space<vmem>> -> memref<80xi32, #tpu.memory_space<vmem>>
        %dma_wait3A_283 = tpu.memref_slice %arg3[%multiple_of3A_273] : memref<320000xi32, #tpu.memory_space<hbm>> -> memref<80xi32, #tpu.memory_space<hbm>>
        tpu.wait_dma2 semaphore(%dma_wait3A_279 : memref<!tpu.dma_semaphore, #tpu.memory_space<semaphore_mem>>) src(%dma_wait3A_283 : memref<80xi32, #tpu.memory_space<hbm>>) dst(%dma_wait3A_282 : memref<80xi32, #tpu.memory_space<vmem>>)
        %dma_wait3A_284 = arith.constant 0 : i32
        %dma_wait3A_285 = tpu.memref_slice %arg10[%select_n3A_267, %dma_wait3A_284] : memref<4x80xi32, #tpu.memory_space<vmem>> -> memref<1x80xi32, #tpu.memory_space<vmem>>
        %dma_wait3A_286 = tpu.memref_squeeze %dma_wait3A_285 : memref<1x80xi32, #tpu.memory_space<vmem>> -> memref<80xi32, #tpu.memory_space<vmem>>
        %dma_wait3A_287 = tpu.memref_slice %arg4[%multiple_of3A_273] : memref<320000xi32, #tpu.memory_space<hbm>> -> memref<80xi32, #tpu.memory_space<hbm>>
        %dma_wait3A_288 = tpu.memref_slice %arg13[%select_n3A_267] : memref<4x!tpu.dma_semaphore, #tpu.memory_space<semaphore_mem>> -> memref<1x!tpu.dma_semaphore, #tpu.memory_space<semaphore_mem>>
        %dma_wait3A_289 = tpu.memref_squeeze %dma_wait3A_288 : memref<1x!tpu.dma_semaphore, #tpu.memory_space<semaphore_mem>> -> memref<!tpu.dma_semaphore, #tpu.memory_space<semaphore_mem>>
        %dma_wait3A_290 = arith.constant 0 : i32
        %dma_wait3A_291 = tpu.memref_slice %arg10[%select_n3A_267, %dma_wait3A_290] : memref<4x80xi32, #tpu.memory_space<vmem>> -> memref<1x80xi32, #tpu.memory_space<vmem>>
        %dma_wait3A_292 = tpu.memref_squeeze %dma_wait3A_291 : memref<1x80xi32, #tpu.memory_space<vmem>> -> memref<80xi32, #tpu.memory_space<vmem>>
        %dma_wait3A_293 = tpu.memref_slice %arg4[%multiple_of3A_273] : memref<320000xi32, #tpu.memory_space<hbm>> -> memref<80xi32, #tpu.memory_space<hbm>>
        tpu.wait_dma2 semaphore(%dma_wait3A_289 : memref<!tpu.dma_semaphore, #tpu.memory_space<semaphore_mem>>) src(%dma_wait3A_293 : memref<80xi32, #tpu.memory_space<hbm>>) dst(%dma_wait3A_292 : memref<80xi32, #tpu.memory_space<vmem>>)
        %ge3A = arith.constant 1 : i32
        %ge3A_294 = arith.cmpi sge, %scan3A_131, %ge3A : i32
        %convert_element_type3A_295 = arith.extui %ge3A_294 : i1 to i32
        %cond3A_296 = arith.constant 0 : i32
        %cond3A_297 = arith.cmpi ne, %convert_element_type3A_295, %cond3A_296 : i32
        scf.if %cond3A_297 {
          %dma_wait3A_350 = arith.constant 0 : i32
          %dma_wait3A_351 = arith.constant 0 : i32
          %dma_wait3A_352 = tpu.memref_slice %arg11[%select_n3A_159, %dma_wait3A_350, %dma_wait3A_351] : memref<2x80x128xf32, #tpu.memory_space<vmem>> -> memref<1x80x128xf32, #tpu.memory_space<vmem>>
          %dma_wait3A_353 = tpu.memref_squeeze %dma_wait3A_352 : memref<1x80x128xf32, #tpu.memory_space<vmem>> -> memref<80x128xf32, #tpu.memory_space<vmem>>
          %dma_wait3A_354 = arith.constant 0 : i32
          %dma_wait3A_355 = arith.constant 0 : i32
          %dma_wait3A_356 = tpu.memref_slice %arg6[%dma_wait3A_354, %dma_wait3A_355] : memref<10000x128xf32, #tpu.memory_space<hbm>> -> memref<80x128xf32, #tpu.memory_space<hbm>>
          %dma_wait3A_357 = tpu.memref_slice %arg16[%select_n3A_159] : memref<2x!tpu.dma_semaphore, #tpu.memory_space<semaphore_mem>> -> memref<1x!tpu.dma_semaphore, #tpu.memory_space<semaphore_mem>>
          %dma_wait3A_358 = tpu.memref_squeeze %dma_wait3A_357 : memref<1x!tpu.dma_semaphore, #tpu.memory_space<semaphore_mem>> -> memref<!tpu.dma_semaphore, #tpu.memory_space<semaphore_mem>>
          %dma_wait3A_359 = arith.constant 0 : i32
          %dma_wait3A_360 = arith.constant 0 : i32
          %dma_wait3A_361 = tpu.memref_slice %arg11[%select_n3A_159, %dma_wait3A_359, %dma_wait3A_360] : memref<2x80x128xf32, #tpu.memory_space<vmem>> -> memref<1x80x128xf32, #tpu.memory_space<vmem>>
          %dma_wait3A_362 = tpu.memref_squeeze %dma_wait3A_361 : memref<1x80x128xf32, #tpu.memory_space<vmem>> -> memref<80x128xf32, #tpu.memory_space<vmem>>
          %dma_wait3A_363 = arith.constant 0 : i32
          %dma_wait3A_364 = arith.constant 0 : i32
          %dma_wait3A_365 = tpu.memref_slice %arg6[%dma_wait3A_363, %dma_wait3A_364] : memref<10000x128xf32, #tpu.memory_space<hbm>> -> memref<80x128xf32, #tpu.memory_space<hbm>>
          tpu.wait_dma2 semaphore(%dma_wait3A_358 : memref<!tpu.dma_semaphore, #tpu.memory_space<semaphore_mem>>) src(%dma_wait3A_365 : memref<80x128xf32, #tpu.memory_space<hbm>>) dst(%dma_wait3A_362 : memref<80x128xf32, #tpu.memory_space<vmem>>)
        } else {
        }
        %add3A_298 = arith.constant 1 : i32
        %add3A_299 = arith.addi %scan3A_131, %add3A_298 : i32
        %add3A_300 = arith.constant 1 : i32
        %add3A_301 = arith.addi %scan3A_131, %add3A_300 : i32
        %jit3A_302 = arith.constant 4 : i32
        %eq3A_303 = arith.constant 0 : i32
        %eq3A_304 = arith.cmpi eq, %jit3A_302, %eq3A_303 : i32
        %jit3A_305 = arith.constant 1 : i32
        %select_n3A_306 = arith.select %eq3A_304, %jit3A_305, %jit3A_302 : i32
        %rem3A_307 = arith.remsi %add3A_301, %select_n3A_306 : i32
        %ne3A_308 = arith.constant 0 : i32
        %ne3A_309 = arith.cmpi ne, %rem3A_307, %ne3A_308 : i32
        %lt3A_310 = arith.constant 0 : i32
        %lt3A_311 = arith.cmpi slt, %rem3A_307, %lt3A_310 : i32
        %lt3A_312 = arith.constant 0 : i32
        %lt3A_313 = arith.cmpi slt, %select_n3A_306, %lt3A_312 : i32
        %ne3A_314 = arith.xori %lt3A_311, %lt3A_313 : i1
        %and3A_315 = arith.andi %ne3A_314, %ne3A_309 : i1
        %add3A_316 = arith.addi %rem3A_307, %select_n3A_306 : i32
        %select_n3A_317 = arith.select %and3A_315, %add3A_316, %rem3A_307 : i32
        %dma_start3A_318 = arith.constant 0 : i32
        %dma_start3A_319 = arith.constant 0 : i32
        %dma_start3A_320 = tpu.memref_slice %arg11[%select_n3A_159, %dma_start3A_318, %dma_start3A_319] : memref<2x80x128xf32, #tpu.memory_space<vmem>> -> memref<1x80x128xf32, #tpu.memory_space<vmem>>
        %dma_start3A_321 = tpu.memref_squeeze %dma_start3A_320 : memref<1x80x128xf32, #tpu.memory_space<vmem>> -> memref<80x128xf32, #tpu.memory_space<vmem>>
        %dma_start3A_322 = arith.constant 0 : i32
        %dma_start3A_323 = tpu.memref_slice %arg9[%select_n3A_317, %dma_start3A_322] : memref<4x80xi32, #tpu.memory_space<vmem>> -> memref<1x80xi32, #tpu.memory_space<vmem>>
        %dma_start3A_324 = tpu.memref_squeeze %dma_start3A_323 : memref<1x80xi32, #tpu.memory_space<vmem>> -> memref<80xi32, #tpu.memory_space<vmem>>
        %dma_start3A_325 = arith.constant 0 : i32
        %dma_start3A_326 = arith.constant 0 : i32
        %dma_start3A_327 = tpu.memref_slice %arg2[%dma_start3A_325, %dma_start3A_326] : memref<10000x128xf32, #tpu.memory_space<hbm>> -> memref<10000x128xf32, #tpu.memory_space<hbm>>
        %dma_start3A_328 = tpu.memref_slice %arg14[%select_n3A_159] : memref<2x!tpu.dma_semaphore, #tpu.memory_space<semaphore_mem>> -> memref<1x!tpu.dma_semaphore, #tpu.memory_space<semaphore_mem>>
        %dma_start3A_329 = tpu.memref_squeeze %dma_start3A_328 : memref<1x!tpu.dma_semaphore, #tpu.memory_space<semaphore_mem>> -> memref<!tpu.dma_semaphore, #tpu.memory_space<semaphore_mem>>
        tpu.enqueue_indirect_dma source(%dma_start3A_327 : memref<10000x128xf32, #tpu.memory_space<hbm>>) target(%dma_start3A_321 : memref<80x128xf32, #tpu.memory_space<vmem>>) offsets(%dma_start3A_324 : memref<80xi32, #tpu.memory_space<vmem>>) semaphore(%dma_start3A_329 : memref<!tpu.dma_semaphore, #tpu.memory_space<semaphore_mem>>)
        %mul3A_330 = arith.constant 10000 : i32
        %mul3A_331 = arith.muli %add3A, %mul3A_330 : i32
        %mul3A_332 = arith.constant 80 : i32
        %mul3A_333 = arith.muli %add3A_299, %mul3A_332 : i32
        %add3A_334 = arith.addi %mul3A_331, %mul3A_333 : i32
        %multiple_of3A_335 = tpu.assume_multiple %add3A_334, 8 : i32
        %dma_start3A_336 = arith.constant 0 : i32
        %dma_start3A_337 = arith.constant 0 : i32
        %dma_start3A_338 = tpu.memref_slice %arg12[%select_n3A_159, %dma_start3A_336, %dma_start3A_337] : memref<2x80x128xf32, #tpu.memory_space<vmem>> -> memref<1x80x128xf32, #tpu.memory_space<vmem>>
        %dma_start3A_339 = tpu.memref_squeeze %dma_start3A_338 : memref<1x80x128xf32, #tpu.memory_space<vmem>> -> memref<80x128xf32, #tpu.memory_space<vmem>>
        %dma_start3A_340 = arith.constant 0 : i32
        %dma_start3A_341 = tpu.memref_slice %arg5[%multiple_of3A_335, %dma_start3A_340] : memref<320000x128xf32, #tpu.memory_space<hbm>> -> memref<80x128xf32, #tpu.memory_space<hbm>>
        %dma_start3A_342 = tpu.memref_slice %arg15[%select_n3A_159] : memref<2x!tpu.dma_semaphore, #tpu.memory_space<semaphore_mem>> -> memref<1x!tpu.dma_semaphore, #tpu.memory_space<semaphore_mem>>
        %dma_start3A_343 = tpu.memref_squeeze %dma_start3A_342 : memref<1x!tpu.dma_semaphore, #tpu.memory_space<semaphore_mem>> -> memref<!tpu.dma_semaphore, #tpu.memory_space<semaphore_mem>>
        %dma_start3A_344 = arith.constant 0 : i32
        %dma_start3A_345 = arith.constant 0 : i32
        %dma_start3A_346 = tpu.memref_slice %arg12[%select_n3A_159, %dma_start3A_344, %dma_start3A_345] : memref<2x80x128xf32, #tpu.memory_space<vmem>> -> memref<1x80x128xf32, #tpu.memory_space<vmem>>
        %dma_start3A_347 = tpu.memref_squeeze %dma_start3A_346 : memref<1x80x128xf32, #tpu.memory_space<vmem>> -> memref<80x128xf32, #tpu.memory_space<vmem>>
        %dma_start3A_348 = arith.constant 0 : i32
        %dma_start3A_349 = tpu.memref_slice %arg5[%multiple_of3A_335, %dma_start3A_348] : memref<320000x128xf32, #tpu.memory_space<hbm>> -> memref<80x128xf32, #tpu.memory_space<hbm>>
        tpu.enqueue_dma source(%dma_start3A_349 : memref<80x128xf32, #tpu.memory_space<hbm>>) target(%dma_start3A_347 : memref<80x128xf32, #tpu.memory_space<vmem>>) target_semaphore(%dma_start3A_343 : memref<!tpu.dma_semaphore, #tpu.memory_space<semaphore_mem>>)
      } else {
      }
      %lt3A_165 = arith.constant 123 : i32
      %lt3A_166 = arith.cmpi slt, %scan3A_131, %lt3A_165 : i32
      %convert_element_type3A_167 = arith.extui %lt3A_166 : i1 to i32
      %cond3A_168 = arith.constant 0 : i32
      %cond3A_169 = arith.cmpi ne, %convert_element_type3A_167, %cond3A_168 : i32
      scf.if %cond3A_169 {
        %add3A_248 = arith.constant 2 : i32
        %add3A_249 = arith.addi %scan3A_131, %add3A_248 : i32
        %add3A_250 = arith.constant 2 : i32
        %add3A_251 = arith.addi %scan3A_131, %add3A_250 : i32
        %jit3A_252 = arith.constant 4 : i32
        %eq3A_253 = arith.constant 0 : i32
        %eq3A_254 = arith.cmpi eq, %jit3A_252, %eq3A_253 : i32
        %jit3A_255 = arith.constant 1 : i32
        %select_n3A_256 = arith.select %eq3A_254, %jit3A_255, %jit3A_252 : i32
        %rem3A_257 = arith.remsi %add3A_251, %select_n3A_256 : i32
        %ne3A_258 = arith.constant 0 : i32
        %ne3A_259 = arith.cmpi ne, %rem3A_257, %ne3A_258 : i32
        %lt3A_260 = arith.constant 0 : i32
        %lt3A_261 = arith.cmpi slt, %rem3A_257, %lt3A_260 : i32
        %lt3A_262 = arith.constant 0 : i32
        %lt3A_263 = arith.cmpi slt, %select_n3A_256, %lt3A_262 : i32
        %ne3A_264 = arith.xori %lt3A_261, %lt3A_263 : i1
        %and3A_265 = arith.andi %ne3A_264, %ne3A_259 : i1
        %add3A_266 = arith.addi %rem3A_257, %select_n3A_256 : i32
        %select_n3A_267 = arith.select %and3A_265, %add3A_266, %rem3A_257 : i32
        %mul3A_268 = arith.constant 10000 : i32
        %mul3A_269 = arith.muli %add3A, %mul3A_268 : i32
        %mul3A_270 = arith.constant 80 : i32
        %mul3A_271 = arith.muli %add3A_249, %mul3A_270 : i32
        %add3A_272 = arith.addi %mul3A_269, %mul3A_271 : i32
        %multiple_of3A_273 = tpu.assume_multiple %add3A_272, 8 : i32
        %dma_start3A_274 = arith.constant 0 : i32
        %dma_start3A_275 = tpu.memref_slice %arg9[%select_n3A_267, %dma_start3A_274] : memref<4x80xi32, #tpu.memory_space<vmem>> -> memref<1x80xi32, #tpu.memory_space<vmem>>
        %dma_start3A_276 = tpu.memref_squeeze %dma_start3A_275 : memref<1x80xi32, #tpu.memory_space<vmem>> -> memref<80xi32, #tpu.memory_space<vmem>>
        %dma_start3A_277 = tpu.memref_slice %arg3[%multiple_of3A_273] : memref<320000xi32, #tpu.memory_space<hbm>> -> memref<80xi32, #tpu.memory_space<hbm>>
        %dma_start3A_278 = tpu.memref_slice %arg13[%select_n3A_267] : memref<4x!tpu.dma_semaphore, #tpu.memory_space<semaphore_mem>> -> memref<1x!tpu.dma_semaphore, #tpu.memory_space<semaphore_mem>>
        %dma_start3A_279 = tpu.memref_squeeze %dma_start3A_278 : memref<1x!tpu.dma_semaphore, #tpu.memory_space<semaphore_mem>> -> memref<!tpu.dma_semaphore, #tpu.memory_space<semaphore_mem>>
        %dma_start3A_280 = arith.constant 0 : i32
        %dma_start3A_281 = tpu.memref_slice %arg9[%select_n3A_267, %dma_start3A_280] : memref<4x80xi32, #tpu.memory_space<vmem>> -> memref<1x80xi32, #tpu.memory_space<vmem>>
        %dma_start3A_282 = tpu.memref_squeeze %dma_start3A_281 : memref<1x80xi32, #tpu.memory_space<vmem>> -> memref<80xi32, #tpu.memory_space<vmem>>
        %dma_start3A_283 = tpu.memref_slice %arg3[%multiple_of3A_273] : memref<320000xi32, #tpu.memory_space<hbm>> -> memref<80xi32, #tpu.memory_space<hbm>>
        tpu.enqueue_dma source(%dma_start3A_283 : memref<80xi32, #tpu.memory_space<hbm>>) target(%dma_start3A_282 : memref<80xi32, #tpu.memory_space<vmem>>) target_semaphore(%dma_start3A_279 : memref<!tpu.dma_semaphore, #tpu.memory_space<semaphore_mem>>)
        %dma_start3A_284 = arith.constant 0 : i32
        %dma_start3A_285 = tpu.memref_slice %arg10[%select_n3A_267, %dma_start3A_284] : memref<4x80xi32, #tpu.memory_space<vmem>> -> memref<1x80xi32, #tpu.memory_space<vmem>>
        %dma_start3A_286 = tpu.memref_squeeze %dma_start3A_285 : memref<1x80xi32, #tpu.memory_space<vmem>> -> memref<80xi32, #tpu.memory_space<vmem>>
        %dma_start3A_287 = tpu.memref_slice %arg4[%multiple_of3A_273] : memref<320000xi32, #tpu.memory_space<hbm>> -> memref<80xi32, #tpu.memory_space<hbm>>
        %dma_start3A_288 = tpu.memref_slice %arg13[%select_n3A_267] : memref<4x!tpu.dma_semaphore, #tpu.memory_space<semaphore_mem>> -> memref<1x!tpu.dma_semaphore, #tpu.memory_space<semaphore_mem>>
        %dma_start3A_289 = tpu.memref_squeeze %dma_start3A_288 : memref<1x!tpu.dma_semaphore, #tpu.memory_space<semaphore_mem>> -> memref<!tpu.dma_semaphore, #tpu.memory_space<semaphore_mem>>
        %dma_start3A_290 = arith.constant 0 : i32
        %dma_start3A_291 = tpu.memref_slice %arg10[%select_n3A_267, %dma_start3A_290] : memref<4x80xi32, #tpu.memory_space<vmem>> -> memref<1x80xi32, #tpu.memory_space<vmem>>
        %dma_start3A_292 = tpu.memref_squeeze %dma_start3A_291 : memref<1x80xi32, #tpu.memory_space<vmem>> -> memref<80xi32, #tpu.memory_space<vmem>>
        %dma_start3A_293 = tpu.memref_slice %arg4[%multiple_of3A_273] : memref<320000xi32, #tpu.memory_space<hbm>> -> memref<80xi32, #tpu.memory_space<hbm>>
        tpu.enqueue_dma source(%dma_start3A_293 : memref<80xi32, #tpu.memory_space<hbm>>) target(%dma_start3A_292 : memref<80xi32, #tpu.memory_space<vmem>>) target_semaphore(%dma_start3A_289 : memref<!tpu.dma_semaphore, #tpu.memory_space<semaphore_mem>>)
      } else {
      }
      %jit3A_170 = arith.constant 4 : i32
      %eq3A_171 = arith.constant 0 : i32
      %eq3A_172 = arith.cmpi eq, %jit3A_170, %eq3A_171 : i32
      %jit3A_173 = arith.constant 1 : i32
      %select_n3A_174 = arith.select %eq3A_172, %jit3A_173, %jit3A_170 : i32
      %rem3A_175 = arith.remsi %scan3A_131, %select_n3A_174 : i32
      %ne3A_176 = arith.constant 0 : i32
      %ne3A_177 = arith.cmpi ne, %rem3A_175, %ne3A_176 : i32
      %lt3A_178 = arith.constant 0 : i32
      %lt3A_179 = arith.cmpi slt, %rem3A_175, %lt3A_178 : i32
      %lt3A_180 = arith.constant 0 : i32
      %lt3A_181 = arith.cmpi slt, %select_n3A_174, %lt3A_180 : i32
      %ne3A_182 = arith.xori %lt3A_179, %lt3A_181 : i1
      %and3A_183 = arith.andi %ne3A_182, %ne3A_177 : i1
      %add3A_184 = arith.addi %rem3A_175, %select_n3A_174 : i32
      %select_n3A_185 = arith.select %and3A_183, %add3A_184, %rem3A_175 : i32
      %dma_wait3A_186 = arith.constant 0 : i32
      %dma_wait3A_187 = arith.constant 0 : i32
      %dma_wait3A_188 = tpu.memref_slice %arg11[%select_n3A_141, %dma_wait3A_186, %dma_wait3A_187] : memref<2x80x128xf32, #tpu.memory_space<vmem>> -> memref<1x80x128xf32, #tpu.memory_space<vmem>>
      %dma_wait3A_189 = tpu.memref_squeeze %dma_wait3A_188 : memref<1x80x128xf32, #tpu.memory_space<vmem>> -> memref<80x128xf32, #tpu.memory_space<vmem>>
      %dma_wait3A_190 = arith.constant 0 : i32
      %dma_wait3A_191 = tpu.memref_slice %arg9[%select_n3A_185, %dma_wait3A_190] : memref<4x80xi32, #tpu.memory_space<vmem>> -> memref<1x80xi32, #tpu.memory_space<vmem>>
      %dma_wait3A_192 = tpu.memref_squeeze %dma_wait3A_191 : memref<1x80xi32, #tpu.memory_space<vmem>> -> memref<80xi32, #tpu.memory_space<vmem>>
      %dma_wait3A_193 = arith.constant 0 : i32
      %dma_wait3A_194 = arith.constant 0 : i32
      %dma_wait3A_195 = tpu.memref_slice %arg2[%dma_wait3A_193, %dma_wait3A_194] : memref<10000x128xf32, #tpu.memory_space<hbm>> -> memref<10000x128xf32, #tpu.memory_space<hbm>>
      %dma_wait3A_196 = tpu.memref_slice %arg14[%select_n3A_141] : memref<2x!tpu.dma_semaphore, #tpu.memory_space<semaphore_mem>> -> memref<1x!tpu.dma_semaphore, #tpu.memory_space<semaphore_mem>>
      %dma_wait3A_197 = tpu.memref_squeeze %dma_wait3A_196 : memref<1x!tpu.dma_semaphore, #tpu.memory_space<semaphore_mem>> -> memref<!tpu.dma_semaphore, #tpu.memory_space<semaphore_mem>>
      tpu.wait_indirect_dma semaphore(%dma_wait3A_197 : memref<!tpu.dma_semaphore, #tpu.memory_space<semaphore_mem>>) src(%dma_wait3A_195 : memref<10000x128xf32, #tpu.memory_space<hbm>>) dst(%dma_wait3A_189 : memref<80x128xf32, #tpu.memory_space<vmem>>)
      %mul3A_198 = arith.constant 10000 : i32
      %mul3A_199 = arith.muli %add3A, %mul3A_198 : i32
      %mul3A_200 = arith.constant 80 : i32
      %mul3A_201 = arith.muli %scan3A_131, %mul3A_200 : i32
      %add3A_202 = arith.addi %mul3A_199, %mul3A_201 : i32
      %multiple_of3A_203 = tpu.assume_multiple %add3A_202, 8 : i32
      %dma_wait3A_204 = arith.constant 0 : i32
      %dma_wait3A_205 = arith.constant 0 : i32
      %dma_wait3A_206 = tpu.memref_slice %arg12[%select_n3A_141, %dma_wait3A_204, %dma_wait3A_205] : memref<2x80x128xf32, #tpu.memory_space<vmem>> -> memref<1x80x128xf32, #tpu.memory_space<vmem>>
      %dma_wait3A_207 = tpu.memref_squeeze %dma_wait3A_206 : memref<1x80x128xf32, #tpu.memory_space<vmem>> -> memref<80x128xf32, #tpu.memory_space<vmem>>
      %dma_wait3A_208 = arith.constant 0 : i32
      %dma_wait3A_209 = tpu.memref_slice %arg5[%multiple_of3A_203, %dma_wait3A_208] : memref<320000x128xf32, #tpu.memory_space<hbm>> -> memref<80x128xf32, #tpu.memory_space<hbm>>
      %dma_wait3A_210 = tpu.memref_slice %arg15[%select_n3A_141] : memref<2x!tpu.dma_semaphore, #tpu.memory_space<semaphore_mem>> -> memref<1x!tpu.dma_semaphore, #tpu.memory_space<semaphore_mem>>
      %dma_wait3A_211 = tpu.memref_squeeze %dma_wait3A_210 : memref<1x!tpu.dma_semaphore, #tpu.memory_space<semaphore_mem>> -> memref<!tpu.dma_semaphore, #tpu.memory_space<semaphore_mem>>
      %dma_wait3A_212 = arith.constant 0 : i32
      %dma_wait3A_213 = arith.constant 0 : i32
      %dma_wait3A_214 = tpu.memref_slice %arg12[%select_n3A_141, %dma_wait3A_212, %dma_wait3A_213] : memref<2x80x128xf32, #tpu.memory_space<vmem>> -> memref<1x80x128xf32, #tpu.memory_space<vmem>>
      %dma_wait3A_215 = tpu.memref_squeeze %dma_wait3A_214 : memref<1x80x128xf32, #tpu.memory_space<vmem>> -> memref<80x128xf32, #tpu.memory_space<vmem>>
      %dma_wait3A_216 = arith.constant 0 : i32
      %dma_wait3A_217 = tpu.memref_slice %arg5[%multiple_of3A_203, %dma_wait3A_216] : memref<320000x128xf32, #tpu.memory_space<hbm>> -> memref<80x128xf32, #tpu.memory_space<hbm>>
      tpu.wait_dma2 semaphore(%dma_wait3A_211 : memref<!tpu.dma_semaphore, #tpu.memory_space<semaphore_mem>>) src(%dma_wait3A_217 : memref<80x128xf32, #tpu.memory_space<hbm>>) dst(%dma_wait3A_215 : memref<80x128xf32, #tpu.memory_space<vmem>>)
      %parallel_loop3A = arith.constant 0 : i32
      %parallel_loop3A_218 = arith.constant 80 : i32
      %parallel_loop3A_219 = arith.constant 1 : i32
      scf.for %parallel_loop3A_248 = %parallel_loop3A to %parallel_loop3A_218 step %parallel_loop3A_219  : i32 {
        %parallel_loop3A_249 = arith.index_cast %select_n3A_141 : i32 to index
        %parallel_loop3A_250 = arith.index_cast %parallel_loop3A_248 : i32 to index
        %parallel_loop3A_251 = arith.constant 0 : index
        %parallel_loop3A_252 = tpu.vector_load %arg11[%parallel_loop3A_249, %parallel_loop3A_250, %parallel_loop3A_251] {strides = array<i32>} : memref<2x80x128xf32, #tpu.memory_space<vmem>>, vector<1x1x16xf32>,
        %parallel_loop3A_253 = vector.shape_cast %parallel_loop3A_252 : vector<1x1x16xf32> to vector<16xf32>
        %parallel_loop3A_254 = arith.index_cast %select_n3A_141 : i32 to index
        %parallel_loop3A_255 = arith.index_cast %parallel_loop3A_248 : i32 to index
        %parallel_loop3A_256 = arith.constant 0 : index
        %parallel_loop3A_257 = tpu.vector_load %arg12[%parallel_loop3A_254, %parallel_loop3A_255, %parallel_loop3A_256] {strides = array<i32>} : memref<2x80x128xf32, #tpu.memory_space<vmem>>, vector<1x1x16xf32>,
        %parallel_loop3A_258 = vector.shape_cast %parallel_loop3A_257 : vector<1x1x16xf32> to vector<16xf32>
        %parallel_loop3A_259 = arith.addf %parallel_loop3A_253, %parallel_loop3A_258 : vector<16xf32>
        %parallel_loop3A_260 = arith.constant 0.000000e+00 : f32
        %parallel_loop3A_261 = vector.broadcast %parallel_loop3A_260 : f32 to vector<16xf32>
        %parallel_loop3A_262 = arith.maximumf %parallel_loop3A_259, %parallel_loop3A_261 : vector<16xf32>
        %parallel_loop3A_263 = arith.index_cast %select_n3A_141 : i32 to index
        %parallel_loop3A_264 = arith.index_cast %parallel_loop3A_248 : i32 to index
        %parallel_loop3A_265 = arith.constant 0 : index
        %parallel_loop3A_266 = tpu.vector_load %arg11[%parallel_loop3A_263, %parallel_loop3A_264, %parallel_loop3A_265] {strides = array<i32>} : memref<2x80x128xf32, #tpu.memory_space<vmem>>, vector<1x1x16xf32>,
        %parallel_loop3A_267 = vector.shape_cast %parallel_loop3A_266 : vector<1x1x16xf32> to vector<16xf32>
        %parallel_loop3A_268 = vector.shape_cast %parallel_loop3A_262 : vector<16xf32> to vector<1x1x16xf32>
        tpu.vector_store %arg11[%parallel_loop3A_263, %parallel_loop3A_264, %parallel_loop3A_265], %parallel_loop3A_268 {strides = array<i32>} : memref<2x80x128xf32, #tpu.memory_space<vmem>>, vector<1x1x16xf32>,
        %parallel_loop3A_269 = arith.index_cast %select_n3A_141 : i32 to index
        %parallel_loop3A_270 = arith.index_cast %parallel_loop3A_248 : i32 to index
        %parallel_loop3A_271 = arith.constant 16 : index
        %parallel_loop3A_272 = tpu.vector_load %arg11[%parallel_loop3A_269, %parallel_loop3A_270, %parallel_loop3A_271] {strides = array<i32>} : memref<2x80x128xf32, #tpu.memory_space<vmem>>, vector<1x1x16xf32>,
        %parallel_loop3A_273 = vector.shape_cast %parallel_loop3A_272 : vector<1x1x16xf32> to vector<16xf32>
        %parallel_loop3A_274 = arith.index_cast %select_n3A_141 : i32 to index
        %parallel_loop3A_275 = arith.index_cast %parallel_loop3A_248 : i32 to index
        %parallel_loop3A_276 = arith.constant 16 : index
        %parallel_loop3A_277 = tpu.vector_load %arg12[%parallel_loop3A_274, %parallel_loop3A_275, %parallel_loop3A_276] {strides = array<i32>} : memref<2x80x128xf32, #tpu.memory_space<vmem>>, vector<1x1x16xf32>,
        %parallel_loop3A_278 = vector.shape_cast %parallel_loop3A_277 : vector<1x1x16xf32> to vector<16xf32>
        %parallel_loop3A_279 = arith.addf %parallel_loop3A_273, %parallel_loop3A_278 : vector<16xf32>
        %parallel_loop3A_280 = arith.constant 0.000000e+00 : f32
        %parallel_loop3A_281 = vector.broadcast %parallel_loop3A_280 : f32 to vector<16xf32>
        %parallel_loop3A_282 = arith.maximumf %parallel_loop3A_279, %parallel_loop3A_281 : vector<16xf32>
        %parallel_loop3A_283 = arith.index_cast %select_n3A_141 : i32 to index
        %parallel_loop3A_284 = arith.index_cast %parallel_loop3A_248 : i32 to index
        %parallel_loop3A_285 = arith.constant 16 : index
        %parallel_loop3A_286 = tpu.vector_load %arg11[%parallel_loop3A_283, %parallel_loop3A_284, %parallel_loop3A_285] {strides = array<i32>} : memref<2x80x128xf32, #tpu.memory_space<vmem>>, vector<1x1x16xf32>,
        %parallel_loop3A_287 = vector.shape_cast %parallel_loop3A_286 : vector<1x1x16xf32> to vector<16xf32>
        %parallel_loop3A_288 = vector.shape_cast %parallel_loop3A_282 : vector<16xf32> to vector<1x1x16xf32>
        tpu.vector_store %arg11[%parallel_loop3A_283, %parallel_loop3A_284, %parallel_loop3A_285], %parallel_loop3A_288 {strides = array<i32>} : memref<2x80x128xf32, #tpu.memory_space<vmem>>, vector<1x1x16xf32>,
        %parallel_loop3A_289 = arith.index_cast %select_n3A_141 : i32 to index
        %parallel_loop3A_290 = arith.index_cast %parallel_loop3A_248 : i32 to index
        %parallel_loop3A_291 = arith.constant 32 : index
        %parallel_loop3A_292 = tpu.vector_load %arg11[%parallel_loop3A_289, %parallel_loop3A_290, %parallel_loop3A_291] {strides = array<i32>} : memref<2x80x128xf32, #tpu.memory_space<vmem>>, vector<1x1x16xf32>,
        %parallel_loop3A_293 = vector.shape_cast %parallel_loop3A_292 : vector<1x1x16xf32> to vector<16xf32>
        %parallel_loop3A_294 = arith.index_cast %select_n3A_141 : i32 to index
        %parallel_loop3A_295 = arith.index_cast %parallel_loop3A_248 : i32 to index
        %parallel_loop3A_296 = arith.constant 32 : index
        %parallel_loop3A_297 = tpu.vector_load %arg12[%parallel_loop3A_294, %parallel_loop3A_295, %parallel_loop3A_296] {strides = array<i32>} : memref<2x80x128xf32, #tpu.memory_space<vmem>>, vector<1x1x16xf32>,
        %parallel_loop3A_298 = vector.shape_cast %parallel_loop3A_297 : vector<1x1x16xf32> to vector<16xf32>
        %parallel_loop3A_299 = arith.addf %parallel_loop3A_293, %parallel_loop3A_298 : vector<16xf32>
        %parallel_loop3A_300 = arith.constant 0.000000e+00 : f32
        %parallel_loop3A_301 = vector.broadcast %parallel_loop3A_300 : f32 to vector<16xf32>
        %parallel_loop3A_302 = arith.maximumf %parallel_loop3A_299, %parallel_loop3A_301 : vector<16xf32>
        %parallel_loop3A_303 = arith.index_cast %select_n3A_141 : i32 to index
        %parallel_loop3A_304 = arith.index_cast %parallel_loop3A_248 : i32 to index
        %parallel_loop3A_305 = arith.constant 32 : index
        %parallel_loop3A_306 = tpu.vector_load %arg11[%parallel_loop3A_303, %parallel_loop3A_304, %parallel_loop3A_305] {strides = array<i32>} : memref<2x80x128xf32, #tpu.memory_space<vmem>>, vector<1x1x16xf32>,
        %parallel_loop3A_307 = vector.shape_cast %parallel_loop3A_306 : vector<1x1x16xf32> to vector<16xf32>
        %parallel_loop3A_308 = vector.shape_cast %parallel_loop3A_302 : vector<16xf32> to vector<1x1x16xf32>
        tpu.vector_store %arg11[%parallel_loop3A_303, %parallel_loop3A_304, %parallel_loop3A_305], %parallel_loop3A_308 {strides = array<i32>} : memref<2x80x128xf32, #tpu.memory_space<vmem>>, vector<1x1x16xf32>,
        %parallel_loop3A_309 = arith.index_cast %select_n3A_141 : i32 to index
        %parallel_loop3A_310 = arith.index_cast %parallel_loop3A_248 : i32 to index
        %parallel_loop3A_311 = arith.constant 48 : index
        %parallel_loop3A_312 = tpu.vector_load %arg11[%parallel_loop3A_309, %parallel_loop3A_310, %parallel_loop3A_311] {strides = array<i32>} : memref<2x80x128xf32, #tpu.memory_space<vmem>>, vector<1x1x16xf32>,
        %parallel_loop3A_313 = vector.shape_cast %parallel_loop3A_312 : vector<1x1x16xf32> to vector<16xf32>
        %parallel_loop3A_314 = arith.index_cast %select_n3A_141 : i32 to index
        %parallel_loop3A_315 = arith.index_cast %parallel_loop3A_248 : i32 to index
        %parallel_loop3A_316 = arith.constant 48 : index
        %parallel_loop3A_317 = tpu.vector_load %arg12[%parallel_loop3A_314, %parallel_loop3A_315, %parallel_loop3A_316] {strides = array<i32>} : memref<2x80x128xf32, #tpu.memory_space<vmem>>, vector<1x1x16xf32>,
        %parallel_loop3A_318 = vector.shape_cast %parallel_loop3A_317 : vector<1x1x16xf32> to vector<16xf32>
        %parallel_loop3A_319 = arith.addf %parallel_loop3A_313, %parallel_loop3A_318 : vector<16xf32>
        %parallel_loop3A_320 = arith.constant 0.000000e+00 : f32
        %parallel_loop3A_321 = vector.broadcast %parallel_loop3A_320 : f32 to vector<16xf32>
        %parallel_loop3A_322 = arith.maximumf %parallel_loop3A_319, %parallel_loop3A_321 : vector<16xf32>
        %parallel_loop3A_323 = arith.index_cast %select_n3A_141 : i32 to index
        %parallel_loop3A_324 = arith.index_cast %parallel_loop3A_248 : i32 to index
        %parallel_loop3A_325 = arith.constant 48 : index
        %parallel_loop3A_326 = tpu.vector_load %arg11[%parallel_loop3A_323, %parallel_loop3A_324, %parallel_loop3A_325] {strides = array<i32>} : memref<2x80x128xf32, #tpu.memory_space<vmem>>, vector<1x1x16xf32>,
        %parallel_loop3A_327 = vector.shape_cast %parallel_loop3A_326 : vector<1x1x16xf32> to vector<16xf32>
        %parallel_loop3A_328 = vector.shape_cast %parallel_loop3A_322 : vector<16xf32> to vector<1x1x16xf32>
        tpu.vector_store %arg11[%parallel_loop3A_323, %parallel_loop3A_324, %parallel_loop3A_325], %parallel_loop3A_328 {strides = array<i32>} : memref<2x80x128xf32, #tpu.memory_space<vmem>>, vector<1x1x16xf32>,
        %parallel_loop3A_329 = arith.index_cast %select_n3A_141 : i32 to index
        %parallel_loop3A_330 = arith.index_cast %parallel_loop3A_248 : i32 to index
        %parallel_loop3A_331 = arith.constant 64 : index
        %parallel_loop3A_332 = tpu.vector_load %arg11[%parallel_loop3A_329, %parallel_loop3A_330, %parallel_loop3A_331] {strides = array<i32>} : memref<2x80x128xf32, #tpu.memory_space<vmem>>, vector<1x1x16xf32>,
        %parallel_loop3A_333 = vector.shape_cast %parallel_loop3A_332 : vector<1x1x16xf32> to vector<16xf32>
        %parallel_loop3A_334 = arith.index_cast %select_n3A_141 : i32 to index
        %parallel_loop3A_335 = arith.index_cast %parallel_loop3A_248 : i32 to index
        %parallel_loop3A_336 = arith.constant 64 : index
        %parallel_loop3A_337 = tpu.vector_load %arg12[%parallel_loop3A_334, %parallel_loop3A_335, %parallel_loop3A_336] {strides = array<i32>} : memref<2x80x128xf32, #tpu.memory_space<vmem>>, vector<1x1x16xf32>,
        %parallel_loop3A_338 = vector.shape_cast %parallel_loop3A_337 : vector<1x1x16xf32> to vector<16xf32>
        %parallel_loop3A_339 = arith.addf %parallel_loop3A_333, %parallel_loop3A_338 : vector<16xf32>
        %parallel_loop3A_340 = arith.constant 0.000000e+00 : f32
        %parallel_loop3A_341 = vector.broadcast %parallel_loop3A_340 : f32 to vector<16xf32>
        %parallel_loop3A_342 = arith.maximumf %parallel_loop3A_339, %parallel_loop3A_341 : vector<16xf32>
        %parallel_loop3A_343 = arith.index_cast %select_n3A_141 : i32 to index
        %parallel_loop3A_344 = arith.index_cast %parallel_loop3A_248 : i32 to index
        %parallel_loop3A_345 = arith.constant 64 : index
        %parallel_loop3A_346 = tpu.vector_load %arg11[%parallel_loop3A_343, %parallel_loop3A_344, %parallel_loop3A_345] {strides = array<i32>} : memref<2x80x128xf32, #tpu.memory_space<vmem>>, vector<1x1x16xf32>,
        %parallel_loop3A_347 = vector.shape_cast %parallel_loop3A_346 : vector<1x1x16xf32> to vector<16xf32>
        %parallel_loop3A_348 = vector.shape_cast %parallel_loop3A_342 : vector<16xf32> to vector<1x1x16xf32>
        tpu.vector_store %arg11[%parallel_loop3A_343, %parallel_loop3A_344, %parallel_loop3A_345], %parallel_loop3A_348 {strides = array<i32>} : memref<2x80x128xf32, #tpu.memory_space<vmem>>, vector<1x1x16xf32>,
        %parallel_loop3A_349 = arith.index_cast %select_n3A_141 : i32 to index
        %parallel_loop3A_350 = arith.index_cast %parallel_loop3A_248 : i32 to index
        %parallel_loop3A_351 = arith.constant 80 : index
        %parallel_loop3A_352 = tpu.vector_load %arg11[%parallel_loop3A_349, %parallel_loop3A_350, %parallel_loop3A_351] {strides = array<i32>} : memref<2x80x128xf32, #tpu.memory_space<vmem>>, vector<1x1x16xf32>,
        %parallel_loop3A_353 = vector.shape_cast %parallel_loop3A_352 : vector<1x1x16xf32> to vector<16xf32>
        %parallel_loop3A_354 = arith.index_cast %select_n3A_141 : i32 to index
        %parallel_loop3A_355 = arith.index_cast %parallel_loop3A_248 : i32 to index
        %parallel_loop3A_356 = arith.constant 80 : index
        %parallel_loop3A_357 = tpu.vector_load %arg12[%parallel_loop3A_354, %parallel_loop3A_355, %parallel_loop3A_356] {strides = array<i32>} : memref<2x80x128xf32, #tpu.memory_space<vmem>>, vector<1x1x16xf32>,
        %parallel_loop3A_358 = vector.shape_cast %parallel_loop3A_357 : vector<1x1x16xf32> to vector<16xf32>
        %parallel_loop3A_359 = arith.addf %parallel_loop3A_353, %parallel_loop3A_358 : vector<16xf32>
        %parallel_loop3A_360 = arith.constant 0.000000e+00 : f32
        %parallel_loop3A_361 = vector.broadcast %parallel_loop3A_360 : f32 to vector<16xf32>
        %parallel_loop3A_362 = arith.maximumf %parallel_loop3A_359, %parallel_loop3A_361 : vector<16xf32>
        %parallel_loop3A_363 = arith.index_cast %select_n3A_141 : i32 to index
        %parallel_loop3A_364 = arith.index_cast %parallel_loop3A_248 : i32 to index
        %parallel_loop3A_365 = arith.constant 80 : index
        %parallel_loop3A_366 = tpu.vector_load %arg11[%parallel_loop3A_363, %parallel_loop3A_364, %parallel_loop3A_365] {strides = array<i32>} : memref<2x80x128xf32, #tpu.memory_space<vmem>>, vector<1x1x16xf32>,
        %parallel_loop3A_367 = vector.shape_cast %parallel_loop3A_366 : vector<1x1x16xf32> to vector<16xf32>
        %parallel_loop3A_368 = vector.shape_cast %parallel_loop3A_362 : vector<16xf32> to vector<1x1x16xf32>
        tpu.vector_store %arg11[%parallel_loop3A_363, %parallel_loop3A_364, %parallel_loop3A_365], %parallel_loop3A_368 {strides = array<i32>} : memref<2x80x128xf32, #tpu.memory_space<vmem>>, vector<1x1x16xf32>,
        %parallel_loop3A_369 = arith.index_cast %select_n3A_141 : i32 to index
        %parallel_loop3A_370 = arith.index_cast %parallel_loop3A_248 : i32 to index
        %parallel_loop3A_371 = arith.constant 96 : index
        %parallel_loop3A_372 = tpu.vector_load %arg11[%parallel_loop3A_369, %parallel_loop3A_370, %parallel_loop3A_371] {strides = array<i32>} : memref<2x80x128xf32, #tpu.memory_space<vmem>>, vector<1x1x16xf32>,
        %parallel_loop3A_373 = vector.shape_cast %parallel_loop3A_372 : vector<1x1x16xf32> to vector<16xf32>
        %parallel_loop3A_374 = arith.index_cast %select_n3A_141 : i32 to index
        %parallel_loop3A_375 = arith.index_cast %parallel_loop3A_248 : i32 to index
        %parallel_loop3A_376 = arith.constant 96 : index
        %parallel_loop3A_377 = tpu.vector_load %arg12[%parallel_loop3A_374, %parallel_loop3A_375, %parallel_loop3A_376] {strides = array<i32>} : memref<2x80x128xf32, #tpu.memory_space<vmem>>, vector<1x1x16xf32>,
        %parallel_loop3A_378 = vector.shape_cast %parallel_loop3A_377 : vector<1x1x16xf32> to vector<16xf32>
        %parallel_loop3A_379 = arith.addf %parallel_loop3A_373, %parallel_loop3A_378 : vector<16xf32>
        %parallel_loop3A_380 = arith.constant 0.000000e+00 : f32
        %parallel_loop3A_381 = vector.broadcast %parallel_loop3A_380 : f32 to vector<16xf32>
        %parallel_loop3A_382 = arith.maximumf %parallel_loop3A_379, %parallel_loop3A_381 : vector<16xf32>
        %parallel_loop3A_383 = arith.index_cast %select_n3A_141 : i32 to index
        %parallel_loop3A_384 = arith.index_cast %parallel_loop3A_248 : i32 to index
        %parallel_loop3A_385 = arith.constant 96 : index
        %parallel_loop3A_386 = tpu.vector_load %arg11[%parallel_loop3A_383, %parallel_loop3A_384, %parallel_loop3A_385] {strides = array<i32>} : memref<2x80x128xf32, #tpu.memory_space<vmem>>, vector<1x1x16xf32>,
        %parallel_loop3A_387 = vector.shape_cast %parallel_loop3A_386 : vector<1x1x16xf32> to vector<16xf32>
        %parallel_loop3A_388 = vector.shape_cast %parallel_loop3A_382 : vector<16xf32> to vector<1x1x16xf32>
        tpu.vector_store %arg11[%parallel_loop3A_383, %parallel_loop3A_384, %parallel_loop3A_385], %parallel_loop3A_388 {strides = array<i32>} : memref<2x80x128xf32, #tpu.memory_space<vmem>>, vector<1x1x16xf32>,
        %parallel_loop3A_389 = arith.index_cast %select_n3A_141 : i32 to index
        %parallel_loop3A_390 = arith.index_cast %parallel_loop3A_248 : i32 to index
        %parallel_loop3A_391 = arith.constant 112 : index
        %parallel_loop3A_392 = tpu.vector_load %arg11[%parallel_loop3A_389, %parallel_loop3A_390, %parallel_loop3A_391] {strides = array<i32>} : memref<2x80x128xf32, #tpu.memory_space<vmem>>, vector<1x1x16xf32>,
        %parallel_loop3A_393 = vector.shape_cast %parallel_loop3A_392 : vector<1x1x16xf32> to vector<16xf32>
        %parallel_loop3A_394 = arith.index_cast %select_n3A_141 : i32 to index
        %parallel_loop3A_395 = arith.index_cast %parallel_loop3A_248 : i32 to index
        %parallel_loop3A_396 = arith.constant 112 : index
        %parallel_loop3A_397 = tpu.vector_load %arg12[%parallel_loop3A_394, %parallel_loop3A_395, %parallel_loop3A_396] {strides = array<i32>} : memref<2x80x128xf32, #tpu.memory_space<vmem>>, vector<1x1x16xf32>,
        %parallel_loop3A_398 = vector.shape_cast %parallel_loop3A_397 : vector<1x1x16xf32> to vector<16xf32>
        %parallel_loop3A_399 = arith.addf %parallel_loop3A_393, %parallel_loop3A_398 : vector<16xf32>
        %parallel_loop3A_400 = arith.constant 0.000000e+00 : f32
        %parallel_loop3A_401 = vector.broadcast %parallel_loop3A_400 : f32 to vector<16xf32>
        %parallel_loop3A_402 = arith.maximumf %parallel_loop3A_399, %parallel_loop3A_401 : vector<16xf32>
        %parallel_loop3A_403 = arith.index_cast %select_n3A_141 : i32 to index
        %parallel_loop3A_404 = arith.index_cast %parallel_loop3A_248 : i32 to index
        %parallel_loop3A_405 = arith.constant 112 : index
        %parallel_loop3A_406 = tpu.vector_load %arg11[%parallel_loop3A_403, %parallel_loop3A_404, %parallel_loop3A_405] {strides = array<i32>} : memref<2x80x128xf32, #tpu.memory_space<vmem>>, vector<1x1x16xf32>,
        %parallel_loop3A_407 = vector.shape_cast %parallel_loop3A_406 : vector<1x1x16xf32> to vector<16xf32>
        %parallel_loop3A_408 = vector.shape_cast %parallel_loop3A_402 : vector<16xf32> to vector<1x1x16xf32>
        tpu.vector_store %arg11[%parallel_loop3A_403, %parallel_loop3A_404, %parallel_loop3A_405], %parallel_loop3A_408 {strides = array<i32>} : memref<2x80x128xf32, #tpu.memory_space<vmem>>, vector<1x1x16xf32>,
      } {sc.loop_unroll_factor = 4 : i64, sc.parallel_access}
      %jit3A_220 = arith.constant 4 : i32
      %eq3A_221 = arith.constant 0 : i32
      %eq3A_222 = arith.cmpi eq, %jit3A_220, %eq3A_221 : i32
      %jit3A_223 = arith.constant 1 : i32
      %select_n3A_224 = arith.select %eq3A_222, %jit3A_223, %jit3A_220 : i32
      %rem3A_225 = arith.remsi %scan3A_131, %select_n3A_224 : i32
      %ne3A_226 = arith.constant 0 : i32
      %ne3A_227 = arith.cmpi ne, %rem3A_225, %ne3A_226 : i32
      %lt3A_228 = arith.constant 0 : i32
      %lt3A_229 = arith.cmpi slt, %rem3A_225, %lt3A_228 : i32
      %lt3A_230 = arith.constant 0 : i32
      %lt3A_231 = arith.cmpi slt, %select_n3A_224, %lt3A_230 : i32
      %ne3A_232 = arith.xori %lt3A_229, %lt3A_231 : i1
      %and3A_233 = arith.andi %ne3A_232, %ne3A_227 : i1
      %add3A_234 = arith.addi %rem3A_225, %select_n3A_224 : i32
      %select_n3A_235 = arith.select %and3A_233, %add3A_234, %rem3A_225 : i32
      %dma_start3A_236 = arith.constant 0 : i32
      %dma_start3A_237 = arith.constant 0 : i32
      %dma_start3A_238 = tpu.memref_slice %arg11[%select_n3A_141, %dma_start3A_236, %dma_start3A_237] : memref<2x80x128xf32, #tpu.memory_space<vmem>> -> memref<1x80x128xf32, #tpu.memory_space<vmem>>
      %dma_start3A_239 = tpu.memref_squeeze %dma_start3A_238 : memref<1x80x128xf32, #tpu.memory_space<vmem>> -> memref<80x128xf32, #tpu.memory_space<vmem>>
      %dma_start3A_240 = arith.constant 0 : i32
      %dma_start3A_241 = tpu.memref_slice %arg10[%select_n3A_235, %dma_start3A_240] : memref<4x80xi32, #tpu.memory_space<vmem>> -> memref<1x80xi32, #tpu.memory_space<vmem>>
      %dma_start3A_242 = tpu.memref_squeeze %dma_start3A_241 : memref<1x80xi32, #tpu.memory_space<vmem>> -> memref<80xi32, #tpu.memory_space<vmem>>
      %dma_start3A_243 = arith.constant 0 : i32
      %dma_start3A_244 = arith.constant 0 : i32
      %dma_start3A_245 = tpu.memref_slice %arg8[%dma_start3A_243, %dma_start3A_244] : memref<10000x128xf32, #tpu.memory_space<vmem_shared>> -> memref<10000x128xf32, #tpu.memory_space<vmem_shared>>
      %dma_start3A_246 = tpu.memref_slice %arg16[%select_n3A_141] : memref<2x!tpu.dma_semaphore, #tpu.memory_space<semaphore_mem>> -> memref<1x!tpu.dma_semaphore, #tpu.memory_space<semaphore_mem>>
      %dma_start3A_247 = tpu.memref_squeeze %dma_start3A_246 : memref<1x!tpu.dma_semaphore, #tpu.memory_space<semaphore_mem>> -> memref<!tpu.dma_semaphore, #tpu.memory_space<semaphore_mem>>
      tpu.enqueue_indirect_dma source(%dma_start3A_239 : memref<80x128xf32, #tpu.memory_space<vmem>>) target(%dma_start3A_245 : memref<10000x128xf32, #tpu.memory_space<vmem_shared>>) offsets(%dma_start3A_242 : memref<80xi32, #tpu.memory_space<vmem>>) semaphore(%dma_start3A_247 : memref<!tpu.dma_semaphore, #tpu.memory_space<semaphore_mem>>) {add = true}
    }
    %scan3A_85 = arith.constant 125 : i32
    %dma_wait3A = arith.constant 0 : i32
    %dma_wait3A_86 = arith.constant 0 : i32
    %dma_wait3A_87 = arith.constant 0 : i32
    %dma_wait3A_88 = arith.constant 0 : i32
    %dma_wait3A_89 = tpu.memref_slice %arg11[%dma_wait3A, %dma_wait3A_87, %dma_wait3A_88] : memref<2x80x128xf32, #tpu.memory_space<vmem>> -> memref<1x80x128xf32, #tpu.memory_space<vmem>>
    %dma_wait3A_90 = tpu.memref_squeeze %dma_wait3A_89 : memref<1x80x128xf32, #tpu.memory_space<vmem>> -> memref<80x128xf32, #tpu.memory_space<vmem>>
    %dma_wait3A_91 = arith.constant 0 : i32
    %dma_wait3A_92 = arith.constant 0 : i32
    %dma_wait3A_93 = tpu.memref_slice %arg6[%dma_wait3A_91, %dma_wait3A_92] : memref<10000x128xf32, #tpu.memory_space<hbm>> -> memref<80x128xf32, #tpu.memory_space<hbm>>
    %dma_wait3A_94 = tpu.memref_slice %arg16[%dma_wait3A_86] : memref<2x!tpu.dma_semaphore, #tpu.memory_space<semaphore_mem>> -> memref<1x!tpu.dma_semaphore, #tpu.memory_space<semaphore_mem>>
    %dma_wait3A_95 = tpu.memref_squeeze %dma_wait3A_94 : memref<1x!tpu.dma_semaphore, #tpu.memory_space<semaphore_mem>> -> memref<!tpu.dma_semaphore, #tpu.memory_space<semaphore_mem>>
    %dma_wait3A_96 = arith.constant 0 : i32
    %dma_wait3A_97 = arith.constant 0 : i32
    %dma_wait3A_98 = tpu.memref_slice %arg11[%dma_wait3A, %dma_wait3A_96, %dma_wait3A_97] : memref<2x80x128xf32, #tpu.memory_space<vmem>> -> memref<1x80x128xf32, #tpu.memory_space<vmem>>
    %dma_wait3A_99 = tpu.memref_squeeze %dma_wait3A_98 : memref<1x80x128xf32, #tpu.memory_space<vmem>> -> memref<80x128xf32, #tpu.memory_space<vmem>>
    %dma_wait3A_100 = arith.constant 0 : i32
    %dma_wait3A_101 = arith.constant 0 : i32
    %dma_wait3A_102 = tpu.memref_slice %arg6[%dma_wait3A_100, %dma_wait3A_101] : memref<10000x128xf32, #tpu.memory_space<hbm>> -> memref<80x128xf32, #tpu.memory_space<hbm>>
    tpu.wait_dma2 semaphore(%dma_wait3A_95 : memref<!tpu.dma_semaphore, #tpu.memory_space<semaphore_mem>>) src(%dma_wait3A_102 : memref<80x128xf32, #tpu.memory_space<hbm>>) dst(%dma_wait3A_99 : memref<80x128xf32, #tpu.memory_space<vmem>>)
    %dma_wait3A_103 = arith.constant 1 : i32
    %dma_wait3A_104 = arith.constant 1 : i32
    %dma_wait3A_105 = arith.constant 0 : i32
    %dma_wait3A_106 = arith.constant 0 : i32
    %dma_wait3A_107 = tpu.memref_slice %arg11[%dma_wait3A_103, %dma_wait3A_105, %dma_wait3A_106] : memref<2x80x128xf32, #tpu.memory_space<vmem>> -> memref<1x80x128xf32, #tpu.memory_space<vmem>>
    %dma_wait3A_108 = tpu.memref_squeeze %dma_wait3A_107 : memref<1x80x128xf32, #tpu.memory_space<vmem>> -> memref<80x128xf32, #tpu.memory_space<vmem>>
    %dma_wait3A_109 = arith.constant 0 : i32
    %dma_wait3A_110 = arith.constant 0 : i32
    %dma_wait3A_111 = tpu.memref_slice %arg6[%dma_wait3A_109, %dma_wait3A_110] : memref<10000x128xf32, #tpu.memory_space<hbm>> -> memref<80x128xf32, #tpu.memory_space<hbm>>
    %dma_wait3A_112 = tpu.memref_slice %arg16[%dma_wait3A_104] : memref<2x!tpu.dma_semaphore, #tpu.memory_space<semaphore_mem>> -> memref<1x!tpu.dma_semaphore, #tpu.memory_space<semaphore_mem>>
    %dma_wait3A_113 = tpu.memref_squeeze %dma_wait3A_112 : memref<1x!tpu.dma_semaphore, #tpu.memory_space<semaphore_mem>> -> memref<!tpu.dma_semaphore, #tpu.memory_space<semaphore_mem>>
    %dma_wait3A_114 = arith.constant 0 : i32
    %dma_wait3A_115 = arith.constant 0 : i32
    %dma_wait3A_116 = tpu.memref_slice %arg11[%dma_wait3A_103, %dma_wait3A_114, %dma_wait3A_115] : memref<2x80x128xf32, #tpu.memory_space<vmem>> -> memref<1x80x128xf32, #tpu.memory_space<vmem>>
    %dma_wait3A_117 = tpu.memref_squeeze %dma_wait3A_116 : memref<1x80x128xf32, #tpu.memory_space<vmem>> -> memref<80x128xf32, #tpu.memory_space<vmem>>
    %dma_wait3A_118 = arith.constant 0 : i32
    %dma_wait3A_119 = arith.constant 0 : i32
    %dma_wait3A_120 = tpu.memref_slice %arg6[%dma_wait3A_118, %dma_wait3A_119] : memref<10000x128xf32, #tpu.memory_space<hbm>> -> memref<80x128xf32, #tpu.memory_space<hbm>>
    tpu.wait_dma2 semaphore(%dma_wait3A_113 : memref<!tpu.dma_semaphore, #tpu.memory_space<semaphore_mem>>) src(%dma_wait3A_120 : memref<80x128xf32, #tpu.memory_space<hbm>>) dst(%dma_wait3A_117 : memref<80x128xf32, #tpu.memory_space<vmem>>)
    %barrier3A_121 = arith.constant 0 : index
    tpu.barrier barrier_id(%barrier3A_121)
    %mul3A_122 = arith.constant 624 : i32
    %mul3A_123 = arith.muli %arg1, %mul3A_122 : i32
    %mul3A_124 = arith.constant 624 : i32
    %mul3A_125 = arith.muli %arg1, %mul3A_124 : i32
    "tpu.region"() ({
      %run_scoped3A_131 = tpu.sem_alloc : memref<!tpu.dma_semaphore, #tpu.memory_space<semaphore_mem>>
      %dma_start3A_132 = arith.constant 0 : i32
      %dma_start3A_133 = tpu.memref_slice %arg7[%arg0, %mul3A_125, %dma_start3A_132] : memref<2x10000x128xf32, #tpu.memory_space<hbm>> -> memref<1x624x128xf32, #tpu.memory_space<hbm>>
      %dma_start3A_134 = tpu.memref_squeeze %dma_start3A_133 : memref<1x624x128xf32, #tpu.memory_space<hbm>> -> memref<624x128xf32, #tpu.memory_space<hbm>>
      %dma_start3A_135 = arith.constant 0 : i32
      %dma_start3A_136 = tpu.memref_slice %arg8[%mul3A_123, %dma_start3A_135] : memref<10000x128xf32, #tpu.memory_space<vmem_shared>> -> memref<624x128xf32, #tpu.memory_space<vmem_shared>>
      tpu.enqueue_dma source(%dma_start3A_136 : memref<624x128xf32, #tpu.memory_space<vmem_shared>>) target(%dma_start3A_134 : memref<624x128xf32, #tpu.memory_space<hbm>>) target_semaphore(%run_scoped3A_131 : memref<!tpu.dma_semaphore, #tpu.memory_space<semaphore_mem>>)
      %dma_wait3A_137 = arith.constant 0 : i32
      %dma_wait3A_138 = tpu.memref_slice %arg7[%arg0, %mul3A_125, %dma_wait3A_137] : memref<2x10000x128xf32, #tpu.memory_space<hbm>> -> memref<1x624x128xf32, #tpu.memory_space<hbm>>
      %dma_wait3A_139 = tpu.memref_squeeze %dma_wait3A_138 : memref<1x624x128xf32, #tpu.memory_space<hbm>> -> memref<624x128xf32, #tpu.memory_space<hbm>>
      %dma_wait3A_140 = arith.constant 0 : i32
      %dma_wait3A_141 = tpu.memref_slice %arg8[%mul3A_123, %dma_wait3A_140] : memref<10000x128xf32, #tpu.memory_space<vmem_shared>> -> memref<624x128xf32, #tpu.memory_space<vmem_shared>>
      tpu.wait_dma2 semaphore(%run_scoped3A_131 : memref<!tpu.dma_semaphore, #tpu.memory_space<semaphore_mem>>) src(%dma_wait3A_141 : memref<624x128xf32, #tpu.memory_space<vmem_shared>>) dst(%dma_wait3A_139 : memref<624x128xf32, #tpu.memory_space<hbm>>)
      tpu.yield
    }) : () -> ()
    %eq3A_126 = arith.constant 0 : i32
    %eq3A_127 = arith.cmpi eq, %arg1, %eq3A_126 : i32
    %convert_element_type3A_128 = arith.extui %eq3A_127 : i1 to i32
    %cond3A_129 = arith.constant 0 : i32
    %cond3A_130 = arith.cmpi ne, %convert_element_type3A_128, %cond3A_129 : i32
    scf.if %cond3A_130 {
      "tpu.region"() ({
        %run_scoped3A_131 = tpu.sem_alloc : memref<!tpu.dma_semaphore, #tpu.memory_space<semaphore_mem>>
        %dma_start3A_132 = arith.constant 9984 : i32
        %dma_start3A_133 = arith.constant 0 : i32
        %dma_start3A_134 = tpu.memref_slice %arg7[%arg0, %dma_start3A_132, %dma_start3A_133] : memref<2x10000x128xf32, #tpu.memory_space<hbm>> -> memref<1x16x128xf32, #tpu.memory_space<hbm>>
        %dma_start3A_135 = tpu.memref_squeeze %dma_start3A_134 : memref<1x16x128xf32, #tpu.memory_space<hbm>> -> memref<16x128xf32, #tpu.memory_space<hbm>>
        %dma_start3A_136 = arith.constant 9984 : i32
        %dma_start3A_137 = arith.constant 0 : i32
        %dma_start3A_138 = tpu.memref_slice %arg8[%dma_start3A_136, %dma_start3A_137] : memref<10000x128xf32, #tpu.memory_space<vmem_shared>> -> memref<16x128xf32, #tpu.memory_space<vmem_shared>>
        tpu.enqueue_dma source(%dma_start3A_138 : memref<16x128xf32, #tpu.memory_space<vmem_shared>>) target(%dma_start3A_135 : memref<16x128xf32, #tpu.memory_space<hbm>>) target_semaphore(%run_scoped3A_131 : memref<!tpu.dma_semaphore, #tpu.memory_space<semaphore_mem>>)
        %dma_wait3A_139 = arith.constant 9984 : i32
        %dma_wait3A_140 = arith.constant 0 : i32
        %dma_wait3A_141 = tpu.memref_slice %arg7[%arg0, %dma_wait3A_139, %dma_wait3A_140] : memref<2x10000x128xf32, #tpu.memory_space<hbm>> -> memref<1x16x128xf32, #tpu.memory_space<hbm>>
        %dma_wait3A_142 = tpu.memref_squeeze %dma_wait3A_141 : memref<1x16x128xf32, #tpu.memory_space<hbm>> -> memref<16x128xf32, #tpu.memory_space<hbm>>
        %dma_wait3A_143 = arith.constant 9984 : i32
        %dma_wait3A_144 = arith.constant 0 : i32
        %dma_wait3A_145 = tpu.memref_slice %arg8[%dma_wait3A_143, %dma_wait3A_144] : memref<10000x128xf32, #tpu.memory_space<vmem_shared>> -> memref<16x128xf32, #tpu.memory_space<vmem_shared>>
        tpu.wait_dma2 semaphore(%run_scoped3A_131 : memref<!tpu.dma_semaphore, #tpu.memory_space<semaphore_mem>>) src(%dma_wait3A_145 : memref<16x128xf32, #tpu.memory_space<vmem_shared>>) dst(%dma_wait3A_142 : memref<16x128xf32, #tpu.memory_space<hbm>>)
        tpu.yield
      }) : () -> ()
    } else {
    }
    return
  }
}

#map = affine_map<(d0, d1) -> (0, 0)>
#map1 = affine_map<(d0, d1) -> (0)>
#map2 = affine_map<(d0, d1) -> (0, 0, 0)>
module attributes {stable_mosaic.version = 14 : i64} {
  func.func @_sc_agg_body(%arg0: i32, %arg1: i32, %arg2: memref<10000x128xf32, #tpu.memory_space<hbm>>, %arg3: memref<320000xi32, #tpu.memory_space<hbm>>, %arg4: memref<320000xi32, #tpu.memory_space<hbm>>, %arg5: memref<320000x128xf32, #tpu.memory_space<hbm>>, %arg6: memref<10000x128xf32, #tpu.memory_space<hbm>>, %arg7: memref<2x10000x128xf32, #tpu.memory_space<hbm>>, %arg8: memref<10000x128xf32, #tpu.memory_space<vmem_shared>>, %arg9: memref<4x80xi32, #tpu.memory_space<vmem>>, %arg10: memref<4x80xi32, #tpu.memory_space<vmem>>, %arg11: memref<2x80x128xf32, #tpu.memory_space<vmem>>, %arg12: memref<2x80x128xf32, #tpu.memory_space<vmem>>, %arg13: memref<4x!tpu.dma_semaphore, #tpu.memory_space<semaphore_mem>>, %arg14: memref<2x!tpu.dma_semaphore, #tpu.memory_space<semaphore_mem>>, %arg15: memref<2x!tpu.dma_semaphore, #tpu.memory_space<semaphore_mem>>, %arg16: memref<2x!tpu.dma_semaphore, #tpu.memory_space<semaphore_mem>>) attributes {dimension_semantics = [#tpu.dimension_semantics<core_parallel>, #tpu.dimension_semantics<subcore_parallel>], iteration_bounds = array<i64: 2, 16>, scalar_prefetch = 0 : i64, scratch_operands = 9 : i64, tpu.core_type = #tpu.core_type<sc_vector_subcore>, window_params = [{transform_indices = #map}, {transform_indices = #map1}, {transform_indices = #map1}, {transform_indices = #map}, {transform_indices = #map}, {transform_indices = #map2}]} {
    %mul3A = arith.constant 2 : i32
    %mul3A_0 = arith.muli %arg1, %mul3A : i32
    %add3A = arith.addi %mul3A_0, %arg0 : i32
    %mul3A_1 = arith.constant 624 : i32
    %mul3A_2 = arith.muli %arg1, %mul3A_1 : i32
    %mul3A_3 = arith.constant 624 : i32
    %mul3A_4 = arith.muli %arg1, %mul3A_3 : i32
    "tpu.region"() ({
      %run_scoped3A_131 = tpu.sem_alloc : memref<!tpu.dma_semaphore, #tpu.memory_space<semaphore_mem>>
      %dma_start3A_132 = arith.constant 0 : i32
      %dma_start3A_133 = tpu.memref_slice %arg8[%mul3A_4, %dma_start3A_132] : memref<10000x128xf32, #tpu.memory_space<vmem_shared>> -> memref<624x128xf32, #tpu.memory_space<vmem_shared>>
      %dma_start3A_134 = arith.constant 0 : i32
      %dma_start3A_135 = tpu.memref_slice %arg6[%mul3A_2, %dma_start3A_134] : memref<10000x128xf32, #tpu.memory_space<hbm>> -> memref<624x128xf32, #tpu.memory_space<hbm>>
      tpu.enqueue_dma source(%dma_start3A_135 : memref<624x128xf32, #tpu.memory_space<hbm>>) target(%dma_start3A_133 : memref<624x128xf32, #tpu.memory_space<vmem_shared>>) target_semaphore(%run_scoped3A_131 : memref<!tpu.dma_semaphore, #tpu.memory_space<semaphore_mem>>)
      %dma_wait3A_136 = arith.constant 0 : i32
      %dma_wait3A_137 = tpu.memref_slice %arg8[%mul3A_4, %dma_wait3A_136] : memref<10000x128xf32, #tpu.memory_space<vmem_shared>> -> memref<624x128xf32, #tpu.memory_space<vmem_shared>>
      %dma_wait3A_138 = arith.constant 0 : i32
      %dma_wait3A_139 = tpu.memref_slice %arg6[%mul3A_2, %dma_wait3A_138] : memref<10000x128xf32, #tpu.memory_space<hbm>> -> memref<624x128xf32, #tpu.memory_space<hbm>>
      tpu.wait_dma2 semaphore(%run_scoped3A_131 : memref<!tpu.dma_semaphore, #tpu.memory_space<semaphore_mem>>) src(%dma_wait3A_139 : memref<624x128xf32, #tpu.memory_space<hbm>>) dst(%dma_wait3A_137 : memref<624x128xf32, #tpu.memory_space<vmem_shared>>)
      tpu.yield
    }) : () -> ()
    %eq3A = arith.constant 0 : i32
    %eq3A_5 = arith.cmpi eq, %arg1, %eq3A : i32
    %convert_element_type3A = arith.extui %eq3A_5 : i1 to i32
    %cond3A = arith.constant 0 : i32
    %cond3A_6 = arith.cmpi ne, %convert_element_type3A, %cond3A : i32
    scf.if %cond3A_6 {
      "tpu.region"() ({
        %run_scoped3A_131 = tpu.sem_alloc : memref<!tpu.dma_semaphore, #tpu.memory_space<semaphore_mem>>
        %dma_start3A_132 = arith.constant 9984 : i32
        %dma_start3A_133 = arith.constant 0 : i32
        %dma_start3A_134 = tpu.memref_slice %arg8[%dma_start3A_132, %dma_start3A_133] : memref<10000x128xf32, #tpu.memory_space<vmem_shared>> -> memref<16x128xf32, #tpu.memory_space<vmem_shared>>
        %dma_start3A_135 = arith.constant 9984 : i32
        %dma_start3A_136 = arith.constant 0 : i32
        %dma_start3A_137 = tpu.memref_slice %arg6[%dma_start3A_135, %dma_start3A_136] : memref<10000x128xf32, #tpu.memory_space<hbm>> -> memref<16x128xf32, #tpu.memory_space<hbm>>
        tpu.enqueue_dma source(%dma_start3A_137 : memref<16x128xf32, #tpu.memory_space<hbm>>) target(%dma_start3A_134 : memref<16x128xf32, #tpu.memory_space<vmem_shared>>) target_semaphore(%run_scoped3A_131 : memref<!tpu.dma_semaphore, #tpu.memory_space<semaphore_mem>>)
        %dma_wait3A_138 = arith.constant 9984 : i32
        %dma_wait3A_139 = arith.constant 0 : i32
        %dma_wait3A_140 = tpu.memref_slice %arg8[%dma_wait3A_138, %dma_wait3A_139] : memref<10000x128xf32, #tpu.memory_space<vmem_shared>> -> memref<16x128xf32, #tpu.memory_space<vmem_shared>>
        %dma_wait3A_141 = arith.constant 9984 : i32
        %dma_wait3A_142 = arith.constant 0 : i32
        %dma_wait3A_143 = tpu.memref_slice %arg6[%dma_wait3A_141, %dma_wait3A_142] : memref<10000x128xf32, #tpu.memory_space<hbm>> -> memref<16x128xf32, #tpu.memory_space<hbm>>
        tpu.wait_dma2 semaphore(%run_scoped3A_131 : memref<!tpu.dma_semaphore, #tpu.memory_space<semaphore_mem>>) src(%dma_wait3A_143 : memref<16x128xf32, #tpu.memory_space<hbm>>) dst(%dma_wait3A_140 : memref<16x128xf32, #tpu.memory_space<vmem_shared>>)
        tpu.yield
      }) : () -> ()
    } else {
    }
    %barrier3A = arith.constant 0 : index
    tpu.barrier barrier_id(%barrier3A)
    %mul3A_7 = arith.constant 10000 : i32
    %mul3A_8 = arith.muli %add3A, %mul3A_7 : i32
    %add3A_9 = arith.constant 0 : i32
    %add3A_10 = arith.addi %mul3A_8, %add3A_9 : i32
    %multiple_of3A = tpu.assume_multiple %add3A_10, 8 : i32
    %run_scoped3A = arith.constant 0 : i32
    "tpu.region"() ({
      %run_scoped3A_131 = tpu.sem_alloc : memref<!tpu.dma_semaphore, #tpu.memory_space<semaphore_mem>>
      %dma_start3A_132 = arith.constant 0 : i32
      %dma_start3A_133 = tpu.memref_slice %arg9[%run_scoped3A, %dma_start3A_132] : memref<4x80xi32, #tpu.memory_space<vmem>> -> memref<1x80xi32, #tpu.memory_space<vmem>>
      %dma_start3A_134 = tpu.memref_squeeze %dma_start3A_133 : memref<1x80xi32, #tpu.memory_space<vmem>> -> memref<80xi32, #tpu.memory_space<vmem>>
      %dma_start3A_135 = tpu.memref_slice %arg3[%multiple_of3A] : memref<320000xi32, #tpu.memory_space<hbm>> -> memref<80xi32, #tpu.memory_space<hbm>>
      %dma_start3A_136 = arith.constant 0 : i32
      %dma_start3A_137 = tpu.memref_slice %arg9[%run_scoped3A, %dma_start3A_136] : memref<4x80xi32, #tpu.memory_space<vmem>> -> memref<1x80xi32, #tpu.memory_space<vmem>>
      %dma_start3A_138 = tpu.memref_squeeze %dma_start3A_137 : memref<1x80xi32, #tpu.memory_space<vmem>> -> memref<80xi32, #tpu.memory_space<vmem>>
      %dma_start3A_139 = tpu.memref_slice %arg3[%multiple_of3A] : memref<320000xi32, #tpu.memory_space<hbm>> -> memref<80xi32, #tpu.memory_space<hbm>>
      tpu.enqueue_dma source(%dma_start3A_139 : memref<80xi32, #tpu.memory_space<hbm>>) target(%dma_start3A_138 : memref<80xi32, #tpu.memory_space<vmem>>) target_semaphore(%run_scoped3A_131 : memref<!tpu.dma_semaphore, #tpu.memory_space<semaphore_mem>>)
      %dma_wait3A_140 = arith.constant 0 : i32
      %dma_wait3A_141 = tpu.memref_slice %arg9[%run_scoped3A, %dma_wait3A_140] : memref<4x80xi32, #tpu.memory_space<vmem>> -> memref<1x80xi32, #tpu.memory_space<vmem>>
      %dma_wait3A_142 = tpu.memref_squeeze %dma_wait3A_141 : memref<1x80xi32, #tpu.memory_space<vmem>> -> memref<80xi32, #tpu.memory_space<vmem>>
      %dma_wait3A_143 = tpu.memref_slice %arg3[%multiple_of3A] : memref<320000xi32, #tpu.memory_space<hbm>> -> memref<80xi32, #tpu.memory_space<hbm>>
      %dma_wait3A_144 = arith.constant 0 : i32
      %dma_wait3A_145 = tpu.memref_slice %arg9[%run_scoped3A, %dma_wait3A_144] : memref<4x80xi32, #tpu.memory_space<vmem>> -> memref<1x80xi32, #tpu.memory_space<vmem>>
      %dma_wait3A_146 = tpu.memref_squeeze %dma_wait3A_145 : memref<1x80xi32, #tpu.memory_space<vmem>> -> memref<80xi32, #tpu.memory_space<vmem>>
      %dma_wait3A_147 = tpu.memref_slice %arg3[%multiple_of3A] : memref<320000xi32, #tpu.memory_space<hbm>> -> memref<80xi32, #tpu.memory_space<hbm>>
      tpu.wait_dma2 semaphore(%run_scoped3A_131 : memref<!tpu.dma_semaphore, #tpu.memory_space<semaphore_mem>>) src(%dma_wait3A_147 : memref<80xi32, #tpu.memory_space<hbm>>) dst(%dma_wait3A_146 : memref<80xi32, #tpu.memory_space<vmem>>)
      tpu.yield
    }) : () -> ()
    %mul3A_11 = arith.constant 10000 : i32
    %mul3A_12 = arith.muli %add3A, %mul3A_11 : i32
    %add3A_13 = arith.constant 0 : i32
    %add3A_14 = arith.addi %mul3A_12, %add3A_13 : i32
    %multiple_of3A_15 = tpu.assume_multiple %add3A_14, 8 : i32
    %run_scoped3A_16 = arith.constant 0 : i32
    "tpu.region"() ({
      %run_scoped3A_131 = tpu.sem_alloc : memref<!tpu.dma_semaphore, #tpu.memory_space<semaphore_mem>>
      %dma_start3A_132 = arith.constant 0 : i32
      %dma_start3A_133 = tpu.memref_slice %arg10[%run_scoped3A_16, %dma_start3A_132] : memref<4x80xi32, #tpu.memory_space<vmem>> -> memref<1x80xi32, #tpu.memory_space<vmem>>
      %dma_start3A_134 = tpu.memref_squeeze %dma_start3A_133 : memref<1x80xi32, #tpu.memory_space<vmem>> -> memref<80xi32, #tpu.memory_space<vmem>>
      %dma_start3A_135 = tpu.memref_slice %arg4[%multiple_of3A_15] : memref<320000xi32, #tpu.memory_space<hbm>> -> memref<80xi32, #tpu.memory_space<hbm>>
      %dma_start3A_136 = arith.constant 0 : i32
      %dma_start3A_137 = tpu.memref_slice %arg10[%run_scoped3A_16, %dma_start3A_136] : memref<4x80xi32, #tpu.memory_space<vmem>> -> memref<1x80xi32, #tpu.memory_space<vmem>>
      %dma_start3A_138 = tpu.memref_squeeze %dma_start3A_137 : memref<1x80xi32, #tpu.memory_space<vmem>> -> memref<80xi32, #tpu.memory_space<vmem>>
      %dma_start3A_139 = tpu.memref_slice %arg4[%multiple_of3A_15] : memref<320000xi32, #tpu.memory_space<hbm>> -> memref<80xi32, #tpu.memory_space<hbm>>
      tpu.enqueue_dma source(%dma_start3A_139 : memref<80xi32, #tpu.memory_space<hbm>>) target(%dma_start3A_138 : memref<80xi32, #tpu.memory_space<vmem>>) target_semaphore(%run_scoped3A_131 : memref<!tpu.dma_semaphore, #tpu.memory_space<semaphore_mem>>)
      %dma_wait3A_140 = arith.constant 0 : i32
      %dma_wait3A_141 = tpu.memref_slice %arg10[%run_scoped3A_16, %dma_wait3A_140] : memref<4x80xi32, #tpu.memory_space<vmem>> -> memref<1x80xi32, #tpu.memory_space<vmem>>
      %dma_wait3A_142 = tpu.memref_squeeze %dma_wait3A_141 : memref<1x80xi32, #tpu.memory_space<vmem>> -> memref<80xi32, #tpu.memory_space<vmem>>
      %dma_wait3A_143 = tpu.memref_slice %arg4[%multiple_of3A_15] : memref<320000xi32, #tpu.memory_space<hbm>> -> memref<80xi32, #tpu.memory_space<hbm>>
      %dma_wait3A_144 = arith.constant 0 : i32
      %dma_wait3A_145 = tpu.memref_slice %arg10[%run_scoped3A_16, %dma_wait3A_144] : memref<4x80xi32, #tpu.memory_space<vmem>> -> memref<1x80xi32, #tpu.memory_space<vmem>>
      %dma_wait3A_146 = tpu.memref_squeeze %dma_wait3A_145 : memref<1x80xi32, #tpu.memory_space<vmem>> -> memref<80xi32, #tpu.memory_space<vmem>>
      %dma_wait3A_147 = tpu.memref_slice %arg4[%multiple_of3A_15] : memref<320000xi32, #tpu.memory_space<hbm>> -> memref<80xi32, #tpu.memory_space<hbm>>
      tpu.wait_dma2 semaphore(%run_scoped3A_131 : memref<!tpu.dma_semaphore, #tpu.memory_space<semaphore_mem>>) src(%dma_wait3A_147 : memref<80xi32, #tpu.memory_space<hbm>>) dst(%dma_wait3A_146 : memref<80xi32, #tpu.memory_space<vmem>>)
      tpu.yield
    }) : () -> ()
    %mul3A_17 = arith.constant 10000 : i32
    %mul3A_18 = arith.muli %add3A, %mul3A_17 : i32
    %add3A_19 = arith.constant 80 : i32
    %add3A_20 = arith.addi %mul3A_18, %add3A_19 : i32
    %multiple_of3A_21 = tpu.assume_multiple %add3A_20, 8 : i32
    %dma_start3A = arith.constant 1 : i32
    %dma_start3A_22 = arith.constant 1 : i32
    %dma_start3A_23 = arith.constant 0 : i32
    %dma_start3A_24 = tpu.memref_slice %arg9[%dma_start3A, %dma_start3A_23] : memref<4x80xi32, #tpu.memory_space<vmem>> -> memref<1x80xi32, #tpu.memory_space<vmem>>
    %dma_start3A_25 = tpu.memref_squeeze %dma_start3A_24 : memref<1x80xi32, #tpu.memory_space<vmem>> -> memref<80xi32, #tpu.memory_space<vmem>>
    %dma_start3A_26 = tpu.memref_slice %arg3[%multiple_of3A_21] : memref<320000xi32, #tpu.memory_space<hbm>> -> memref<80xi32, #tpu.memory_space<hbm>>
    %dma_start3A_27 = tpu.memref_slice %arg13[%dma_start3A_22] : memref<4x!tpu.dma_semaphore, #tpu.memory_space<semaphore_mem>> -> memref<1x!tpu.dma_semaphore, #tpu.memory_space<semaphore_mem>>
    %dma_start3A_28 = tpu.memref_squeeze %dma_start3A_27 : memref<1x!tpu.dma_semaphore, #tpu.memory_space<semaphore_mem>> -> memref<!tpu.dma_semaphore, #tpu.memory_space<semaphore_mem>>
    %dma_start3A_29 = arith.constant 0 : i32
    %dma_start3A_30 = tpu.memref_slice %arg9[%dma_start3A, %dma_start3A_29] : memref<4x80xi32, #tpu.memory_space<vmem>> -> memref<1x80xi32, #tpu.memory_space<vmem>>
    %dma_start3A_31 = tpu.memref_squeeze %dma_start3A_30 : memref<1x80xi32, #tpu.memory_space<vmem>> -> memref<80xi32, #tpu.memory_space<vmem>>
    %dma_start3A_32 = tpu.memref_slice %arg3[%multiple_of3A_21] : memref<320000xi32, #tpu.memory_space<hbm>> -> memref<80xi32, #tpu.memory_space<hbm>>
    tpu.enqueue_dma source(%dma_start3A_32 : memref<80xi32, #tpu.memory_space<hbm>>) target(%dma_start3A_31 : memref<80xi32, #tpu.memory_space<vmem>>) target_semaphore(%dma_start3A_28 : memref<!tpu.dma_semaphore, #tpu.memory_space<semaphore_mem>>)
    %dma_start3A_33 = arith.constant 1 : i32
    %dma_start3A_34 = arith.constant 1 : i32
    %dma_start3A_35 = arith.constant 0 : i32
    %dma_start3A_36 = tpu.memref_slice %arg10[%dma_start3A_33, %dma_start3A_35] : memref<4x80xi32, #tpu.memory_space<vmem>> -> memref<1x80xi32, #tpu.memory_space<vmem>>
    %dma_start3A_37 = tpu.memref_squeeze %dma_start3A_36 : memref<1x80xi32, #tpu.memory_space<vmem>> -> memref<80xi32, #tpu.memory_space<vmem>>
    %dma_start3A_38 = tpu.memref_slice %arg4[%multiple_of3A_21] : memref<320000xi32, #tpu.memory_space<hbm>> -> memref<80xi32, #tpu.memory_space<hbm>>
    %dma_start3A_39 = tpu.memref_slice %arg13[%dma_start3A_34] : memref<4x!tpu.dma_semaphore, #tpu.memory_space<semaphore_mem>> -> memref<1x!tpu.dma_semaphore, #tpu.memory_space<semaphore_mem>>
    %dma_start3A_40 = tpu.memref_squeeze %dma_start3A_39 : memref<1x!tpu.dma_semaphore, #tpu.memory_space<semaphore_mem>> -> memref<!tpu.dma_semaphore, #tpu.memory_space<semaphore_mem>>
    %dma_start3A_41 = arith.constant 0 : i32
    %dma_start3A_42 = tpu.memref_slice %arg10[%dma_start3A_33, %dma_start3A_41] : memref<4x80xi32, #tpu.memory_space<vmem>> -> memref<1x80xi32, #tpu.memory_space<vmem>>
    %dma_start3A_43 = tpu.memref_squeeze %dma_start3A_42 : memref<1x80xi32, #tpu.memory_space<vmem>> -> memref<80xi32, #tpu.memory_space<vmem>>
    %dma_start3A_44 = tpu.memref_slice %arg4[%multiple_of3A_21] : memref<320000xi32, #tpu.memory_space<hbm>> -> memref<80xi32, #tpu.memory_space<hbm>>
    tpu.enqueue_dma source(%dma_start3A_44 : memref<80xi32, #tpu.memory_space<hbm>>) target(%dma_start3A_43 : memref<80xi32, #tpu.memory_space<vmem>>) target_semaphore(%dma_start3A_40 : memref<!tpu.dma_semaphore, #tpu.memory_space<semaphore_mem>>)
    %dma_start3A_45 = arith.constant 0 : i32
    %dma_start3A_46 = arith.constant 0 : i32
    %dma_start3A_47 = arith.constant 0 : i32
    %dma_start3A_48 = arith.constant 0 : i32
    %dma_start3A_49 = arith.constant 0 : i32
    %dma_start3A_50 = tpu.memref_slice %arg11[%dma_start3A_46, %dma_start3A_48, %dma_start3A_49] : memref<2x80x128xf32, #tpu.memory_space<vmem>> -> memref<1x80x128xf32, #tpu.memory_space<vmem>>
    %dma_start3A_51 = tpu.memref_squeeze %dma_start3A_50 : memref<1x80x128xf32, #tpu.memory_space<vmem>> -> memref<80x128xf32, #tpu.memory_space<vmem>>
    %dma_start3A_52 = arith.constant 0 : i32
    %dma_start3A_53 = tpu.memref_slice %arg9[%dma_start3A_45, %dma_start3A_52] : memref<4x80xi32, #tpu.memory_space<vmem>> -> memref<1x80xi32, #tpu.memory_space<vmem>>
    %dma_start3A_54 = tpu.memref_squeeze %dma_start3A_53 : memref<1x80xi32, #tpu.memory_space<vmem>> -> memref<80xi32, #tpu.memory_space<vmem>>
    %dma_start3A_55 = arith.constant 0 : i32
    %dma_start3A_56 = arith.constant 0 : i32
    %dma_start3A_57 = tpu.memref_slice %arg2[%dma_start3A_55, %dma_start3A_56] : memref<10000x128xf32, #tpu.memory_space<hbm>> -> memref<10000x128xf32, #tpu.memory_space<hbm>>
    %dma_start3A_58 = tpu.memref_slice %arg14[%dma_start3A_47] : memref<2x!tpu.dma_semaphore, #tpu.memory_space<semaphore_mem>> -> memref<1x!tpu.dma_semaphore, #tpu.memory_space<semaphore_mem>>
    %dma_start3A_59 = tpu.memref_squeeze %dma_start3A_58 : memref<1x!tpu.dma_semaphore, #tpu.memory_space<semaphore_mem>> -> memref<!tpu.dma_semaphore, #tpu.memory_space<semaphore_mem>>
    tpu.enqueue_indirect_dma source(%dma_start3A_57 : memref<10000x128xf32, #tpu.memory_space<hbm>>) target(%dma_start3A_51 : memref<80x128xf32, #tpu.memory_space<vmem>>) offsets(%dma_start3A_54 : memref<80xi32, #tpu.memory_space<vmem>>) semaphore(%dma_start3A_59 : memref<!tpu.dma_semaphore, #tpu.memory_space<semaphore_mem>>)
    %mul3A_60 = arith.constant 10000 : i32
    %mul3A_61 = arith.muli %add3A, %mul3A_60 : i32
    %add3A_62 = arith.constant 0 : i32
    %add3A_63 = arith.addi %mul3A_61, %add3A_62 : i32
    %multiple_of3A_64 = tpu.assume_multiple %add3A_63, 8 : i32
    %dma_start3A_65 = arith.constant 0 : i32
    %dma_start3A_66 = arith.constant 0 : i32
    %dma_start3A_67 = arith.constant 0 : i32
    %dma_start3A_68 = arith.constant 0 : i32
    %dma_start3A_69 = tpu.memref_slice %arg12[%dma_start3A_65, %dma_start3A_67, %dma_start3A_68] : memref<2x80x128xf32, #tpu.memory_space<vmem>> -> memref<1x80x128xf32, #tpu.memory_space<vmem>>
    %dma_start3A_70 = tpu.memref_squeeze %dma_start3A_69 : memref<1x80x128xf32, #tpu.memory_space<vmem>> -> memref<80x128xf32, #tpu.memory_space<vmem>>
    %dma_start3A_71 = arith.constant 0 : i32
    %dma_start3A_72 = tpu.memref_slice %arg5[%multiple_of3A_64, %dma_start3A_71] : memref<320000x128xf32, #tpu.memory_space<hbm>> -> memref<80x128xf32, #tpu.memory_space<hbm>>
    %dma_start3A_73 = tpu.memref_slice %arg15[%dma_start3A_66] : memref<2x!tpu.dma_semaphore, #tpu.memory_space<semaphore_mem>> -> memref<1x!tpu.dma_semaphore, #tpu.memory_space<semaphore_mem>>
    %dma_start3A_74 = tpu.memref_squeeze %dma_start3A_73 : memref<1x!tpu.dma_semaphore, #tpu.memory_space<semaphore_mem>> -> memref<!tpu.dma_semaphore, #tpu.memory_space<semaphore_mem>>
    %dma_start3A_75 = arith.constant 0 : i32
    %dma_start3A_76 = arith.constant 0 : i32
    %dma_start3A_77 = tpu.memref_slice %arg12[%dma_start3A_65, %dma_start3A_75, %dma_start3A_76] : memref<2x80x128xf32, #tpu.memory_space<vmem>> -> memref<1x80x128xf32, #tpu.memory_space<vmem>>
    %dma_start3A_78 = tpu.memref_squeeze %dma_start3A_77 : memref<1x80x128xf32, #tpu.memory_space<vmem>> -> memref<80x128xf32, #tpu.memory_space<vmem>>
    %dma_start3A_79 = arith.constant 0 : i32
    %dma_start3A_80 = tpu.memref_slice %arg5[%multiple_of3A_64, %dma_start3A_79] : memref<320000x128xf32, #tpu.memory_space<hbm>> -> memref<80x128xf32, #tpu.memory_space<hbm>>
    tpu.enqueue_dma source(%dma_start3A_80 : memref<80x128xf32, #tpu.memory_space<hbm>>) target(%dma_start3A_78 : memref<80x128xf32, #tpu.memory_space<vmem>>) target_semaphore(%dma_start3A_74 : memref<!tpu.dma_semaphore, #tpu.memory_space<semaphore_mem>>)
    %scan3A = arith.constant 0 : i32
    %scan3A_81 = arith.constant 0 : i32
    %scan3A_82 = arith.constant 125 : i32
    %scan3A_83 = arith.addi %scan3A_81, %scan3A_82 : i32
    %scan3A_84 = arith.constant 1 : i32
    scf.for %scan3A_131 = %scan3A_81 to %scan3A_83 step %scan3A_84  : i32 {
      %jit3A = arith.constant 2 : i32
      %eq3A_132 = arith.constant 0 : i32
      %eq3A_133 = arith.cmpi eq, %jit3A, %eq3A_132 : i32
      %jit3A_134 = arith.constant 1 : i32
      %select_n3A = arith.select %eq3A_133, %jit3A_134, %jit3A : i32
      %rem3A = arith.remsi %scan3A_131, %select_n3A : i32
      %ne3A = arith.constant 0 : i32
      %ne3A_135 = arith.cmpi ne, %rem3A, %ne3A : i32
      %lt3A = arith.constant 0 : i32
      %lt3A_136 = arith.cmpi slt, %rem3A, %lt3A : i32
      %lt3A_137 = arith.constant 0 : i32
      %lt3A_138 = arith.cmpi slt, %select_n3A, %lt3A_137 : i32
      %ne3A_139 = arith.xori %lt3A_136, %lt3A_138 : i1
      %and3A = arith.andi %ne3A_139, %ne3A_135 : i1
      %add3A_140 = arith.addi %rem3A, %select_n3A : i32
      %select_n3A_141 = arith.select %and3A, %add3A_140, %rem3A : i32
      %add3A_142 = arith.constant 1 : i32
      %add3A_143 = arith.addi %scan3A_131, %add3A_142 : i32
      %jit3A_144 = arith.constant 2 : i32
      %eq3A_145 = arith.constant 0 : i32
      %eq3A_146 = arith.cmpi eq, %jit3A_144, %eq3A_145 : i32
      %jit3A_147 = arith.constant 1 : i32
      %select_n3A_148 = arith.select %eq3A_146, %jit3A_147, %jit3A_144 : i32
      %rem3A_149 = arith.remsi %add3A_143, %select_n3A_148 : i32
      %ne3A_150 = arith.constant 0 : i32
      %ne3A_151 = arith.cmpi ne, %rem3A_149, %ne3A_150 : i32
      %lt3A_152 = arith.constant 0 : i32
      %lt3A_153 = arith.cmpi slt, %rem3A_149, %lt3A_152 : i32
      %lt3A_154 = arith.constant 0 : i32
      %lt3A_155 = arith.cmpi slt, %select_n3A_148, %lt3A_154 : i32
      %ne3A_156 = arith.xori %lt3A_153, %lt3A_155 : i1
      %and3A_157 = arith.andi %ne3A_156, %ne3A_151 : i1
      %add3A_158 = arith.addi %rem3A_149, %select_n3A_148 : i32
      %select_n3A_159 = arith.select %and3A_157, %add3A_158, %rem3A_149 : i32
      %lt3A_160 = arith.constant 124 : i32
      %lt3A_161 = arith.cmpi slt, %scan3A_131, %lt3A_160 : i32
      %convert_element_type3A_162 = arith.extui %lt3A_161 : i1 to i32
      %cond3A_163 = arith.constant 0 : i32
      %cond3A_164 = arith.cmpi ne, %convert_element_type3A_162, %cond3A_163 : i32
      scf.if %cond3A_164 {
        %add3A_248 = arith.constant 1 : i32
        %add3A_249 = arith.addi %scan3A_131, %add3A_248 : i32
        %add3A_250 = arith.constant 1 : i32
        %add3A_251 = arith.addi %scan3A_131, %add3A_250 : i32
        %jit3A_252 = arith.constant 4 : i32
        %eq3A_253 = arith.constant 0 : i32
        %eq3A_254 = arith.cmpi eq, %jit3A_252, %eq3A_253 : i32
        %jit3A_255 = arith.constant 1 : i32
        %select_n3A_256 = arith.select %eq3A_254, %jit3A_255, %jit3A_252 : i32
        %rem3A_257 = arith.remsi %add3A_251, %select_n3A_256 : i32
        %ne3A_258 = arith.constant 0 : i32
        %ne3A_259 = arith.cmpi ne, %rem3A_257, %ne3A_258 : i32
        %lt3A_260 = arith.constant 0 : i32
        %lt3A_261 = arith.cmpi slt, %rem3A_257, %lt3A_260 : i32
        %lt3A_262 = arith.constant 0 : i32
        %lt3A_263 = arith.cmpi slt, %select_n3A_256, %lt3A_262 : i32
        %ne3A_264 = arith.xori %lt3A_261, %lt3A_263 : i1
        %and3A_265 = arith.andi %ne3A_264, %ne3A_259 : i1
        %add3A_266 = arith.addi %rem3A_257, %select_n3A_256 : i32
        %select_n3A_267 = arith.select %and3A_265, %add3A_266, %rem3A_257 : i32
        %mul3A_268 = arith.constant 10000 : i32
        %mul3A_269 = arith.muli %add3A, %mul3A_268 : i32
        %mul3A_270 = arith.constant 80 : i32
        %mul3A_271 = arith.muli %add3A_249, %mul3A_270 : i32
        %add3A_272 = arith.addi %mul3A_269, %mul3A_271 : i32
        %multiple_of3A_273 = tpu.assume_multiple %add3A_272, 8 : i32
        %dma_wait3A_274 = arith.constant 0 : i32
        %dma_wait3A_275 = tpu.memref_slice %arg9[%select_n3A_267, %dma_wait3A_274] : memref<4x80xi32, #tpu.memory_space<vmem>> -> memref<1x80xi32, #tpu.memory_space<vmem>>
        %dma_wait3A_276 = tpu.memref_squeeze %dma_wait3A_275 : memref<1x80xi32, #tpu.memory_space<vmem>> -> memref<80xi32, #tpu.memory_space<vmem>>
        %dma_wait3A_277 = tpu.memref_slice %arg3[%multiple_of3A_273] : memref<320000xi32, #tpu.memory_space<hbm>> -> memref<80xi32, #tpu.memory_space<hbm>>
        %dma_wait3A_278 = tpu.memref_slice %arg13[%select_n3A_267] : memref<4x!tpu.dma_semaphore, #tpu.memory_space<semaphore_mem>> -> memref<1x!tpu.dma_semaphore, #tpu.memory_space<semaphore_mem>>
        %dma_wait3A_279 = tpu.memref_squeeze %dma_wait3A_278 : memref<1x!tpu.dma_semaphore, #tpu.memory_space<semaphore_mem>> -> memref<!tpu.dma_semaphore, #tpu.memory_space<semaphore_mem>>
        %dma_wait3A_280 = arith.constant 0 : i32
        %dma_wait3A_281 = tpu.memref_slice %arg9[%select_n3A_267, %dma_wait3A_280] : memref<4x80xi32, #tpu.memory_space<vmem>> -> memref<1x80xi32, #tpu.memory_space<vmem>>
        %dma_wait3A_282 = tpu.memref_squeeze %dma_wait3A_281 : memref<1x80xi32, #tpu.memory_space<vmem>> -> memref<80xi32, #tpu.memory_space<vmem>>
        %dma_wait3A_283 = tpu.memref_slice %arg3[%multiple_of3A_273] : memref<320000xi32, #tpu.memory_space<hbm>> -> memref<80xi32, #tpu.memory_space<hbm>>
        tpu.wait_dma2 semaphore(%dma_wait3A_279 : memref<!tpu.dma_semaphore, #tpu.memory_space<semaphore_mem>>) src(%dma_wait3A_283 : memref<80xi32, #tpu.memory_space<hbm>>) dst(%dma_wait3A_282 : memref<80xi32, #tpu.memory_space<vmem>>)
        %dma_wait3A_284 = arith.constant 0 : i32
        %dma_wait3A_285 = tpu.memref_slice %arg10[%select_n3A_267, %dma_wait3A_284] : memref<4x80xi32, #tpu.memory_space<vmem>> -> memref<1x80xi32, #tpu.memory_space<vmem>>
        %dma_wait3A_286 = tpu.memref_squeeze %dma_wait3A_285 : memref<1x80xi32, #tpu.memory_space<vmem>> -> memref<80xi32, #tpu.memory_space<vmem>>
        %dma_wait3A_287 = tpu.memref_slice %arg4[%multiple_of3A_273] : memref<320000xi32, #tpu.memory_space<hbm>> -> memref<80xi32, #tpu.memory_space<hbm>>
        %dma_wait3A_288 = tpu.memref_slice %arg13[%select_n3A_267] : memref<4x!tpu.dma_semaphore, #tpu.memory_space<semaphore_mem>> -> memref<1x!tpu.dma_semaphore, #tpu.memory_space<semaphore_mem>>
        %dma_wait3A_289 = tpu.memref_squeeze %dma_wait3A_288 : memref<1x!tpu.dma_semaphore, #tpu.memory_space<semaphore_mem>> -> memref<!tpu.dma_semaphore, #tpu.memory_space<semaphore_mem>>
        %dma_wait3A_290 = arith.constant 0 : i32
        %dma_wait3A_291 = tpu.memref_slice %arg10[%select_n3A_267, %dma_wait3A_290] : memref<4x80xi32, #tpu.memory_space<vmem>> -> memref<1x80xi32, #tpu.memory_space<vmem>>
        %dma_wait3A_292 = tpu.memref_squeeze %dma_wait3A_291 : memref<1x80xi32, #tpu.memory_space<vmem>> -> memref<80xi32, #tpu.memory_space<vmem>>
        %dma_wait3A_293 = tpu.memref_slice %arg4[%multiple_of3A_273] : memref<320000xi32, #tpu.memory_space<hbm>> -> memref<80xi32, #tpu.memory_space<hbm>>
        tpu.wait_dma2 semaphore(%dma_wait3A_289 : memref<!tpu.dma_semaphore, #tpu.memory_space<semaphore_mem>>) src(%dma_wait3A_293 : memref<80xi32, #tpu.memory_space<hbm>>) dst(%dma_wait3A_292 : memref<80xi32, #tpu.memory_space<vmem>>)
        %ge3A = arith.constant 1 : i32
        %ge3A_294 = arith.cmpi sge, %scan3A_131, %ge3A : i32
        %convert_element_type3A_295 = arith.extui %ge3A_294 : i1 to i32
        %cond3A_296 = arith.constant 0 : i32
        %cond3A_297 = arith.cmpi ne, %convert_element_type3A_295, %cond3A_296 : i32
        scf.if %cond3A_297 {
          %dma_wait3A_350 = arith.constant 0 : i32
          %dma_wait3A_351 = arith.constant 0 : i32
          %dma_wait3A_352 = tpu.memref_slice %arg11[%select_n3A_159, %dma_wait3A_350, %dma_wait3A_351] : memref<2x80x128xf32, #tpu.memory_space<vmem>> -> memref<1x80x128xf32, #tpu.memory_space<vmem>>
          %dma_wait3A_353 = tpu.memref_squeeze %dma_wait3A_352 : memref<1x80x128xf32, #tpu.memory_space<vmem>> -> memref<80x128xf32, #tpu.memory_space<vmem>>
          %dma_wait3A_354 = arith.constant 0 : i32
          %dma_wait3A_355 = arith.constant 0 : i32
          %dma_wait3A_356 = tpu.memref_slice %arg6[%dma_wait3A_354, %dma_wait3A_355] : memref<10000x128xf32, #tpu.memory_space<hbm>> -> memref<80x128xf32, #tpu.memory_space<hbm>>
          %dma_wait3A_357 = tpu.memref_slice %arg16[%select_n3A_159] : memref<2x!tpu.dma_semaphore, #tpu.memory_space<semaphore_mem>> -> memref<1x!tpu.dma_semaphore, #tpu.memory_space<semaphore_mem>>
          %dma_wait3A_358 = tpu.memref_squeeze %dma_wait3A_357 : memref<1x!tpu.dma_semaphore, #tpu.memory_space<semaphore_mem>> -> memref<!tpu.dma_semaphore, #tpu.memory_space<semaphore_mem>>
          %dma_wait3A_359 = arith.constant 0 : i32
          %dma_wait3A_360 = arith.constant 0 : i32
          %dma_wait3A_361 = tpu.memref_slice %arg11[%select_n3A_159, %dma_wait3A_359, %dma_wait3A_360] : memref<2x80x128xf32, #tpu.memory_space<vmem>> -> memref<1x80x128xf32, #tpu.memory_space<vmem>>
          %dma_wait3A_362 = tpu.memref_squeeze %dma_wait3A_361 : memref<1x80x128xf32, #tpu.memory_space<vmem>> -> memref<80x128xf32, #tpu.memory_space<vmem>>
          %dma_wait3A_363 = arith.constant 0 : i32
          %dma_wait3A_364 = arith.constant 0 : i32
          %dma_wait3A_365 = tpu.memref_slice %arg6[%dma_wait3A_363, %dma_wait3A_364] : memref<10000x128xf32, #tpu.memory_space<hbm>> -> memref<80x128xf32, #tpu.memory_space<hbm>>
          tpu.wait_dma2 semaphore(%dma_wait3A_358 : memref<!tpu.dma_semaphore, #tpu.memory_space<semaphore_mem>>) src(%dma_wait3A_365 : memref<80x128xf32, #tpu.memory_space<hbm>>) dst(%dma_wait3A_362 : memref<80x128xf32, #tpu.memory_space<vmem>>)
        } else {
        }
        %add3A_298 = arith.constant 1 : i32
        %add3A_299 = arith.addi %scan3A_131, %add3A_298 : i32
        %add3A_300 = arith.constant 1 : i32
        %add3A_301 = arith.addi %scan3A_131, %add3A_300 : i32
        %jit3A_302 = arith.constant 4 : i32
        %eq3A_303 = arith.constant 0 : i32
        %eq3A_304 = arith.cmpi eq, %jit3A_302, %eq3A_303 : i32
        %jit3A_305 = arith.constant 1 : i32
        %select_n3A_306 = arith.select %eq3A_304, %jit3A_305, %jit3A_302 : i32
        %rem3A_307 = arith.remsi %add3A_301, %select_n3A_306 : i32
        %ne3A_308 = arith.constant 0 : i32
        %ne3A_309 = arith.cmpi ne, %rem3A_307, %ne3A_308 : i32
        %lt3A_310 = arith.constant 0 : i32
        %lt3A_311 = arith.cmpi slt, %rem3A_307, %lt3A_310 : i32
        %lt3A_312 = arith.constant 0 : i32
        %lt3A_313 = arith.cmpi slt, %select_n3A_306, %lt3A_312 : i32
        %ne3A_314 = arith.xori %lt3A_311, %lt3A_313 : i1
        %and3A_315 = arith.andi %ne3A_314, %ne3A_309 : i1
        %add3A_316 = arith.addi %rem3A_307, %select_n3A_306 : i32
        %select_n3A_317 = arith.select %and3A_315, %add3A_316, %rem3A_307 : i32
        %dma_start3A_318 = arith.constant 0 : i32
        %dma_start3A_319 = arith.constant 0 : i32
        %dma_start3A_320 = tpu.memref_slice %arg11[%select_n3A_159, %dma_start3A_318, %dma_start3A_319] : memref<2x80x128xf32, #tpu.memory_space<vmem>> -> memref<1x80x128xf32, #tpu.memory_space<vmem>>
        %dma_start3A_321 = tpu.memref_squeeze %dma_start3A_320 : memref<1x80x128xf32, #tpu.memory_space<vmem>> -> memref<80x128xf32, #tpu.memory_space<vmem>>
        %dma_start3A_322 = arith.constant 0 : i32
        %dma_start3A_323 = tpu.memref_slice %arg9[%select_n3A_317, %dma_start3A_322] : memref<4x80xi32, #tpu.memory_space<vmem>> -> memref<1x80xi32, #tpu.memory_space<vmem>>
        %dma_start3A_324 = tpu.memref_squeeze %dma_start3A_323 : memref<1x80xi32, #tpu.memory_space<vmem>> -> memref<80xi32, #tpu.memory_space<vmem>>
        %dma_start3A_325 = arith.constant 0 : i32
        %dma_start3A_326 = arith.constant 0 : i32
        %dma_start3A_327 = tpu.memref_slice %arg2[%dma_start3A_325, %dma_start3A_326] : memref<10000x128xf32, #tpu.memory_space<hbm>> -> memref<10000x128xf32, #tpu.memory_space<hbm>>
        %dma_start3A_328 = tpu.memref_slice %arg14[%select_n3A_159] : memref<2x!tpu.dma_semaphore, #tpu.memory_space<semaphore_mem>> -> memref<1x!tpu.dma_semaphore, #tpu.memory_space<semaphore_mem>>
        %dma_start3A_329 = tpu.memref_squeeze %dma_start3A_328 : memref<1x!tpu.dma_semaphore, #tpu.memory_space<semaphore_mem>> -> memref<!tpu.dma_semaphore, #tpu.memory_space<semaphore_mem>>
        tpu.enqueue_indirect_dma source(%dma_start3A_327 : memref<10000x128xf32, #tpu.memory_space<hbm>>) target(%dma_start3A_321 : memref<80x128xf32, #tpu.memory_space<vmem>>) offsets(%dma_start3A_324 : memref<80xi32, #tpu.memory_space<vmem>>) semaphore(%dma_start3A_329 : memref<!tpu.dma_semaphore, #tpu.memory_space<semaphore_mem>>)
        %mul3A_330 = arith.constant 10000 : i32
        %mul3A_331 = arith.muli %add3A, %mul3A_330 : i32
        %mul3A_332 = arith.constant 80 : i32
        %mul3A_333 = arith.muli %add3A_299, %mul3A_332 : i32
        %add3A_334 = arith.addi %mul3A_331, %mul3A_333 : i32
        %multiple_of3A_335 = tpu.assume_multiple %add3A_334, 8 : i32
        %dma_start3A_336 = arith.constant 0 : i32
        %dma_start3A_337 = arith.constant 0 : i32
        %dma_start3A_338 = tpu.memref_slice %arg12[%select_n3A_159, %dma_start3A_336, %dma_start3A_337] : memref<2x80x128xf32, #tpu.memory_space<vmem>> -> memref<1x80x128xf32, #tpu.memory_space<vmem>>
        %dma_start3A_339 = tpu.memref_squeeze %dma_start3A_338 : memref<1x80x128xf32, #tpu.memory_space<vmem>> -> memref<80x128xf32, #tpu.memory_space<vmem>>
        %dma_start3A_340 = arith.constant 0 : i32
        %dma_start3A_341 = tpu.memref_slice %arg5[%multiple_of3A_335, %dma_start3A_340] : memref<320000x128xf32, #tpu.memory_space<hbm>> -> memref<80x128xf32, #tpu.memory_space<hbm>>
        %dma_start3A_342 = tpu.memref_slice %arg15[%select_n3A_159] : memref<2x!tpu.dma_semaphore, #tpu.memory_space<semaphore_mem>> -> memref<1x!tpu.dma_semaphore, #tpu.memory_space<semaphore_mem>>
        %dma_start3A_343 = tpu.memref_squeeze %dma_start3A_342 : memref<1x!tpu.dma_semaphore, #tpu.memory_space<semaphore_mem>> -> memref<!tpu.dma_semaphore, #tpu.memory_space<semaphore_mem>>
        %dma_start3A_344 = arith.constant 0 : i32
        %dma_start3A_345 = arith.constant 0 : i32
        %dma_start3A_346 = tpu.memref_slice %arg12[%select_n3A_159, %dma_start3A_344, %dma_start3A_345] : memref<2x80x128xf32, #tpu.memory_space<vmem>> -> memref<1x80x128xf32, #tpu.memory_space<vmem>>
        %dma_start3A_347 = tpu.memref_squeeze %dma_start3A_346 : memref<1x80x128xf32, #tpu.memory_space<vmem>> -> memref<80x128xf32, #tpu.memory_space<vmem>>
        %dma_start3A_348 = arith.constant 0 : i32
        %dma_start3A_349 = tpu.memref_slice %arg5[%multiple_of3A_335, %dma_start3A_348] : memref<320000x128xf32, #tpu.memory_space<hbm>> -> memref<80x128xf32, #tpu.memory_space<hbm>>
        tpu.enqueue_dma source(%dma_start3A_349 : memref<80x128xf32, #tpu.memory_space<hbm>>) target(%dma_start3A_347 : memref<80x128xf32, #tpu.memory_space<vmem>>) target_semaphore(%dma_start3A_343 : memref<!tpu.dma_semaphore, #tpu.memory_space<semaphore_mem>>)
      } else {
      }
      %lt3A_165 = arith.constant 123 : i32
      %lt3A_166 = arith.cmpi slt, %scan3A_131, %lt3A_165 : i32
      %convert_element_type3A_167 = arith.extui %lt3A_166 : i1 to i32
      %cond3A_168 = arith.constant 0 : i32
      %cond3A_169 = arith.cmpi ne, %convert_element_type3A_167, %cond3A_168 : i32
      scf.if %cond3A_169 {
        %add3A_248 = arith.constant 2 : i32
        %add3A_249 = arith.addi %scan3A_131, %add3A_248 : i32
        %add3A_250 = arith.constant 2 : i32
        %add3A_251 = arith.addi %scan3A_131, %add3A_250 : i32
        %jit3A_252 = arith.constant 4 : i32
        %eq3A_253 = arith.constant 0 : i32
        %eq3A_254 = arith.cmpi eq, %jit3A_252, %eq3A_253 : i32
        %jit3A_255 = arith.constant 1 : i32
        %select_n3A_256 = arith.select %eq3A_254, %jit3A_255, %jit3A_252 : i32
        %rem3A_257 = arith.remsi %add3A_251, %select_n3A_256 : i32
        %ne3A_258 = arith.constant 0 : i32
        %ne3A_259 = arith.cmpi ne, %rem3A_257, %ne3A_258 : i32
        %lt3A_260 = arith.constant 0 : i32
        %lt3A_261 = arith.cmpi slt, %rem3A_257, %lt3A_260 : i32
        %lt3A_262 = arith.constant 0 : i32
        %lt3A_263 = arith.cmpi slt, %select_n3A_256, %lt3A_262 : i32
        %ne3A_264 = arith.xori %lt3A_261, %lt3A_263 : i1
        %and3A_265 = arith.andi %ne3A_264, %ne3A_259 : i1
        %add3A_266 = arith.addi %rem3A_257, %select_n3A_256 : i32
        %select_n3A_267 = arith.select %and3A_265, %add3A_266, %rem3A_257 : i32
        %mul3A_268 = arith.constant 10000 : i32
        %mul3A_269 = arith.muli %add3A, %mul3A_268 : i32
        %mul3A_270 = arith.constant 80 : i32
        %mul3A_271 = arith.muli %add3A_249, %mul3A_270 : i32
        %add3A_272 = arith.addi %mul3A_269, %mul3A_271 : i32
        %multiple_of3A_273 = tpu.assume_multiple %add3A_272, 8 : i32
        %dma_start3A_274 = arith.constant 0 : i32
        %dma_start3A_275 = tpu.memref_slice %arg9[%select_n3A_267, %dma_start3A_274] : memref<4x80xi32, #tpu.memory_space<vmem>> -> memref<1x80xi32, #tpu.memory_space<vmem>>
        %dma_start3A_276 = tpu.memref_squeeze %dma_start3A_275 : memref<1x80xi32, #tpu.memory_space<vmem>> -> memref<80xi32, #tpu.memory_space<vmem>>
        %dma_start3A_277 = tpu.memref_slice %arg3[%multiple_of3A_273] : memref<320000xi32, #tpu.memory_space<hbm>> -> memref<80xi32, #tpu.memory_space<hbm>>
        %dma_start3A_278 = tpu.memref_slice %arg13[%select_n3A_267] : memref<4x!tpu.dma_semaphore, #tpu.memory_space<semaphore_mem>> -> memref<1x!tpu.dma_semaphore, #tpu.memory_space<semaphore_mem>>
        %dma_start3A_279 = tpu.memref_squeeze %dma_start3A_278 : memref<1x!tpu.dma_semaphore, #tpu.memory_space<semaphore_mem>> -> memref<!tpu.dma_semaphore, #tpu.memory_space<semaphore_mem>>
        %dma_start3A_280 = arith.constant 0 : i32
        %dma_start3A_281 = tpu.memref_slice %arg9[%select_n3A_267, %dma_start3A_280] : memref<4x80xi32, #tpu.memory_space<vmem>> -> memref<1x80xi32, #tpu.memory_space<vmem>>
        %dma_start3A_282 = tpu.memref_squeeze %dma_start3A_281 : memref<1x80xi32, #tpu.memory_space<vmem>> -> memref<80xi32, #tpu.memory_space<vmem>>
        %dma_start3A_283 = tpu.memref_slice %arg3[%multiple_of3A_273] : memref<320000xi32, #tpu.memory_space<hbm>> -> memref<80xi32, #tpu.memory_space<hbm>>
        tpu.enqueue_dma source(%dma_start3A_283 : memref<80xi32, #tpu.memory_space<hbm>>) target(%dma_start3A_282 : memref<80xi32, #tpu.memory_space<vmem>>) target_semaphore(%dma_start3A_279 : memref<!tpu.dma_semaphore, #tpu.memory_space<semaphore_mem>>)
        %dma_start3A_284 = arith.constant 0 : i32
        %dma_start3A_285 = tpu.memref_slice %arg10[%select_n3A_267, %dma_start3A_284] : memref<4x80xi32, #tpu.memory_space<vmem>> -> memref<1x80xi32, #tpu.memory_space<vmem>>
        %dma_start3A_286 = tpu.memref_squeeze %dma_start3A_285 : memref<1x80xi32, #tpu.memory_space<vmem>> -> memref<80xi32, #tpu.memory_space<vmem>>
        %dma_start3A_287 = tpu.memref_slice %arg4[%multiple_of3A_273] : memref<320000xi32, #tpu.memory_space<hbm>> -> memref<80xi32, #tpu.memory_space<hbm>>
        %dma_start3A_288 = tpu.memref_slice %arg13[%select_n3A_267] : memref<4x!tpu.dma_semaphore, #tpu.memory_space<semaphore_mem>> -> memref<1x!tpu.dma_semaphore, #tpu.memory_space<semaphore_mem>>
        %dma_start3A_289 = tpu.memref_squeeze %dma_start3A_288 : memref<1x!tpu.dma_semaphore, #tpu.memory_space<semaphore_mem>> -> memref<!tpu.dma_semaphore, #tpu.memory_space<semaphore_mem>>
        %dma_start3A_290 = arith.constant 0 : i32
        %dma_start3A_291 = tpu.memref_slice %arg10[%select_n3A_267, %dma_start3A_290] : memref<4x80xi32, #tpu.memory_space<vmem>> -> memref<1x80xi32, #tpu.memory_space<vmem>>
        %dma_start3A_292 = tpu.memref_squeeze %dma_start3A_291 : memref<1x80xi32, #tpu.memory_space<vmem>> -> memref<80xi32, #tpu.memory_space<vmem>>
        %dma_start3A_293 = tpu.memref_slice %arg4[%multiple_of3A_273] : memref<320000xi32, #tpu.memory_space<hbm>> -> memref<80xi32, #tpu.memory_space<hbm>>
        tpu.enqueue_dma source(%dma_start3A_293 : memref<80xi32, #tpu.memory_space<hbm>>) target(%dma_start3A_292 : memref<80xi32, #tpu.memory_space<vmem>>) target_semaphore(%dma_start3A_289 : memref<!tpu.dma_semaphore, #tpu.memory_space<semaphore_mem>>)
      } else {
      }
      %jit3A_170 = arith.constant 4 : i32
      %eq3A_171 = arith.constant 0 : i32
      %eq3A_172 = arith.cmpi eq, %jit3A_170, %eq3A_171 : i32
      %jit3A_173 = arith.constant 1 : i32
      %select_n3A_174 = arith.select %eq3A_172, %jit3A_173, %jit3A_170 : i32
      %rem3A_175 = arith.remsi %scan3A_131, %select_n3A_174 : i32
      %ne3A_176 = arith.constant 0 : i32
      %ne3A_177 = arith.cmpi ne, %rem3A_175, %ne3A_176 : i32
      %lt3A_178 = arith.constant 0 : i32
      %lt3A_179 = arith.cmpi slt, %rem3A_175, %lt3A_178 : i32
      %lt3A_180 = arith.constant 0 : i32
      %lt3A_181 = arith.cmpi slt, %select_n3A_174, %lt3A_180 : i32
      %ne3A_182 = arith.xori %lt3A_179, %lt3A_181 : i1
      %and3A_183 = arith.andi %ne3A_182, %ne3A_177 : i1
      %add3A_184 = arith.addi %rem3A_175, %select_n3A_174 : i32
      %select_n3A_185 = arith.select %and3A_183, %add3A_184, %rem3A_175 : i32
      %dma_wait3A_186 = arith.constant 0 : i32
      %dma_wait3A_187 = arith.constant 0 : i32
      %dma_wait3A_188 = tpu.memref_slice %arg11[%select_n3A_141, %dma_wait3A_186, %dma_wait3A_187] : memref<2x80x128xf32, #tpu.memory_space<vmem>> -> memref<1x80x128xf32, #tpu.memory_space<vmem>>
      %dma_wait3A_189 = tpu.memref_squeeze %dma_wait3A_188 : memref<1x80x128xf32, #tpu.memory_space<vmem>> -> memref<80x128xf32, #tpu.memory_space<vmem>>
      %dma_wait3A_190 = arith.constant 0 : i32
      %dma_wait3A_191 = tpu.memref_slice %arg9[%select_n3A_185, %dma_wait3A_190] : memref<4x80xi32, #tpu.memory_space<vmem>> -> memref<1x80xi32, #tpu.memory_space<vmem>>
      %dma_wait3A_192 = tpu.memref_squeeze %dma_wait3A_191 : memref<1x80xi32, #tpu.memory_space<vmem>> -> memref<80xi32, #tpu.memory_space<vmem>>
      %dma_wait3A_193 = arith.constant 0 : i32
      %dma_wait3A_194 = arith.constant 0 : i32
      %dma_wait3A_195 = tpu.memref_slice %arg2[%dma_wait3A_193, %dma_wait3A_194] : memref<10000x128xf32, #tpu.memory_space<hbm>> -> memref<10000x128xf32, #tpu.memory_space<hbm>>
      %dma_wait3A_196 = tpu.memref_slice %arg14[%select_n3A_141] : memref<2x!tpu.dma_semaphore, #tpu.memory_space<semaphore_mem>> -> memref<1x!tpu.dma_semaphore, #tpu.memory_space<semaphore_mem>>
      %dma_wait3A_197 = tpu.memref_squeeze %dma_wait3A_196 : memref<1x!tpu.dma_semaphore, #tpu.memory_space<semaphore_mem>> -> memref<!tpu.dma_semaphore, #tpu.memory_space<semaphore_mem>>
      tpu.wait_indirect_dma semaphore(%dma_wait3A_197 : memref<!tpu.dma_semaphore, #tpu.memory_space<semaphore_mem>>) src(%dma_wait3A_195 : memref<10000x128xf32, #tpu.memory_space<hbm>>) dst(%dma_wait3A_189 : memref<80x128xf32, #tpu.memory_space<vmem>>)
      %mul3A_198 = arith.constant 10000 : i32
      %mul3A_199 = arith.muli %add3A, %mul3A_198 : i32
      %mul3A_200 = arith.constant 80 : i32
      %mul3A_201 = arith.muli %scan3A_131, %mul3A_200 : i32
      %add3A_202 = arith.addi %mul3A_199, %mul3A_201 : i32
      %multiple_of3A_203 = tpu.assume_multiple %add3A_202, 8 : i32
      %dma_wait3A_204 = arith.constant 0 : i32
      %dma_wait3A_205 = arith.constant 0 : i32
      %dma_wait3A_206 = tpu.memref_slice %arg12[%select_n3A_141, %dma_wait3A_204, %dma_wait3A_205] : memref<2x80x128xf32, #tpu.memory_space<vmem>> -> memref<1x80x128xf32, #tpu.memory_space<vmem>>
      %dma_wait3A_207 = tpu.memref_squeeze %dma_wait3A_206 : memref<1x80x128xf32, #tpu.memory_space<vmem>> -> memref<80x128xf32, #tpu.memory_space<vmem>>
      %dma_wait3A_208 = arith.constant 0 : i32
      %dma_wait3A_209 = tpu.memref_slice %arg5[%multiple_of3A_203, %dma_wait3A_208] : memref<320000x128xf32, #tpu.memory_space<hbm>> -> memref<80x128xf32, #tpu.memory_space<hbm>>
      %dma_wait3A_210 = tpu.memref_slice %arg15[%select_n3A_141] : memref<2x!tpu.dma_semaphore, #tpu.memory_space<semaphore_mem>> -> memref<1x!tpu.dma_semaphore, #tpu.memory_space<semaphore_mem>>
      %dma_wait3A_211 = tpu.memref_squeeze %dma_wait3A_210 : memref<1x!tpu.dma_semaphore, #tpu.memory_space<semaphore_mem>> -> memref<!tpu.dma_semaphore, #tpu.memory_space<semaphore_mem>>
      %dma_wait3A_212 = arith.constant 0 : i32
      %dma_wait3A_213 = arith.constant 0 : i32
      %dma_wait3A_214 = tpu.memref_slice %arg12[%select_n3A_141, %dma_wait3A_212, %dma_wait3A_213] : memref<2x80x128xf32, #tpu.memory_space<vmem>> -> memref<1x80x128xf32, #tpu.memory_space<vmem>>
      %dma_wait3A_215 = tpu.memref_squeeze %dma_wait3A_214 : memref<1x80x128xf32, #tpu.memory_space<vmem>> -> memref<80x128xf32, #tpu.memory_space<vmem>>
      %dma_wait3A_216 = arith.constant 0 : i32
      %dma_wait3A_217 = tpu.memref_slice %arg5[%multiple_of3A_203, %dma_wait3A_216] : memref<320000x128xf32, #tpu.memory_space<hbm>> -> memref<80x128xf32, #tpu.memory_space<hbm>>
      tpu.wait_dma2 semaphore(%dma_wait3A_211 : memref<!tpu.dma_semaphore, #tpu.memory_space<semaphore_mem>>) src(%dma_wait3A_217 : memref<80x128xf32, #tpu.memory_space<hbm>>) dst(%dma_wait3A_215 : memref<80x128xf32, #tpu.memory_space<vmem>>)
      %parallel_loop3A = arith.constant 0 : i32
      %parallel_loop3A_218 = arith.constant 80 : i32
      %parallel_loop3A_219 = arith.constant 1 : i32
      scf.for %parallel_loop3A_248 = %parallel_loop3A to %parallel_loop3A_218 step %parallel_loop3A_219  : i32 {
        %parallel_loop3A_249 = arith.index_cast %select_n3A_141 : i32 to index
        %parallel_loop3A_250 = arith.index_cast %parallel_loop3A_248 : i32 to index
        %parallel_loop3A_251 = arith.constant 0 : index
        %parallel_loop3A_252 = tpu.vector_load %arg11[%parallel_loop3A_249, %parallel_loop3A_250, %parallel_loop3A_251] {strides = array<i32>} : memref<2x80x128xf32, #tpu.memory_space<vmem>>, vector<1x1x16xf32>,
        %parallel_loop3A_253 = vector.shape_cast %parallel_loop3A_252 : vector<1x1x16xf32> to vector<16xf32>
        %parallel_loop3A_254 = arith.index_cast %select_n3A_141 : i32 to index
        %parallel_loop3A_255 = arith.index_cast %parallel_loop3A_248 : i32 to index
        %parallel_loop3A_256 = arith.constant 0 : index
        %parallel_loop3A_257 = tpu.vector_load %arg12[%parallel_loop3A_254, %parallel_loop3A_255, %parallel_loop3A_256] {strides = array<i32>} : memref<2x80x128xf32, #tpu.memory_space<vmem>>, vector<1x1x16xf32>,
        %parallel_loop3A_258 = vector.shape_cast %parallel_loop3A_257 : vector<1x1x16xf32> to vector<16xf32>
        %parallel_loop3A_259 = arith.addf %parallel_loop3A_253, %parallel_loop3A_258 : vector<16xf32>
        %parallel_loop3A_260 = arith.constant 0.000000e+00 : f32
        %parallel_loop3A_261 = vector.broadcast %parallel_loop3A_260 : f32 to vector<16xf32>
        %parallel_loop3A_262 = arith.maximumf %parallel_loop3A_259, %parallel_loop3A_261 : vector<16xf32>
        %parallel_loop3A_263 = arith.index_cast %select_n3A_141 : i32 to index
        %parallel_loop3A_264 = arith.index_cast %parallel_loop3A_248 : i32 to index
        %parallel_loop3A_265 = arith.constant 0 : index
        %parallel_loop3A_266 = tpu.vector_load %arg11[%parallel_loop3A_263, %parallel_loop3A_264, %parallel_loop3A_265] {strides = array<i32>} : memref<2x80x128xf32, #tpu.memory_space<vmem>>, vector<1x1x16xf32>,
        %parallel_loop3A_267 = vector.shape_cast %parallel_loop3A_266 : vector<1x1x16xf32> to vector<16xf32>
        %parallel_loop3A_268 = vector.shape_cast %parallel_loop3A_262 : vector<16xf32> to vector<1x1x16xf32>
        tpu.vector_store %arg11[%parallel_loop3A_263, %parallel_loop3A_264, %parallel_loop3A_265], %parallel_loop3A_268 {strides = array<i32>} : memref<2x80x128xf32, #tpu.memory_space<vmem>>, vector<1x1x16xf32>,
        %parallel_loop3A_269 = arith.index_cast %select_n3A_141 : i32 to index
        %parallel_loop3A_270 = arith.index_cast %parallel_loop3A_248 : i32 to index
        %parallel_loop3A_271 = arith.constant 16 : index
        %parallel_loop3A_272 = tpu.vector_load %arg11[%parallel_loop3A_269, %parallel_loop3A_270, %parallel_loop3A_271] {strides = array<i32>} : memref<2x80x128xf32, #tpu.memory_space<vmem>>, vector<1x1x16xf32>,
        %parallel_loop3A_273 = vector.shape_cast %parallel_loop3A_272 : vector<1x1x16xf32> to vector<16xf32>
        %parallel_loop3A_274 = arith.index_cast %select_n3A_141 : i32 to index
        %parallel_loop3A_275 = arith.index_cast %parallel_loop3A_248 : i32 to index
        %parallel_loop3A_276 = arith.constant 16 : index
        %parallel_loop3A_277 = tpu.vector_load %arg12[%parallel_loop3A_274, %parallel_loop3A_275, %parallel_loop3A_276] {strides = array<i32>} : memref<2x80x128xf32, #tpu.memory_space<vmem>>, vector<1x1x16xf32>,
        %parallel_loop3A_278 = vector.shape_cast %parallel_loop3A_277 : vector<1x1x16xf32> to vector<16xf32>
        %parallel_loop3A_279 = arith.addf %parallel_loop3A_273, %parallel_loop3A_278 : vector<16xf32>
        %parallel_loop3A_280 = arith.constant 0.000000e+00 : f32
        %parallel_loop3A_281 = vector.broadcast %parallel_loop3A_280 : f32 to vector<16xf32>
        %parallel_loop3A_282 = arith.maximumf %parallel_loop3A_279, %parallel_loop3A_281 : vector<16xf32>
        %parallel_loop3A_283 = arith.index_cast %select_n3A_141 : i32 to index
        %parallel_loop3A_284 = arith.index_cast %parallel_loop3A_248 : i32 to index
        %parallel_loop3A_285 = arith.constant 16 : index
        %parallel_loop3A_286 = tpu.vector_load %arg11[%parallel_loop3A_283, %parallel_loop3A_284, %parallel_loop3A_285] {strides = array<i32>} : memref<2x80x128xf32, #tpu.memory_space<vmem>>, vector<1x1x16xf32>,
        %parallel_loop3A_287 = vector.shape_cast %parallel_loop3A_286 : vector<1x1x16xf32> to vector<16xf32>
        %parallel_loop3A_288 = vector.shape_cast %parallel_loop3A_282 : vector<16xf32> to vector<1x1x16xf32>
        tpu.vector_store %arg11[%parallel_loop3A_283, %parallel_loop3A_284, %parallel_loop3A_285], %parallel_loop3A_288 {strides = array<i32>} : memref<2x80x128xf32, #tpu.memory_space<vmem>>, vector<1x1x16xf32>,
        %parallel_loop3A_289 = arith.index_cast %select_n3A_141 : i32 to index
        %parallel_loop3A_290 = arith.index_cast %parallel_loop3A_248 : i32 to index
        %parallel_loop3A_291 = arith.constant 32 : index
        %parallel_loop3A_292 = tpu.vector_load %arg11[%parallel_loop3A_289, %parallel_loop3A_290, %parallel_loop3A_291] {strides = array<i32>} : memref<2x80x128xf32, #tpu.memory_space<vmem>>, vector<1x1x16xf32>,
        %parallel_loop3A_293 = vector.shape_cast %parallel_loop3A_292 : vector<1x1x16xf32> to vector<16xf32>
        %parallel_loop3A_294 = arith.index_cast %select_n3A_141 : i32 to index
        %parallel_loop3A_295 = arith.index_cast %parallel_loop3A_248 : i32 to index
        %parallel_loop3A_296 = arith.constant 32 : index
        %parallel_loop3A_297 = tpu.vector_load %arg12[%parallel_loop3A_294, %parallel_loop3A_295, %parallel_loop3A_296] {strides = array<i32>} : memref<2x80x128xf32, #tpu.memory_space<vmem>>, vector<1x1x16xf32>,
        %parallel_loop3A_298 = vector.shape_cast %parallel_loop3A_297 : vector<1x1x16xf32> to vector<16xf32>
        %parallel_loop3A_299 = arith.addf %parallel_loop3A_293, %parallel_loop3A_298 : vector<16xf32>
        %parallel_loop3A_300 = arith.constant 0.000000e+00 : f32
        %parallel_loop3A_301 = vector.broadcast %parallel_loop3A_300 : f32 to vector<16xf32>
        %parallel_loop3A_302 = arith.maximumf %parallel_loop3A_299, %parallel_loop3A_301 : vector<16xf32>
        %parallel_loop3A_303 = arith.index_cast %select_n3A_141 : i32 to index
        %parallel_loop3A_304 = arith.index_cast %parallel_loop3A_248 : i32 to index
        %parallel_loop3A_305 = arith.constant 32 : index
        %parallel_loop3A_306 = tpu.vector_load %arg11[%parallel_loop3A_303, %parallel_loop3A_304, %parallel_loop3A_305] {strides = array<i32>} : memref<2x80x128xf32, #tpu.memory_space<vmem>>, vector<1x1x16xf32>,
        %parallel_loop3A_307 = vector.shape_cast %parallel_loop3A_306 : vector<1x1x16xf32> to vector<16xf32>
        %parallel_loop3A_308 = vector.shape_cast %parallel_loop3A_302 : vector<16xf32> to vector<1x1x16xf32>
        tpu.vector_store %arg11[%parallel_loop3A_303, %parallel_loop3A_304, %parallel_loop3A_305], %parallel_loop3A_308 {strides = array<i32>} : memref<2x80x128xf32, #tpu.memory_space<vmem>>, vector<1x1x16xf32>,
        %parallel_loop3A_309 = arith.index_cast %select_n3A_141 : i32 to index
        %parallel_loop3A_310 = arith.index_cast %parallel_loop3A_248 : i32 to index
        %parallel_loop3A_311 = arith.constant 48 : index
        %parallel_loop3A_312 = tpu.vector_load %arg11[%parallel_loop3A_309, %parallel_loop3A_310, %parallel_loop3A_311] {strides = array<i32>} : memref<2x80x128xf32, #tpu.memory_space<vmem>>, vector<1x1x16xf32>,
        %parallel_loop3A_313 = vector.shape_cast %parallel_loop3A_312 : vector<1x1x16xf32> to vector<16xf32>
        %parallel_loop3A_314 = arith.index_cast %select_n3A_141 : i32 to index
        %parallel_loop3A_315 = arith.index_cast %parallel_loop3A_248 : i32 to index
        %parallel_loop3A_316 = arith.constant 48 : index
        %parallel_loop3A_317 = tpu.vector_load %arg12[%parallel_loop3A_314, %parallel_loop3A_315, %parallel_loop3A_316] {strides = array<i32>} : memref<2x80x128xf32, #tpu.memory_space<vmem>>, vector<1x1x16xf32>,
        %parallel_loop3A_318 = vector.shape_cast %parallel_loop3A_317 : vector<1x1x16xf32> to vector<16xf32>
        %parallel_loop3A_319 = arith.addf %parallel_loop3A_313, %parallel_loop3A_318 : vector<16xf32>
        %parallel_loop3A_320 = arith.constant 0.000000e+00 : f32
        %parallel_loop3A_321 = vector.broadcast %parallel_loop3A_320 : f32 to vector<16xf32>
        %parallel_loop3A_322 = arith.maximumf %parallel_loop3A_319, %parallel_loop3A_321 : vector<16xf32>
        %parallel_loop3A_323 = arith.index_cast %select_n3A_141 : i32 to index
        %parallel_loop3A_324 = arith.index_cast %parallel_loop3A_248 : i32 to index
        %parallel_loop3A_325 = arith.constant 48 : index
        %parallel_loop3A_326 = tpu.vector_load %arg11[%parallel_loop3A_323, %parallel_loop3A_324, %parallel_loop3A_325] {strides = array<i32>} : memref<2x80x128xf32, #tpu.memory_space<vmem>>, vector<1x1x16xf32>,
        %parallel_loop3A_327 = vector.shape_cast %parallel_loop3A_326 : vector<1x1x16xf32> to vector<16xf32>
        %parallel_loop3A_328 = vector.shape_cast %parallel_loop3A_322 : vector<16xf32> to vector<1x1x16xf32>
        tpu.vector_store %arg11[%parallel_loop3A_323, %parallel_loop3A_324, %parallel_loop3A_325], %parallel_loop3A_328 {strides = array<i32>} : memref<2x80x128xf32, #tpu.memory_space<vmem>>, vector<1x1x16xf32>,
        %parallel_loop3A_329 = arith.index_cast %select_n3A_141 : i32 to index
        %parallel_loop3A_330 = arith.index_cast %parallel_loop3A_248 : i32 to index
        %parallel_loop3A_331 = arith.constant 64 : index
        %parallel_loop3A_332 = tpu.vector_load %arg11[%parallel_loop3A_329, %parallel_loop3A_330, %parallel_loop3A_331] {strides = array<i32>} : memref<2x80x128xf32, #tpu.memory_space<vmem>>, vector<1x1x16xf32>,
        %parallel_loop3A_333 = vector.shape_cast %parallel_loop3A_332 : vector<1x1x16xf32> to vector<16xf32>
        %parallel_loop3A_334 = arith.index_cast %select_n3A_141 : i32 to index
        %parallel_loop3A_335 = arith.index_cast %parallel_loop3A_248 : i32 to index
        %parallel_loop3A_336 = arith.constant 64 : index
        %parallel_loop3A_337 = tpu.vector_load %arg12[%parallel_loop3A_334, %parallel_loop3A_335, %parallel_loop3A_336] {strides = array<i32>} : memref<2x80x128xf32, #tpu.memory_space<vmem>>, vector<1x1x16xf32>,
        %parallel_loop3A_338 = vector.shape_cast %parallel_loop3A_337 : vector<1x1x16xf32> to vector<16xf32>
        %parallel_loop3A_339 = arith.addf %parallel_loop3A_333, %parallel_loop3A_338 : vector<16xf32>
        %parallel_loop3A_340 = arith.constant 0.000000e+00 : f32
        %parallel_loop3A_341 = vector.broadcast %parallel_loop3A_340 : f32 to vector<16xf32>
        %parallel_loop3A_342 = arith.maximumf %parallel_loop3A_339, %parallel_loop3A_341 : vector<16xf32>
        %parallel_loop3A_343 = arith.index_cast %select_n3A_141 : i32 to index
        %parallel_loop3A_344 = arith.index_cast %parallel_loop3A_248 : i32 to index
        %parallel_loop3A_345 = arith.constant 64 : index
        %parallel_loop3A_346 = tpu.vector_load %arg11[%parallel_loop3A_343, %parallel_loop3A_344, %parallel_loop3A_345] {strides = array<i32>} : memref<2x80x128xf32, #tpu.memory_space<vmem>>, vector<1x1x16xf32>,
        %parallel_loop3A_347 = vector.shape_cast %parallel_loop3A_346 : vector<1x1x16xf32> to vector<16xf32>
        %parallel_loop3A_348 = vector.shape_cast %parallel_loop3A_342 : vector<16xf32> to vector<1x1x16xf32>
        tpu.vector_store %arg11[%parallel_loop3A_343, %parallel_loop3A_344, %parallel_loop3A_345], %parallel_loop3A_348 {strides = array<i32>} : memref<2x80x128xf32, #tpu.memory_space<vmem>>, vector<1x1x16xf32>,
        %parallel_loop3A_349 = arith.index_cast %select_n3A_141 : i32 to index
        %parallel_loop3A_350 = arith.index_cast %parallel_loop3A_248 : i32 to index
        %parallel_loop3A_351 = arith.constant 80 : index
        %parallel_loop3A_352 = tpu.vector_load %arg11[%parallel_loop3A_349, %parallel_loop3A_350, %parallel_loop3A_351] {strides = array<i32>} : memref<2x80x128xf32, #tpu.memory_space<vmem>>, vector<1x1x16xf32>,
        %parallel_loop3A_353 = vector.shape_cast %parallel_loop3A_352 : vector<1x1x16xf32> to vector<16xf32>
        %parallel_loop3A_354 = arith.index_cast %select_n3A_141 : i32 to index
        %parallel_loop3A_355 = arith.index_cast %parallel_loop3A_248 : i32 to index
        %parallel_loop3A_356 = arith.constant 80 : index
        %parallel_loop3A_357 = tpu.vector_load %arg12[%parallel_loop3A_354, %parallel_loop3A_355, %parallel_loop3A_356] {strides = array<i32>} : memref<2x80x128xf32, #tpu.memory_space<vmem>>, vector<1x1x16xf32>,
        %parallel_loop3A_358 = vector.shape_cast %parallel_loop3A_357 : vector<1x1x16xf32> to vector<16xf32>
        %parallel_loop3A_359 = arith.addf %parallel_loop3A_353, %parallel_loop3A_358 : vector<16xf32>
        %parallel_loop3A_360 = arith.constant 0.000000e+00 : f32
        %parallel_loop3A_361 = vector.broadcast %parallel_loop3A_360 : f32 to vector<16xf32>
        %parallel_loop3A_362 = arith.maximumf %parallel_loop3A_359, %parallel_loop3A_361 : vector<16xf32>
        %parallel_loop3A_363 = arith.index_cast %select_n3A_141 : i32 to index
        %parallel_loop3A_364 = arith.index_cast %parallel_loop3A_248 : i32 to index
        %parallel_loop3A_365 = arith.constant 80 : index
        %parallel_loop3A_366 = tpu.vector_load %arg11[%parallel_loop3A_363, %parallel_loop3A_364, %parallel_loop3A_365] {strides = array<i32>} : memref<2x80x128xf32, #tpu.memory_space<vmem>>, vector<1x1x16xf32>,
        %parallel_loop3A_367 = vector.shape_cast %parallel_loop3A_366 : vector<1x1x16xf32> to vector<16xf32>
        %parallel_loop3A_368 = vector.shape_cast %parallel_loop3A_362 : vector<16xf32> to vector<1x1x16xf32>
        tpu.vector_store %arg11[%parallel_loop3A_363, %parallel_loop3A_364, %parallel_loop3A_365], %parallel_loop3A_368 {strides = array<i32>} : memref<2x80x128xf32, #tpu.memory_space<vmem>>, vector<1x1x16xf32>,
        %parallel_loop3A_369 = arith.index_cast %select_n3A_141 : i32 to index
        %parallel_loop3A_370 = arith.index_cast %parallel_loop3A_248 : i32 to index
        %parallel_loop3A_371 = arith.constant 96 : index
        %parallel_loop3A_372 = tpu.vector_load %arg11[%parallel_loop3A_369, %parallel_loop3A_370, %parallel_loop3A_371] {strides = array<i32>} : memref<2x80x128xf32, #tpu.memory_space<vmem>>, vector<1x1x16xf32>,
        %parallel_loop3A_373 = vector.shape_cast %parallel_loop3A_372 : vector<1x1x16xf32> to vector<16xf32>
        %parallel_loop3A_374 = arith.index_cast %select_n3A_141 : i32 to index
        %parallel_loop3A_375 = arith.index_cast %parallel_loop3A_248 : i32 to index
        %parallel_loop3A_376 = arith.constant 96 : index
        %parallel_loop3A_377 = tpu.vector_load %arg12[%parallel_loop3A_374, %parallel_loop3A_375, %parallel_loop3A_376] {strides = array<i32>} : memref<2x80x128xf32, #tpu.memory_space<vmem>>, vector<1x1x16xf32>,
        %parallel_loop3A_378 = vector.shape_cast %parallel_loop3A_377 : vector<1x1x16xf32> to vector<16xf32>
        %parallel_loop3A_379 = arith.addf %parallel_loop3A_373, %parallel_loop3A_378 : vector<16xf32>
        %parallel_loop3A_380 = arith.constant 0.000000e+00 : f32
        %parallel_loop3A_381 = vector.broadcast %parallel_loop3A_380 : f32 to vector<16xf32>
        %parallel_loop3A_382 = arith.maximumf %parallel_loop3A_379, %parallel_loop3A_381 : vector<16xf32>
        %parallel_loop3A_383 = arith.index_cast %select_n3A_141 : i32 to index
        %parallel_loop3A_384 = arith.index_cast %parallel_loop3A_248 : i32 to index
        %parallel_loop3A_385 = arith.constant 96 : index
        %parallel_loop3A_386 = tpu.vector_load %arg11[%parallel_loop3A_383, %parallel_loop3A_384, %parallel_loop3A_385] {strides = array<i32>} : memref<2x80x128xf32, #tpu.memory_space<vmem>>, vector<1x1x16xf32>,
        %parallel_loop3A_387 = vector.shape_cast %parallel_loop3A_386 : vector<1x1x16xf32> to vector<16xf32>
        %parallel_loop3A_388 = vector.shape_cast %parallel_loop3A_382 : vector<16xf32> to vector<1x1x16xf32>
        tpu.vector_store %arg11[%parallel_loop3A_383, %parallel_loop3A_384, %parallel_loop3A_385], %parallel_loop3A_388 {strides = array<i32>} : memref<2x80x128xf32, #tpu.memory_space<vmem>>, vector<1x1x16xf32>,
        %parallel_loop3A_389 = arith.index_cast %select_n3A_141 : i32 to index
        %parallel_loop3A_390 = arith.index_cast %parallel_loop3A_248 : i32 to index
        %parallel_loop3A_391 = arith.constant 112 : index
        %parallel_loop3A_392 = tpu.vector_load %arg11[%parallel_loop3A_389, %parallel_loop3A_390, %parallel_loop3A_391] {strides = array<i32>} : memref<2x80x128xf32, #tpu.memory_space<vmem>>, vector<1x1x16xf32>,
        %parallel_loop3A_393 = vector.shape_cast %parallel_loop3A_392 : vector<1x1x16xf32> to vector<16xf32>
        %parallel_loop3A_394 = arith.index_cast %select_n3A_141 : i32 to index
        %parallel_loop3A_395 = arith.index_cast %parallel_loop3A_248 : i32 to index
        %parallel_loop3A_396 = arith.constant 112 : index
        %parallel_loop3A_397 = tpu.vector_load %arg12[%parallel_loop3A_394, %parallel_loop3A_395, %parallel_loop3A_396] {strides = array<i32>} : memref<2x80x128xf32, #tpu.memory_space<vmem>>, vector<1x1x16xf32>,
        %parallel_loop3A_398 = vector.shape_cast %parallel_loop3A_397 : vector<1x1x16xf32> to vector<16xf32>
        %parallel_loop3A_399 = arith.addf %parallel_loop3A_393, %parallel_loop3A_398 : vector<16xf32>
        %parallel_loop3A_400 = arith.constant 0.000000e+00 : f32
        %parallel_loop3A_401 = vector.broadcast %parallel_loop3A_400 : f32 to vector<16xf32>
        %parallel_loop3A_402 = arith.maximumf %parallel_loop3A_399, %parallel_loop3A_401 : vector<16xf32>
        %parallel_loop3A_403 = arith.index_cast %select_n3A_141 : i32 to index
        %parallel_loop3A_404 = arith.index_cast %parallel_loop3A_248 : i32 to index
        %parallel_loop3A_405 = arith.constant 112 : index
        %parallel_loop3A_406 = tpu.vector_load %arg11[%parallel_loop3A_403, %parallel_loop3A_404, %parallel_loop3A_405] {strides = array<i32>} : memref<2x80x128xf32, #tpu.memory_space<vmem>>, vector<1x1x16xf32>,
        %parallel_loop3A_407 = vector.shape_cast %parallel_loop3A_406 : vector<1x1x16xf32> to vector<16xf32>
        %parallel_loop3A_408 = vector.shape_cast %parallel_loop3A_402 : vector<16xf32> to vector<1x1x16xf32>
        tpu.vector_store %arg11[%parallel_loop3A_403, %parallel_loop3A_404, %parallel_loop3A_405], %parallel_loop3A_408 {strides = array<i32>} : memref<2x80x128xf32, #tpu.memory_space<vmem>>, vector<1x1x16xf32>,
      } {sc.loop_unroll_factor = 4 : i64, sc.parallel_access}
      %jit3A_220 = arith.constant 4 : i32
      %eq3A_221 = arith.constant 0 : i32
      %eq3A_222 = arith.cmpi eq, %jit3A_220, %eq3A_221 : i32
      %jit3A_223 = arith.constant 1 : i32
      %select_n3A_224 = arith.select %eq3A_222, %jit3A_223, %jit3A_220 : i32
      %rem3A_225 = arith.remsi %scan3A_131, %select_n3A_224 : i32
      %ne3A_226 = arith.constant 0 : i32
      %ne3A_227 = arith.cmpi ne, %rem3A_225, %ne3A_226 : i32
      %lt3A_228 = arith.constant 0 : i32
      %lt3A_229 = arith.cmpi slt, %rem3A_225, %lt3A_228 : i32
      %lt3A_230 = arith.constant 0 : i32
      %lt3A_231 = arith.cmpi slt, %select_n3A_224, %lt3A_230 : i32
      %ne3A_232 = arith.xori %lt3A_229, %lt3A_231 : i1
      %and3A_233 = arith.andi %ne3A_232, %ne3A_227 : i1
      %add3A_234 = arith.addi %rem3A_225, %select_n3A_224 : i32
      %select_n3A_235 = arith.select %and3A_233, %add3A_234, %rem3A_225 : i32
      %dma_start3A_236 = arith.constant 0 : i32
      %dma_start3A_237 = arith.constant 0 : i32
      %dma_start3A_238 = tpu.memref_slice %arg11[%select_n3A_141, %dma_start3A_236, %dma_start3A_237] : memref<2x80x128xf32, #tpu.memory_space<vmem>> -> memref<1x80x128xf32, #tpu.memory_space<vmem>>
      %dma_start3A_239 = tpu.memref_squeeze %dma_start3A_238 : memref<1x80x128xf32, #tpu.memory_space<vmem>> -> memref<80x128xf32, #tpu.memory_space<vmem>>
      %dma_start3A_240 = arith.constant 0 : i32
      %dma_start3A_241 = tpu.memref_slice %arg10[%select_n3A_235, %dma_start3A_240] : memref<4x80xi32, #tpu.memory_space<vmem>> -> memref<1x80xi32, #tpu.memory_space<vmem>>
      %dma_start3A_242 = tpu.memref_squeeze %dma_start3A_241 : memref<1x80xi32, #tpu.memory_space<vmem>> -> memref<80xi32, #tpu.memory_space<vmem>>
      %dma_start3A_243 = arith.constant 0 : i32
      %dma_start3A_244 = arith.constant 0 : i32
      %dma_start3A_245 = tpu.memref_slice %arg8[%dma_start3A_243, %dma_start3A_244] : memref<10000x128xf32, #tpu.memory_space<vmem_shared>> -> memref<10000x128xf32, #tpu.memory_space<vmem_shared>>
      %dma_start3A_246 = tpu.memref_slice %arg16[%select_n3A_141] : memref<2x!tpu.dma_semaphore, #tpu.memory_space<semaphore_mem>> -> memref<1x!tpu.dma_semaphore, #tpu.memory_space<semaphore_mem>>
      %dma_start3A_247 = tpu.memref_squeeze %dma_start3A_246 : memref<1x!tpu.dma_semaphore, #tpu.memory_space<semaphore_mem>> -> memref<!tpu.dma_semaphore, #tpu.memory_space<semaphore_mem>>
      tpu.enqueue_indirect_dma source(%dma_start3A_239 : memref<80x128xf32, #tpu.memory_space<vmem>>) target(%dma_start3A_245 : memref<10000x128xf32, #tpu.memory_space<vmem_shared>>) offsets(%dma_start3A_242 : memref<80xi32, #tpu.memory_space<vmem>>) semaphore(%dma_start3A_247 : memref<!tpu.dma_semaphore, #tpu.memory_space<semaphore_mem>>) {add = true}
    }
    %scan3A_85 = arith.constant 125 : i32
    %dma_wait3A = arith.constant 0 : i32
    %dma_wait3A_86 = arith.constant 0 : i32
    %dma_wait3A_87 = arith.constant 0 : i32
    %dma_wait3A_88 = arith.constant 0 : i32
    %dma_wait3A_89 = tpu.memref_slice %arg11[%dma_wait3A, %dma_wait3A_87, %dma_wait3A_88] : memref<2x80x128xf32, #tpu.memory_space<vmem>> -> memref<1x80x128xf32, #tpu.memory_space<vmem>>
    %dma_wait3A_90 = tpu.memref_squeeze %dma_wait3A_89 : memref<1x80x128xf32, #tpu.memory_space<vmem>> -> memref<80x128xf32, #tpu.memory_space<vmem>>
    %dma_wait3A_91 = arith.constant 0 : i32
    %dma_wait3A_92 = arith.constant 0 : i32
    %dma_wait3A_93 = tpu.memref_slice %arg6[%dma_wait3A_91, %dma_wait3A_92] : memref<10000x128xf32, #tpu.memory_space<hbm>> -> memref<80x128xf32, #tpu.memory_space<hbm>>
    %dma_wait3A_94 = tpu.memref_slice %arg16[%dma_wait3A_86] : memref<2x!tpu.dma_semaphore, #tpu.memory_space<semaphore_mem>> -> memref<1x!tpu.dma_semaphore, #tpu.memory_space<semaphore_mem>>
    %dma_wait3A_95 = tpu.memref_squeeze %dma_wait3A_94 : memref<1x!tpu.dma_semaphore, #tpu.memory_space<semaphore_mem>> -> memref<!tpu.dma_semaphore, #tpu.memory_space<semaphore_mem>>
    %dma_wait3A_96 = arith.constant 0 : i32
    %dma_wait3A_97 = arith.constant 0 : i32
    %dma_wait3A_98 = tpu.memref_slice %arg11[%dma_wait3A, %dma_wait3A_96, %dma_wait3A_97] : memref<2x80x128xf32, #tpu.memory_space<vmem>> -> memref<1x80x128xf32, #tpu.memory_space<vmem>>
    %dma_wait3A_99 = tpu.memref_squeeze %dma_wait3A_98 : memref<1x80x128xf32, #tpu.memory_space<vmem>> -> memref<80x128xf32, #tpu.memory_space<vmem>>
    %dma_wait3A_100 = arith.constant 0 : i32
    %dma_wait3A_101 = arith.constant 0 : i32
    %dma_wait3A_102 = tpu.memref_slice %arg6[%dma_wait3A_100, %dma_wait3A_101] : memref<10000x128xf32, #tpu.memory_space<hbm>> -> memref<80x128xf32, #tpu.memory_space<hbm>>
    tpu.wait_dma2 semaphore(%dma_wait3A_95 : memref<!tpu.dma_semaphore, #tpu.memory_space<semaphore_mem>>) src(%dma_wait3A_102 : memref<80x128xf32, #tpu.memory_space<hbm>>) dst(%dma_wait3A_99 : memref<80x128xf32, #tpu.memory_space<vmem>>)
    %dma_wait3A_103 = arith.constant 1 : i32
    %dma_wait3A_104 = arith.constant 1 : i32
    %dma_wait3A_105 = arith.constant 0 : i32
    %dma_wait3A_106 = arith.constant 0 : i32
    %dma_wait3A_107 = tpu.memref_slice %arg11[%dma_wait3A_103, %dma_wait3A_105, %dma_wait3A_106] : memref<2x80x128xf32, #tpu.memory_space<vmem>> -> memref<1x80x128xf32, #tpu.memory_space<vmem>>
    %dma_wait3A_108 = tpu.memref_squeeze %dma_wait3A_107 : memref<1x80x128xf32, #tpu.memory_space<vmem>> -> memref<80x128xf32, #tpu.memory_space<vmem>>
    %dma_wait3A_109 = arith.constant 0 : i32
    %dma_wait3A_110 = arith.constant 0 : i32
    %dma_wait3A_111 = tpu.memref_slice %arg6[%dma_wait3A_109, %dma_wait3A_110] : memref<10000x128xf32, #tpu.memory_space<hbm>> -> memref<80x128xf32, #tpu.memory_space<hbm>>
    %dma_wait3A_112 = tpu.memref_slice %arg16[%dma_wait3A_104] : memref<2x!tpu.dma_semaphore, #tpu.memory_space<semaphore_mem>> -> memref<1x!tpu.dma_semaphore, #tpu.memory_space<semaphore_mem>>
    %dma_wait3A_113 = tpu.memref_squeeze %dma_wait3A_112 : memref<1x!tpu.dma_semaphore, #tpu.memory_space<semaphore_mem>> -> memref<!tpu.dma_semaphore, #tpu.memory_space<semaphore_mem>>
    %dma_wait3A_114 = arith.constant 0 : i32
    %dma_wait3A_115 = arith.constant 0 : i32
    %dma_wait3A_116 = tpu.memref_slice %arg11[%dma_wait3A_103, %dma_wait3A_114, %dma_wait3A_115] : memref<2x80x128xf32, #tpu.memory_space<vmem>> -> memref<1x80x128xf32, #tpu.memory_space<vmem>>
    %dma_wait3A_117 = tpu.memref_squeeze %dma_wait3A_116 : memref<1x80x128xf32, #tpu.memory_space<vmem>> -> memref<80x128xf32, #tpu.memory_space<vmem>>
    %dma_wait3A_118 = arith.constant 0 : i32
    %dma_wait3A_119 = arith.constant 0 : i32
    %dma_wait3A_120 = tpu.memref_slice %arg6[%dma_wait3A_118, %dma_wait3A_119] : memref<10000x128xf32, #tpu.memory_space<hbm>> -> memref<80x128xf32, #tpu.memory_space<hbm>>
    tpu.wait_dma2 semaphore(%dma_wait3A_113 : memref<!tpu.dma_semaphore, #tpu.memory_space<semaphore_mem>>) src(%dma_wait3A_120 : memref<80x128xf32, #tpu.memory_space<hbm>>) dst(%dma_wait3A_117 : memref<80x128xf32, #tpu.memory_space<vmem>>)
    %barrier3A_121 = arith.constant 0 : index
    tpu.barrier barrier_id(%barrier3A_121)
    %mul3A_122 = arith.constant 624 : i32
    %mul3A_123 = arith.muli %arg1, %mul3A_122 : i32
    %mul3A_124 = arith.constant 624 : i32
    %mul3A_125 = arith.muli %arg1, %mul3A_124 : i32
    "tpu.region"() ({
      %run_scoped3A_131 = tpu.sem_alloc : memref<!tpu.dma_semaphore, #tpu.memory_space<semaphore_mem>>
      %dma_start3A_132 = arith.constant 0 : i32
      %dma_start3A_133 = tpu.memref_slice %arg7[%arg0, %mul3A_125, %dma_start3A_132] : memref<2x10000x128xf32, #tpu.memory_space<hbm>> -> memref<1x624x128xf32, #tpu.memory_space<hbm>>
      %dma_start3A_134 = tpu.memref_squeeze %dma_start3A_133 : memref<1x624x128xf32, #tpu.memory_space<hbm>> -> memref<624x128xf32, #tpu.memory_space<hbm>>
      %dma_start3A_135 = arith.constant 0 : i32
      %dma_start3A_136 = tpu.memref_slice %arg8[%mul3A_123, %dma_start3A_135] : memref<10000x128xf32, #tpu.memory_space<vmem_shared>> -> memref<624x128xf32, #tpu.memory_space<vmem_shared>>
      tpu.enqueue_dma source(%dma_start3A_136 : memref<624x128xf32, #tpu.memory_space<vmem_shared>>) target(%dma_start3A_134 : memref<624x128xf32, #tpu.memory_space<hbm>>) target_semaphore(%run_scoped3A_131 : memref<!tpu.dma_semaphore, #tpu.memory_space<semaphore_mem>>)
      %dma_wait3A_137 = arith.constant 0 : i32
      %dma_wait3A_138 = tpu.memref_slice %arg7[%arg0, %mul3A_125, %dma_wait3A_137] : memref<2x10000x128xf32, #tpu.memory_space<hbm>> -> memref<1x624x128xf32, #tpu.memory_space<hbm>>
      %dma_wait3A_139 = tpu.memref_squeeze %dma_wait3A_138 : memref<1x624x128xf32, #tpu.memory_space<hbm>> -> memref<624x128xf32, #tpu.memory_space<hbm>>
      %dma_wait3A_140 = arith.constant 0 : i32
      %dma_wait3A_141 = tpu.memref_slice %arg8[%mul3A_123, %dma_wait3A_140] : memref<10000x128xf32, #tpu.memory_space<vmem_shared>> -> memref<624x128xf32, #tpu.memory_space<vmem_shared>>
      tpu.wait_dma2 semaphore(%run_scoped3A_131 : memref<!tpu.dma_semaphore, #tpu.memory_space<semaphore_mem>>) src(%dma_wait3A_141 : memref<624x128xf32, #tpu.memory_space<vmem_shared>>) dst(%dma_wait3A_139 : memref<624x128xf32, #tpu.memory_space<hbm>>)
      tpu.yield
    }) : () -> ()
    %eq3A_126 = arith.constant 0 : i32
    %eq3A_127 = arith.cmpi eq, %arg1, %eq3A_126 : i32
    %convert_element_type3A_128 = arith.extui %eq3A_127 : i1 to i32
    %cond3A_129 = arith.constant 0 : i32
    %cond3A_130 = arith.cmpi ne, %convert_element_type3A_128, %cond3A_129 : i32
    scf.if %cond3A_130 {
      "tpu.region"() ({
        %run_scoped3A_131 = tpu.sem_alloc : memref<!tpu.dma_semaphore, #tpu.memory_space<semaphore_mem>>
        %dma_start3A_132 = arith.constant 9984 : i32
        %dma_start3A_133 = arith.constant 0 : i32
        %dma_start3A_134 = tpu.memref_slice %arg7[%arg0, %dma_start3A_132, %dma_start3A_133] : memref<2x10000x128xf32, #tpu.memory_space<hbm>> -> memref<1x16x128xf32, #tpu.memory_space<hbm>>
        %dma_start3A_135 = tpu.memref_squeeze %dma_start3A_134 : memref<1x16x128xf32, #tpu.memory_space<hbm>> -> memref<16x128xf32, #tpu.memory_space<hbm>>
        %dma_start3A_136 = arith.constant 9984 : i32
        %dma_start3A_137 = arith.constant 0 : i32
        %dma_start3A_138 = tpu.memref_slice %arg8[%dma_start3A_136, %dma_start3A_137] : memref<10000x128xf32, #tpu.memory_space<vmem_shared>> -> memref<16x128xf32, #tpu.memory_space<vmem_shared>>
        tpu.enqueue_dma source(%dma_start3A_138 : memref<16x128xf32, #tpu.memory_space<vmem_shared>>) target(%dma_start3A_135 : memref<16x128xf32, #tpu.memory_space<hbm>>) target_semaphore(%run_scoped3A_131 : memref<!tpu.dma_semaphore, #tpu.memory_space<semaphore_mem>>)
        %dma_wait3A_139 = arith.constant 9984 : i32
        %dma_wait3A_140 = arith.constant 0 : i32
        %dma_wait3A_141 = tpu.memref_slice %arg7[%arg0, %dma_wait3A_139, %dma_wait3A_140] : memref<2x10000x128xf32, #tpu.memory_space<hbm>> -> memref<1x16x128xf32, #tpu.memory_space<hbm>>
        %dma_wait3A_142 = tpu.memref_squeeze %dma_wait3A_141 : memref<1x16x128xf32, #tpu.memory_space<hbm>> -> memref<16x128xf32, #tpu.memory_space<hbm>>
        %dma_wait3A_143 = arith.constant 9984 : i32
        %dma_wait3A_144 = arith.constant 0 : i32
        %dma_wait3A_145 = tpu.memref_slice %arg8[%dma_wait3A_143, %dma_wait3A_144] : memref<10000x128xf32, #tpu.memory_space<vmem_shared>> -> memref<16x128xf32, #tpu.memory_space<vmem_shared>>
        tpu.wait_dma2 semaphore(%run_scoped3A_131 : memref<!tpu.dma_semaphore, #tpu.memory_space<semaphore_mem>>) src(%dma_wait3A_145 : memref<16x128xf32, #tpu.memory_space<vmem_shared>>) dst(%dma_wait3A_142 : memref<16x128xf32, #tpu.memory_space<hbm>>)
        tpu.yield
      }) : () -> ()
    } else {
    }
    return
  }
}

module attributes {stable_mosaic.version = 14 : i64} {
  func.func @_edge_lin_body(%arg0: i32, %arg1: memref<4000x16xf32, #tpu.memory_space<vmem>>, %arg2: memref<16x128xf32, #tpu.memory_space<vmem>>, %arg3: memref<1x128xf32, #tpu.memory_space<vmem>>, %arg4: memref<16x128xf32, #tpu.memory_space<vmem>>, %arg5: memref<1x128xf32, #tpu.memory_space<vmem>>, %arg6: memref<4000x128xf32, #tpu.memory_space<vmem>>, %arg7: memref<4000x128xf32, #tpu.memory_space<vmem>>) attributes {dimension_semantics = [#tpu.dimension_semantics<arbitrary>], iteration_bounds = array<i64: 80>, scalar_prefetch = 0 : i64, scratch_operands = 0 : i64, tpu.core_type = #tpu.core_type<tc>, window_params = [{transform_indices = @transform_0, window_bounds = array<i64: 4000, 16>}, {pipeline_mode = #tpu.pipeline_mode<synchronous>, transform_indices = @transform_1, window_bounds = array<i64: 16, 128>}, {pipeline_mode = #tpu.pipeline_mode<synchronous>, transform_indices = @transform_2, window_bounds = array<i64: 1, 128>}, {pipeline_mode = #tpu.pipeline_mode<synchronous>, transform_indices = @transform_3, window_bounds = array<i64: 16, 128>}, {pipeline_mode = #tpu.pipeline_mode<synchronous>, transform_indices = @transform_4, window_bounds = array<i64: 1, 128>}, {transform_indices = @transform_5, window_bounds = array<i64: 4000, 128>}, {transform_indices = @transform_6, window_bounds = array<i64: 4000, 128>}]} {
    %get3A = arith.constant 0 : index
    %get3A_0 = arith.constant 0 : index
    %get3A_1 = vector.load %arg1[%get3A, %get3A_0] : memref<4000x16xf32, #tpu.memory_space<vmem>>, vector<4000x16xf32>
    %get3A_2 = arith.constant 0 : index
    %get3A_3 = arith.constant 0 : index
    %get3A_4 = vector.load %arg2[%get3A_2, %get3A_3] : memref<16x128xf32, #tpu.memory_space<vmem>>, vector<16x128xf32>
    %dot_general3A = arith.constant dense<0.000000e+00> : vector<4000x128xf32>
    %dot_general3A_5 = tpu.matmul %get3A_1, %get3A_4, %dot_general3A {dimension_numbers = #tpu.dot_dimension_numbers<[1], [0], [0], [1], [0, 0, 1, 1], [], []>, transpose_lhs_hint = false} : vector<4000x16xf32>, vector<16x128xf32>, vector<4000x128xf32> -> vector<4000x128xf32>
    %get3A_6 = arith.constant 0 : index
    %get3A_7 = arith.constant 0 : index
    %get3A_8 = vector.load %arg3[%get3A_6, %get3A_7] : memref<1x128xf32, #tpu.memory_space<vmem>>, vector<1x128xf32>
    %add3A = vector.broadcast %get3A_8 : vector<1x128xf32> to vector<4000x128xf32>
    %add3A_9 = arith.addf %dot_general3A_5, %add3A : vector<4000x128xf32>
    %swap3A = arith.constant 0 : index
    %swap3A_10 = arith.constant 0 : index
    %swap3A_11 = vector.load %arg6[%swap3A, %swap3A_10] : memref<4000x128xf32, #tpu.memory_space<vmem>>, vector<4000x128xf32>
    tpu.vector_store %arg6[%swap3A, %swap3A_10], %add3A_9 {strides = array<i32>} : memref<4000x128xf32, #tpu.memory_space<vmem>>, vector<4000x128xf32>,
    %get3A_12 = arith.constant 0 : index
    %get3A_13 = arith.constant 0 : index
    %get3A_14 = vector.load %arg4[%get3A_12, %get3A_13] : memref<16x128xf32, #tpu.memory_space<vmem>>, vector<16x128xf32>
    %dot_general3A_15 = arith.constant dense<0.000000e+00> : vector<4000x128xf32>
    %dot_general3A_16 = tpu.matmul %get3A_1, %get3A_14, %dot_general3A_15 {dimension_numbers = #tpu.dot_dimension_numbers<[1], [0], [0], [1], [0, 0, 1, 1], [], []>, transpose_lhs_hint = false} : vector<4000x16xf32>, vector<16x128xf32>, vector<4000x128xf32> -> vector<4000x128xf32>
    %get3A_17 = arith.constant 0 : index
    %get3A_18 = arith.constant 0 : index
    %get3A_19 = vector.load %arg5[%get3A_17, %get3A_18] : memref<1x128xf32, #tpu.memory_space<vmem>>, vector<1x128xf32>
    %add3A_20 = vector.broadcast %get3A_19 : vector<1x128xf32> to vector<4000x128xf32>
    %add3A_21 = arith.addf %dot_general3A_16, %add3A_20 : vector<4000x128xf32>
    %swap3A_22 = arith.constant 0 : index
    %swap3A_23 = arith.constant 0 : index
    %swap3A_24 = vector.load %arg7[%swap3A_22, %swap3A_23] : memref<4000x128xf32, #tpu.memory_space<vmem>>, vector<4000x128xf32>
    tpu.vector_store %arg7[%swap3A_22, %swap3A_23], %add3A_21 {strides = array<i32>} : memref<4000x128xf32, #tpu.memory_space<vmem>>, vector<4000x128xf32>,
    return
  }
  func.func @transform_0(%arg0: i32) -> (i32, i32) {
    %c0_i32 = arith.constant 0 : i32
    %c0_i32_0 = arith.constant 0 : i32
    return %arg0, %c0_i32 : i32, i32
  }
  func.func @transform_1(%arg0: i32) -> (i32, i32) {
    %c0_i32 = arith.constant 0 : i32
    %c0_i32_0 = arith.constant 0 : i32
    %c0_i32_1 = arith.constant 0 : i32
    return %c0_i32, %c0_i32_0 : i32, i32
  }
  func.func @transform_2(%arg0: i32) -> (i32, i32) {
    %c0_i32 = arith.constant 0 : i32
    %c0_i32_0 = arith.constant 0 : i32
    %c0_i32_1 = arith.constant 0 : i32
    return %c0_i32, %c0_i32_0 : i32, i32
  }
  func.func @transform_3(%arg0: i32) -> (i32, i32) {
    %c0_i32 = arith.constant 0 : i32
    %c0_i32_0 = arith.constant 0 : i32
    %c0_i32_1 = arith.constant 0 : i32
    return %c0_i32, %c0_i32_0 : i32, i32
  }
  func.func @transform_4(%arg0: i32) -> (i32, i32) {
    %c0_i32 = arith.constant 0 : i32
    %c0_i32_0 = arith.constant 0 : i32
    %c0_i32_1 = arith.constant 0 : i32
    return %c0_i32, %c0_i32_0 : i32, i32
  }
  func.func @transform_5(%arg0: i32) -> (i32, i32) {
    %c0_i32 = arith.constant 0 : i32
    %c0_i32_0 = arith.constant 0 : i32
    return %arg0, %c0_i32 : i32, i32
  }
  func.func @transform_6(%arg0: i32) -> (i32, i32) {
    %c0_i32 = arith.constant 0 : i32
    %c0_i32_0 = arith.constant 0 : i32
    return %arg0, %c0_i32 : i32, i32
  }
}

module attributes {stable_mosaic.version = 14 : i64} {
  func.func @_mlp_body(%arg0: i32, %arg1: memref<1000x128xf32, #tpu.memory_space<vmem>>, %arg2: memref<1000x128xf32, #tpu.memory_space<vmem>>, %arg3: memref<1000x128xf32, #tpu.memory_space<vmem>>, %arg4: memref<128x128xf32, #tpu.memory_space<vmem>>, %arg5: memref<1x128xf32, #tpu.memory_space<vmem>>, %arg6: memref<128x128xf32, #tpu.memory_space<vmem>>, %arg7: memref<1x128xf32, #tpu.memory_space<vmem>>, %arg8: memref<1000x128xf32, #tpu.memory_space<vmem>>) attributes {dimension_semantics = [#tpu.dimension_semantics<arbitrary>], iteration_bounds = array<i64: 10>, scalar_prefetch = 0 : i64, scratch_operands = 0 : i64, tpu.core_type = #tpu.core_type<tc>, window_params = [{transform_indices = @transform_0, window_bounds = array<i64: 1000, 128>}, {transform_indices = @transform_1, window_bounds = array<i64: 1000, 128>}, {transform_indices = @transform_2, window_bounds = array<i64: 1000, 128>}, {pipeline_mode = #tpu.pipeline_mode<synchronous>, transform_indices = @transform_3, window_bounds = array<i64: 128, 128>}, {pipeline_mode = #tpu.pipeline_mode<synchronous>, transform_indices = @transform_4, window_bounds = array<i64: 1, 128>}, {pipeline_mode = #tpu.pipeline_mode<synchronous>, transform_indices = @transform_5, window_bounds = array<i64: 128, 128>}, {pipeline_mode = #tpu.pipeline_mode<synchronous>, transform_indices = @transform_6, window_bounds = array<i64: 1, 128>}, {transform_indices = @transform_7, window_bounds = array<i64: 1000, 128>}]} {
    %get3A = arith.constant 0 : index
    %get3A_0 = arith.constant 0 : index
    %get3A_1 = vector.load %arg1[%get3A, %get3A_0] : memref<1000x128xf32, #tpu.memory_space<vmem>>, vector<1000x128xf32>
    %get3A_2 = arith.constant 0 : index
    %get3A_3 = arith.constant 0 : index
    %get3A_4 = vector.load %arg2[%get3A_2, %get3A_3] : memref<1000x128xf32, #tpu.memory_space<vmem>>, vector<1000x128xf32>
    %add3A = arith.addf %get3A_1, %get3A_4 : vector<1000x128xf32>
    %get3A_5 = arith.constant 0 : index
    %get3A_6 = arith.constant 0 : index
    %get3A_7 = vector.load %arg3[%get3A_5, %get3A_6] : memref<1000x128xf32, #tpu.memory_space<vmem>>, vector<1000x128xf32>
    %add3A_8 = arith.addf %add3A, %get3A_7 : vector<1000x128xf32>
    %get3A_9 = arith.constant 0 : index
    %get3A_10 = arith.constant 0 : index
    %get3A_11 = vector.load %arg4[%get3A_9, %get3A_10] : memref<128x128xf32, #tpu.memory_space<vmem>>, vector<128x128xf32>
    %dot_general3A = arith.constant dense<0.000000e+00> : vector<1000x128xf32>
    %dot_general3A_12 = tpu.matmul %add3A_8, %get3A_11, %dot_general3A {dimension_numbers = #tpu.dot_dimension_numbers<[1], [0], [0], [1], [0, 0, 1, 1], [], []>, transpose_lhs_hint = false} : vector<1000x128xf32>, vector<128x128xf32>, vector<1000x128xf32> -> vector<1000x128xf32>
    %get3A_13 = arith.constant 0 : index
    %get3A_14 = arith.constant 0 : index
    %get3A_15 = vector.load %arg5[%get3A_13, %get3A_14] : memref<1x128xf32, #tpu.memory_space<vmem>>, vector<1x128xf32>
    %add3A_16 = vector.broadcast %get3A_15 : vector<1x128xf32> to vector<1000x128xf32>
    %add3A_17 = arith.addf %dot_general3A_12, %add3A_16 : vector<1000x128xf32>
    %max3A = arith.constant 0.000000e+00 : f32
    %max3A_18 = vector.broadcast %max3A : f32 to vector<1000x128xf32>
    %max3A_19 = arith.maximumf %add3A_17, %max3A_18 : vector<1000x128xf32>
    %get3A_20 = arith.constant 0 : index
    %get3A_21 = arith.constant 0 : index
    %get3A_22 = vector.load %arg6[%get3A_20, %get3A_21] : memref<128x128xf32, #tpu.memory_space<vmem>>, vector<128x128xf32>
    %dot_general3A_23 = arith.constant dense<0.000000e+00> : vector<1000x128xf32>
    %dot_general3A_24 = tpu.matmul %max3A_19, %get3A_22, %dot_general3A_23 {dimension_numbers = #tpu.dot_dimension_numbers<[1], [0], [0], [1], [0, 0, 1, 1], [], []>, transpose_lhs_hint = false} : vector<1000x128xf32>, vector<128x128xf32>, vector<1000x128xf32> -> vector<1000x128xf32>
    %get3A_25 = arith.constant 0 : index
    %get3A_26 = arith.constant 0 : index
    %get3A_27 = vector.load %arg7[%get3A_25, %get3A_26] : memref<1x128xf32, #tpu.memory_space<vmem>>, vector<1x128xf32>
    %add3A_28 = vector.broadcast %get3A_27 : vector<1x128xf32> to vector<1000x128xf32>
    %add3A_29 = arith.addf %dot_general3A_24, %add3A_28 : vector<1000x128xf32>
    %max3A_30 = arith.constant 0.000000e+00 : f32
    %max3A_31 = vector.broadcast %max3A_30 : f32 to vector<1000x128xf32>
    %max3A_32 = arith.maximumf %add3A_29, %max3A_31 : vector<1000x128xf32>
    %swap3A = arith.constant 0 : index
    %swap3A_33 = arith.constant 0 : index
    %swap3A_34 = vector.load %arg8[%swap3A, %swap3A_33] : memref<1000x128xf32, #tpu.memory_space<vmem>>, vector<1000x128xf32>
    tpu.vector_store %arg8[%swap3A, %swap3A_33], %max3A_32 {strides = array<i32>} : memref<1000x128xf32, #tpu.memory_space<vmem>>, vector<1000x128xf32>,
    return
  }
  func.func @transform_0(%arg0: i32) -> (i32, i32) {
    %c0_i32 = arith.constant 0 : i32
    %c0_i32_0 = arith.constant 0 : i32
    return %arg0, %c0_i32 : i32, i32
  }
  func.func @transform_1(%arg0: i32) -> (i32, i32) {
    %c0_i32 = arith.constant 0 : i32
    %c0_i32_0 = arith.constant 0 : i32
    return %arg0, %c0_i32 : i32, i32
  }
  func.func @transform_2(%arg0: i32) -> (i32, i32) {
    %c0_i32 = arith.constant 0 : i32
    %c0_i32_0 = arith.constant 0 : i32
    return %arg0, %c0_i32 : i32, i32
  }
  func.func @transform_3(%arg0: i32) -> (i32, i32) {
    %c0_i32 = arith.constant 0 : i32
    %c0_i32_0 = arith.constant 0 : i32
    %c0_i32_1 = arith.constant 0 : i32
    return %c0_i32, %c0_i32_0 : i32, i32
  }
  func.func @transform_4(%arg0: i32) -> (i32, i32) {
    %c0_i32 = arith.constant 0 : i32
    %c0_i32_0 = arith.constant 0 : i32
    %c0_i32_1 = arith.constant 0 : i32
    return %c0_i32, %c0_i32_0 : i32, i32
  }
  func.func @transform_5(%arg0: i32) -> (i32, i32) {
    %c0_i32 = arith.constant 0 : i32
    %c0_i32_0 = arith.constant 0 : i32
    %c0_i32_1 = arith.constant 0 : i32
    return %c0_i32, %c0_i32_0 : i32, i32
  }
  func.func @transform_6(%arg0: i32) -> (i32, i32) {
    %c0_i32 = arith.constant 0 : i32
    %c0_i32_0 = arith.constant 0 : i32
    %c0_i32_1 = arith.constant 0 : i32
    return %c0_i32, %c0_i32_0 : i32, i32
  }
  func.func @transform_7(%arg0: i32) -> (i32, i32) {
    %c0_i32 = arith.constant 0 : i32
    %c0_i32_0 = arith.constant 0 : i32
    return %arg0, %c0_i32 : i32, i32
  }
}

module attributes {stable_mosaic.version = 14 : i64} {
  func.func @_mlp_pool_body(%arg0: i32, %arg1: memref<1000x128xf32, #tpu.memory_space<vmem>>, %arg2: memref<1000x128xf32, #tpu.memory_space<vmem>>, %arg3: memref<1000x128xf32, #tpu.memory_space<vmem>>, %arg4: memref<128x128xf32, #tpu.memory_space<vmem>>, %arg5: memref<1x128xf32, #tpu.memory_space<vmem>>, %arg6: memref<128x128xf32, #tpu.memory_space<vmem>>, %arg7: memref<1x128xf32, #tpu.memory_space<vmem>>, %arg8: memref<1x1x1000xi32, #tpu.memory_space<vmem>>, %arg9: memref<128x128xf32, #tpu.memory_space<vmem>>, %arg10: memref<1x128xf32, #tpu.memory_space<vmem>>, %arg11: memref<64x128xf32, #tpu.memory_space<vmem>>, %arg12: memref<64x128xf32, #tpu.memory_space<vmem>>, %arg13: memref<64x1xf32, #tpu.memory_space<vmem>>) attributes {dimension_semantics = [#tpu.dimension_semantics<arbitrary>], iteration_bounds = array<i64: 10>, scalar_prefetch = 0 : i64, scratch_operands = 2 : i64, tpu.core_type = #tpu.core_type<tc>, window_params = [{transform_indices = @transform_0, window_bounds = array<i64: 1000, 128>}, {transform_indices = @transform_1, window_bounds = array<i64: 1000, 128>}, {transform_indices = @transform_2, window_bounds = array<i64: 1000, 128>}, {pipeline_mode = #tpu.pipeline_mode<synchronous>, transform_indices = @transform_3, window_bounds = array<i64: 128, 128>}, {pipeline_mode = #tpu.pipeline_mode<synchronous>, transform_indices = @transform_4, window_bounds = array<i64: 1, 128>}, {pipeline_mode = #tpu.pipeline_mode<synchronous>, transform_indices = @transform_5, window_bounds = array<i64: 128, 128>}, {pipeline_mode = #tpu.pipeline_mode<synchronous>, transform_indices = @transform_6, window_bounds = array<i64: 1, 128>}, {transform_indices = @transform_7, window_bounds = array<i64: 1, 1, 1000>}, {pipeline_mode = #tpu.pipeline_mode<synchronous>, transform_indices = @transform_8, window_bounds = array<i64: 128, 128>}, {pipeline_mode = #tpu.pipeline_mode<synchronous>, transform_indices = @transform_9, window_bounds = array<i64: 1, 128>}, {pipeline_mode = #tpu.pipeline_mode<synchronous>, transform_indices = @transform_10, window_bounds = array<i64: 64, 128>}]} {
    %eq3A = arith.constant 0 : i32
    %eq3A_0 = arith.cmpi eq, %arg0, %eq3A : i32
    %convert_element_type3A = arith.extui %eq3A_0 : i1 to i32
    %cond3A = arith.constant 0 : i32
    %cond3A_1 = arith.cmpi ne, %convert_element_type3A, %cond3A : i32
    scf.if %cond3A_1 {
      %broadcast_in_dim3A_66 = arith.constant 0.000000e+00 : f32
      %broadcast_in_dim3A_67 = vector.broadcast %broadcast_in_dim3A_66 : f32 to vector<64x128xf32>
      %swap3A_68 = arith.constant 0 : index
      %swap3A_69 = arith.constant 0 : index
      %swap3A_70 = vector.load %arg12[%swap3A_68, %swap3A_69] : memref<64x128xf32, #tpu.memory_space<vmem>>, vector<64x128xf32>
      tpu.vector_store %arg12[%swap3A_68, %swap3A_69], %broadcast_in_dim3A_67 {strides = array<i32>} : memref<64x128xf32, #tpu.memory_space<vmem>>, vector<64x128xf32>,
      %broadcast_in_dim3A_71 = arith.constant 0.000000e+00 : f32
      %broadcast_in_dim3A_72 = vector.broadcast %broadcast_in_dim3A_71 : f32 to vector<64x1xf32>
      %swap3A_73 = arith.constant 0 : index
      %swap3A_74 = arith.constant 0 : index
      %swap3A_75 = vector.load %arg13[%swap3A_73, %swap3A_74] : memref<64x1xf32, #tpu.memory_space<vmem>>, vector<64x1xf32>
      tpu.vector_store %arg13[%swap3A_73, %swap3A_74], %broadcast_in_dim3A_72 {strides = array<i32>} : memref<64x1xf32, #tpu.memory_space<vmem>>, vector<64x1xf32>,
    } else {
    }
    %get3A = arith.constant 0 : index
    %get3A_2 = arith.constant 0 : index
    %get3A_3 = vector.load %arg1[%get3A, %get3A_2] : memref<1000x128xf32, #tpu.memory_space<vmem>>, vector<1000x128xf32>
    %get3A_4 = arith.constant 0 : index
    %get3A_5 = arith.constant 0 : index
    %get3A_6 = vector.load %arg2[%get3A_4, %get3A_5] : memref<1000x128xf32, #tpu.memory_space<vmem>>, vector<1000x128xf32>
    %add3A = arith.addf %get3A_3, %get3A_6 : vector<1000x128xf32>
    %get3A_7 = arith.constant 0 : index
    %get3A_8 = arith.constant 0 : index
    %get3A_9 = vector.load %arg3[%get3A_7, %get3A_8] : memref<1000x128xf32, #tpu.memory_space<vmem>>, vector<1000x128xf32>
    %add3A_10 = arith.addf %add3A, %get3A_9 : vector<1000x128xf32>
    %get3A_11 = arith.constant 0 : index
    %get3A_12 = arith.constant 0 : index
    %get3A_13 = vector.load %arg4[%get3A_11, %get3A_12] : memref<128x128xf32, #tpu.memory_space<vmem>>, vector<128x128xf32>
    %dot_general3A = arith.constant dense<0.000000e+00> : vector<1000x128xf32>
    %dot_general3A_14 = tpu.matmul %add3A_10, %get3A_13, %dot_general3A {dimension_numbers = #tpu.dot_dimension_numbers<[1], [0], [0], [1], [0, 0, 1, 1], [], []>, transpose_lhs_hint = false} : vector<1000x128xf32>, vector<128x128xf32>, vector<1000x128xf32> -> vector<1000x128xf32>
    %get3A_15 = arith.constant 0 : index
    %get3A_16 = arith.constant 0 : index
    %get3A_17 = vector.load %arg5[%get3A_15, %get3A_16] : memref<1x128xf32, #tpu.memory_space<vmem>>, vector<1x128xf32>
    %add3A_18 = vector.broadcast %get3A_17 : vector<1x128xf32> to vector<1000x128xf32>
    %add3A_19 = arith.addf %dot_general3A_14, %add3A_18 : vector<1000x128xf32>
    %max3A = arith.constant 0.000000e+00 : f32
    %max3A_20 = vector.broadcast %max3A : f32 to vector<1000x128xf32>
    %max3A_21 = arith.maximumf %add3A_19, %max3A_20 : vector<1000x128xf32>
    %get3A_22 = arith.constant 0 : index
    %get3A_23 = arith.constant 0 : index
    %get3A_24 = vector.load %arg6[%get3A_22, %get3A_23] : memref<128x128xf32, #tpu.memory_space<vmem>>, vector<128x128xf32>
    %dot_general3A_25 = arith.constant dense<0.000000e+00> : vector<1000x128xf32>
    %dot_general3A_26 = tpu.matmul %max3A_21, %get3A_24, %dot_general3A_25 {dimension_numbers = #tpu.dot_dimension_numbers<[1], [0], [0], [1], [0, 0, 1, 1], [], []>, transpose_lhs_hint = false} : vector<1000x128xf32>, vector<128x128xf32>, vector<1000x128xf32> -> vector<1000x128xf32>
    %get3A_27 = arith.constant 0 : index
    %get3A_28 = arith.constant 0 : index
    %get3A_29 = vector.load %arg7[%get3A_27, %get3A_28] : memref<1x128xf32, #tpu.memory_space<vmem>>, vector<1x128xf32>
    %add3A_30 = vector.broadcast %get3A_29 : vector<1x128xf32> to vector<1000x128xf32>
    %add3A_31 = arith.addf %dot_general3A_26, %add3A_30 : vector<1000x128xf32>
    %max3A_32 = arith.constant 0.000000e+00 : f32
    %max3A_33 = vector.broadcast %max3A_32 : f32 to vector<1000x128xf32>
    %max3A_34 = arith.maximumf %add3A_31, %max3A_33 : vector<1000x128xf32>
    %get3A_35 = arith.constant 0 : index
    %get3A_36 = arith.constant 0 : index
    %get3A_37 = arith.constant 0 : index
    %get3A_38 = vector.load %arg8[%get3A_35, %get3A_36, %get3A_37] : memref<1x1x1000xi32, #tpu.memory_space<vmem>>, vector<1x1x1000xi32>
    %get3A_39 = vector.shape_cast %get3A_38 : vector<1x1x1000xi32> to vector<1000xi32>
    %iota3A = tpu.iota {dimensions = array<i32: 0>} : vector<64x1000xi32>
    %broadcast_in_dim3A = vector.shape_cast %get3A_39 : vector<1000xi32> to vector<1x1000xi32>
    %eq3A_40 = vector.broadcast %broadcast_in_dim3A : vector<1x1000xi32> to vector<64x1000xi32>
    %eq3A_41 = arith.cmpi eq, %eq3A_40, %iota3A : vector<64x1000xi32>
    %convert_element_type3A_42 = arith.extui %eq3A_41 : vector<64x1000xi1> to vector<64x1000xi32>
    %convert_element_type3A_43 = arith.sitofp %convert_element_type3A_42 : vector<64x1000xi32> to vector<64x1000xf32>
    %get3A_44 = arith.constant 0 : index
    %get3A_45 = arith.constant 0 : index
    %get3A_46 = vector.load %arg12[%get3A_44, %get3A_45] : memref<64x128xf32, #tpu.memory_space<vmem>>, vector<64x128xf32>
    %dot_general3A_47 = arith.constant dense<0.000000e+00> : vector<64x128xf32>
    %dot_general3A_48 = tpu.matmul %convert_element_type3A_43, %max3A_34, %dot_general3A_47 {dimension_numbers = #tpu.dot_dimension_numbers<[1], [0], [0], [1], [0, 0, 1, 1], [], []>, transpose_lhs_hint = false} : vector<64x1000xf32>, vector<1000x128xf32>, vector<64x128xf32> -> vector<64x128xf32>
    %add3A_49 = arith.addf %get3A_46, %dot_general3A_48 : vector<64x128xf32>
    %swap3A = arith.constant 0 : index
    %swap3A_50 = arith.constant 0 : index
    %swap3A_51 = vector.load %arg12[%swap3A, %swap3A_50] : memref<64x128xf32, #tpu.memory_space<vmem>>, vector<64x128xf32>
    tpu.vector_store %arg12[%swap3A, %swap3A_50], %add3A_49 {strides = array<i32>} : memref<64x128xf32, #tpu.memory_space<vmem>>, vector<64x128xf32>,
    %get3A_52 = arith.constant 0 : index
    %get3A_53 = arith.constant 0 : index
    %get3A_54 = vector.load %arg13[%get3A_52, %get3A_53] : memref<64x1xf32, #tpu.memory_space<vmem>>, vector<64x1xf32>
    %reduce_sum3A = arith.constant dense<0.000000e+00> : vector<64xf32>
    %reduce_sum3A_55 = vector.multi_reduction <add>, %convert_element_type3A_43, %reduce_sum3A [1] : vector<64x1000xf32> to vector<64xf32>
    %broadcast_in_dim3A_56 = vector.shape_cast %reduce_sum3A_55 : vector<64xf32> to vector<64x1xf32>
    %add3A_57 = arith.addf %get3A_54, %broadcast_in_dim3A_56 : vector<64x1xf32>
    %swap3A_58 = arith.constant 0 : index
    %swap3A_59 = arith.constant 0 : index
    %swap3A_60 = vector.load %arg13[%swap3A_58, %swap3A_59] : memref<64x1xf32, #tpu.memory_space<vmem>>, vector<64x1xf32>
    tpu.vector_store %arg13[%swap3A_58, %swap3A_59], %add3A_57 {strides = array<i32>} : memref<64x1xf32, #tpu.memory_space<vmem>>, vector<64x1xf32>,
    %eq3A_61 = arith.constant 9 : i32
    %eq3A_62 = arith.cmpi eq, %arg0, %eq3A_61 : i32
    %convert_element_type3A_63 = arith.extui %eq3A_62 : i1 to i32
    %cond3A_64 = arith.constant 0 : i32
    %cond3A_65 = arith.cmpi ne, %convert_element_type3A_63, %cond3A_64 : i32
    scf.if %cond3A_65 {
      %get3A_66 = arith.constant 0 : index
      %get3A_67 = arith.constant 0 : index
      %get3A_68 = vector.load %arg12[%get3A_66, %get3A_67] : memref<64x128xf32, #tpu.memory_space<vmem>>, vector<64x128xf32>
      %get3A_69 = arith.constant 0 : index
      %get3A_70 = arith.constant 0 : index
      %get3A_71 = vector.load %arg13[%get3A_69, %get3A_70] : memref<64x1xf32, #tpu.memory_space<vmem>>, vector<64x1xf32>
      %max3A_72 = arith.constant 1.000000e+00 : f32
      %max3A_73 = vector.broadcast %max3A_72 : f32 to vector<64x1xf32>
      %max3A_74 = arith.maximumf %get3A_71, %max3A_73 : vector<64x1xf32>
      %div3A = vector.broadcast %max3A_74 : vector<64x1xf32> to vector<64x128xf32>
      %div3A_75 = arith.divf %get3A_68, %div3A : vector<64x128xf32>
      %get3A_76 = arith.constant 0 : index
      %get3A_77 = arith.constant 0 : index
      %get3A_78 = vector.load %arg9[%get3A_76, %get3A_77] : memref<128x128xf32, #tpu.memory_space<vmem>>, vector<128x128xf32>
      %dot_general3A_79 = arith.constant dense<0.000000e+00> : vector<64x128xf32>
      %dot_general3A_80 = tpu.matmul %div3A_75, %get3A_78, %dot_general3A_79 {dimension_numbers = #tpu.dot_dimension_numbers<[1], [0], [0], [1], [0, 0, 1, 1], [], []>, transpose_lhs_hint = false} : vector<64x128xf32>, vector<128x128xf32>, vector<64x128xf32> -> vector<64x128xf32>
      %get3A_81 = arith.constant 0 : index
      %get3A_82 = arith.constant 0 : index
      %get3A_83 = vector.load %arg10[%get3A_81, %get3A_82] : memref<1x128xf32, #tpu.memory_space<vmem>>, vector<1x128xf32>
      %add3A_84 = vector.broadcast %get3A_83 : vector<1x128xf32> to vector<64x128xf32>
      %add3A_85 = arith.addf %dot_general3A_80, %add3A_84 : vector<64x128xf32>
      %swap3A_86 = arith.constant 0 : index
      %swap3A_87 = arith.constant 0 : index
      %swap3A_88 = vector.load %arg11[%swap3A_86, %swap3A_87] : memref<64x128xf32, #tpu.memory_space<vmem>>, vector<64x128xf32>
      tpu.vector_store %arg11[%swap3A_86, %swap3A_87], %add3A_85 {strides = array<i32>} : memref<64x128xf32, #tpu.memory_space<vmem>>, vector<64x128xf32>,
    } else {
    }
    return
  }
  func.func @transform_0(%arg0: i32) -> (i32, i32) {
    %c0_i32 = arith.constant 0 : i32
    %c0_i32_0 = arith.constant 0 : i32
    return %arg0, %c0_i32 : i32, i32
  }
  func.func @transform_1(%arg0: i32) -> (i32, i32) {
    %c0_i32 = arith.constant 0 : i32
    %c0_i32_0 = arith.constant 0 : i32
    return %arg0, %c0_i32 : i32, i32
  }
  func.func @transform_2(%arg0: i32) -> (i32, i32) {
    %c0_i32 = arith.constant 0 : i32
    %c0_i32_0 = arith.constant 0 : i32
    return %arg0, %c0_i32 : i32, i32
  }
  func.func @transform_3(%arg0: i32) -> (i32, i32) {
    %c0_i32 = arith.constant 0 : i32
    %c0_i32_0 = arith.constant 0 : i32
    %c0_i32_1 = arith.constant 0 : i32
    return %c0_i32, %c0_i32_0 : i32, i32
  }
  func.func @transform_4(%arg0: i32) -> (i32, i32) {
    %c0_i32 = arith.constant 0 : i32
    %c0_i32_0 = arith.constant 0 : i32
    %c0_i32_1 = arith.constant 0 : i32
    return %c0_i32, %c0_i32_0 : i32, i32
  }
  func.func @transform_5(%arg0: i32) -> (i32, i32) {
    %c0_i32 = arith.constant 0 : i32
    %c0_i32_0 = arith.constant 0 : i32
    %c0_i32_1 = arith.constant 0 : i32
    return %c0_i32, %c0_i32_0 : i32, i32
  }
  func.func @transform_6(%arg0: i32) -> (i32, i32) {
    %c0_i32 = arith.constant 0 : i32
    %c0_i32_0 = arith.constant 0 : i32
    %c0_i32_1 = arith.constant 0 : i32
    return %c0_i32, %c0_i32_0 : i32, i32
  }
  func.func @transform_7(%arg0: i32) -> (i32, i32, i32) {
    %c0_i32 = arith.constant 0 : i32
    %c0_i32_0 = arith.constant 0 : i32
    %c0_i32_1 = arith.constant 0 : i32
    return %arg0, %c0_i32, %c0_i32_0 : i32, i32, i32
  }
  func.func @transform_8(%arg0: i32) -> (i32, i32) {
    %c0_i32 = arith.constant 0 : i32
    %c0_i32_0 = arith.constant 0 : i32
    %c0_i32_1 = arith.constant 0 : i32
    return %c0_i32, %c0_i32_0 : i32, i32
  }
  func.func @transform_9(%arg0: i32) -> (i32, i32) {
    %c0_i32 = arith.constant 0 : i32
    %c0_i32_0 = arith.constant 0 : i32
    %c0_i32_1 = arith.constant 0 : i32
    return %c0_i32, %c0_i32_0 : i32, i32
  }
  func.func @transform_10(%arg0: i32) -> (i32, i32) {
    %c0_i32 = arith.constant 0 : i32
    %c0_i32_0 = arith.constant 0 : i32
    %c0_i32_1 = arith.constant 0 : i32
    return %c0_i32, %c0_i32_0 : i32, i32
  }
}

</mosaic_0001>

<sc_bundles>
// kernel: kernel.10.cloned.1.call-start
scs
__scs_entry_jumppad:
0x0: {  	(pc) =	sbr.rel $0x88, $3  }
0x1: {  	(tag) =	ssettag $0x0;
	lr =	simm.s32 $0x1  }
0x2: {  	[smem:$0x3F8F] =	sst lr;
	_ =	strace $0xD0000000  }
0x3: {  	_ = 	snop  }
0x4: {  	_ = 	snop  }
0x5: {  	_ = 	snop  }
0x6: {  	_ = 	snop  }
0x7: {  	_ = 	snop  }
__scs_overlays_trampoline_lowered:
0x8: {  	[smem:$0x3F9E] =	sst s0  }
0x9: {  	[smem:$0x3F9F] =	sst s1  }
0xa: {  	[smem:$0x3FA0] =	sst s2  }
0xb: {  	[smem:$0x3FA1] =	sst s3  }
0xc: {  	[smem:$0x3FA2] =	sst s4  }
0xd: {  	[smem:$0x3FA3] =	sst s5  }
0xe: {  	[smem:$0x3FA4] =	sst s6  }
0xf: {  	[smem:$0x3FA5] =	sst s7  }
0x10: {  	[smem:$0x3FA6] =	sst s8  }
0x11: {  	[smem:$0x3FA7] =	sst s9;
	s0 =	simm.s32 @!p0 $0x0  }
0x12: {  	s1 =	sld [smem:$0x3F8D];
	s0 =	simm.s32 @p0 $0x1  }
0x13: {  	[smem:$0x3FA8] =	sst s0;
	s0 =	simm.s32 @!p1 $0x0  }
0x14: {  	s2 =	sld [smem:$0x3F8C];
	s0 =	simm.s32 @p1 $0x1  }
0x15: {  	[smem:$0x3FA9] =	sst s0;
	s0 =	simm.s32 @!p2 $0x0  }
0x16: {  	s3 =	sld [smem:$0x3FDB];
	s0 =	simm.s32 @p2 $0x1  }
0x17: {  	s4 =	simm.s32 $0x1BF5;
	[smem:$0x3FAB] =	sst s0  }
0x18: {  	s0 =	sld [smem:$0x3F8E];
	_ =	swait.ge [sflag:s4], $0x0  }
0x19: {  	s7 =	sld [smem:$0x3F8F]  }
0x1a: {  	s8 =	sadd.s32 $0xFFFFE003, lr  }
0x1b: {  	s9 =	sadd.s32 $0xFFFFFEF7, lr;
	s5 =	simm.s32 $0xFFFFFFFF;
	p2 =	slt.u32 s8, $0xFFFFF086  }
0x1c: {  	p1 =	slt.u32 s9, $0xF7A;
	s5 =	simm.s32 @!p2 $0x0  }
0x1d: {  	s5 =	simm.s32 @p1 $0x1;
	p0 =	seq.s32 s7, s2  }
0x1e: {  	s7 =	smul.u32 @!p0 $0xF7A, s2;
	p2 =	seq.s32 @!p0 s5, $0x0  }
0x1f: {  	s9 =	smul.u32 $0xF7A, s1;
	s8 =	simm.s32 @!p0 $0x1BF5;
	p2 =	por !p2, p0  }
0x20: {  	[sflag:s8] =	ssyncset.s32 @!p0 $0xFFFFF086;
	s6 =	sadd.s32 @!p0 s3, s7;
	s7 =	simm.s32 @!p0 $0x108  }
0x21: {  	s3 =	sadd.s32 s3, s9;
	s6 =	sadd.s32 @!p0 $0x88, s6;
	s7 =	simm.s32 @p2 $0x1082  }
0x22: {  	[simem:s7], [sflag:s8] =	dma.local @!p0 [hbm:s6], $0xF7A  }
0x23: {  	s9 =	sor.u32 $0xD0000000, s2;
	s6 =	simm.s32 $0x108;
	_ =	swait.ge @!p0 [sflag:s8], $0x0  }
0x24: {  	s3 =	sadd.s32 $0x88, s3;
	s6 =	simm.s32 @!p1 $0x1082;
	[sflag:s4] =	ssyncset.s32 $0xFFFFF086  }
0x25: {  	[simem:s6], [sflag:s4] =	dma.local [hbm:s3], $0xF7A  }
0x26: {  	[smem:$0x3F8F] =	sst s1;
	(tag) =	ssettag s2;
	_ =	strace s9  }
0x27: {  	s1 =	sld [smem:$0x3F9F]  }
0x28: {  	s2 =	sld [smem:$0x3FA0]  }
0x29: {  	s4 =	sld [smem:$0x3FA2]  }
0x2a: {  	p0 =	seq.s32 s5, $0x0;
	s5 =	sld [smem:$0x3FA3]  }
0x2b: {  	s6 =	sld [smem:$0x3FA4]  }
0x2c: {  	s7 =	sld [smem:$0x3FA5]  }
0x2d: {  	s3 =	simm.s32 $0x108;
	s8 =	sld [smem:$0x3FA6]  }
0x2e: {  	s3 =	simm.s32 @!p0 $0x1082;
	s9 =	sld [smem:$0x3FA7]  }
0x2f: {  	lr =	sadd.s32 s0, s3;
	s0 =	sld [smem:$0x3F9E]  }
0x30: {  	s3 =	sld [smem:$0x3FA1]  }
0x31: {  	[smem:$0x3FAA] =	sst s10  }
0x32: {  	s10 =	sld [smem:$0x3FA8];
	_ =	sdelay $0x3  }
0x33: {  	p0 =	seq.s32 s10, $0x1;
	s10 =	sld [smem:$0x3FAA];
	_ =	sdelay $0x3  }
0x34: {  	[smem:$0x3FAA] =	sst s10  }
0x35: {  	s10 =	sld [smem:$0x3FA9];
	_ =	sdelay $0x3  }
0x36: {  	p1 =	seq.s32 s10, $0x1;
	s10 =	sld [smem:$0x3FAA];
	_ =	sdelay $0x3  }
0x37: {  	[smem:$0x3FAA] =	sst s10  }
0x38: {  	s10 =	sld [smem:$0x3FAB]  }
0x39: {  	_ = 	snop;
	(pc) =	sbr.ind lr, $3  }
0x3a: {  	_ = 	snop  }
0x3b: {  	_ = 	snop  }
0x3c: {  	p2 =	seq.s32 s10, $0x1;
	s10 =	sld [smem:$0x3FAA]  }
0x3d: {  	_ =	shalt  }
0x3e: {  	_ =	shalt  }
0x3f: {  	_ =	shalt  }
0x40: {  	_ =	shalt  }
0x41: {  	_ =	shalt  }
0x42: {  	_ =	shalt  }
0x43: {  	_ =	shalt  }
0x44: {  	_ =	shalt  }
0x45: {  	_ =	shalt  }
0x46: {  	_ =	shalt  }
0x47: {  	_ =	shalt  }
0x48: {  	_ =	shalt  }
0x49: {  	_ =	shalt  }
0x4a: {  	_ =	shalt  }
0x4b: {  	_ =	shalt  }
0x4c: {  	_ =	shalt  }
0x4d: {  	_ =	shalt  }
0x4e: {  	_ =	shalt  }
0x4f: {  	_ =	shalt  }
0x50: {  	_ =	shalt  }
0x51: {  	_ =	shalt  }
0x52: {  	_ =	shalt  }
0x53: {  	_ =	shalt  }
0x54: {  	_ =	shalt  }
0x55: {  	_ =	shalt  }
0x56: {  	_ =	shalt  }
0x57: {  	_ =	shalt  }
0x58: {  	_ =	shalt  }
0x59: {  	_ =	shalt  }
0x5a: {  	_ =	shalt  }
0x5b: {  	_ =	shalt  }
0x5c: {  	_ =	shalt  }
0x5d: {  	_ =	shalt  }
0x5e: {  	_ =	shalt  }
0x5f: {  	_ =	shalt  }
0x60: {  	_ =	shalt  }
0x61: {  	_ =	shalt  }
0x62: {  	_ =	shalt  }
0x63: {  	_ =	shalt  }
0x64: {  	_ =	shalt  }
0x65: {  	_ =	shalt  }
0x66: {  	_ =	shalt  }
0x67: {  	_ =	shalt  }
0x68: {  	_ =	shalt  }
0x69: {  	_ =	shalt  }
0x6a: {  	_ =	shalt  }
0x6b: {  	_ =	shalt  }
0x6c: {  	_ =	shalt  }
0x6d: {  	_ =	shalt  }
0x6e: {  	_ =	shalt  }
0x6f: {  	_ =	shalt  }
0x70: {  	_ =	shalt  }
0x71: {  	_ =	shalt  }
0x72: {  	_ =	shalt  }
0x73: {  	_ =	shalt  }
0x74: {  	_ =	shalt  }
0x75: {  	_ =	shalt  }
0x76: {  	_ =	shalt  }
0x77: {  	_ =	shalt  }
0x78: {  	_ =	shalt  }
0x79: {  	_ =	shalt  }
0x7a: {  	_ =	shalt  }
0x7b: {  	_ =	shalt  }
0x7c: {  	_ =	shalt  }
0x7d: {  	_ =	shalt  }
0x7e: {  	_ =	shalt  }
0x7f: {  	_ =	shalt  }
0x80: {  	_ =	shalt  }
0x81: {  	_ =	shalt  }
0x82: {  	_ =	shalt  }
0x83: {  	_ =	shalt  }
0x84: {  	_ =	shalt  }
0x85: {  	_ =	shalt  }
0x86: {  	_ =	shalt  }
0x87: {  	_ =	shalt  }
.Lfunc_end0:
.L_simem_size_0:
called_computation.1_lowered:
.L_overlay_start_0:
0x88: {  	s2 =	sld [smem:$0x3FD9]  }
0x89: {  	s3 =	sld [smem:$0x3FFE];
	_ =	sdelay $0x1  }
0x8a: {  	s1 =	srdreg.scid  }
0x8b: {  	s0 =	sand.u32 $0x1, s1  }
0x8c: {  	s16 =	sshll.u32 s0, $0xA;
	s2 =	sadd.s32 s3, s2  }
0x8d: {  	s2 =	sadd.s32 s2, s16  }
0x8e: {  	[smem:$0x3FB6] =	sst s2  }
0x8f: {  	_ = 	snop  }
0x90: {  	(tm) =	ssettm $0x1  }
0x91: {  	s17 =	sld [smem:$0x3FFB];
	_ =	sdelay $0x3  }
0x92: {  	_ =	strace s17  }
0x93: {  	s2 =	sld [smem:$0x3FFC];
	_ =	sdelay $0x3  }
0x94: {  	_ =	strace s2  }
0x95: {  	s2 =	sld [smem:$0x3FFD];
	_ =	sdelay $0x3  }
0x96: {  	_ =	strace s2  }
0x97: {  	_ =	strace $0x8FFFFFFF  }
0x98: {  	s18 =	sld [smem:$0x3FDB];
	_ =	sdelay $0x1  }
0x99: {  	s19 =	simm.s32 $_scs_section_size  }
0x9a: {  	s4 =	simm.s32 $_size__tile_overlayer_lowered;
	s5 =	simm.s32 $_tile_overlayer_lowered  }
0x9b: {  	s22 =	simm.s32 $0x1BFF;
	s21 =	sshll.u32 s5, $0x1;
	s2 =	sadd.s32 s19, s18  }
0x9c: {  	s6 =	simm.s32 $0x0;
	s20 =	sshll.u32 s4, $0x1;
	s4 =	sadd.s32 s21, s2  }
0x9d: {  	[timem:s6], [sflag:s22] =	dma.local [hbm:s4], s20  }
0x9e: {  	_ =	swait.ge [sflag:s22], s20  }
0x9f: {  	s3 =	ssub.s32 $0x0, s20;
	[sflag:s22] =	ssyncset.done $0x0  }
0xa0: {  	[sflag:s22] =	ssyncadd.s32 s3;
	_ =	sdelay $0x1  }
0xa1: {  	s23 =	simm.s32 $0x1B8B  }
0xa2: {  	_ =	swait.ge [sflag:s23], $0x1  }
0xa3: {  	[sflag:s23] =	ssyncset.done $0x0  }
0xa4: {  	s25 =	simm.s32 $0x1B8E;
	s24 =	sld [smem:$0x3FFE];
	[sflag:s23] =	ssyncadd.s32 $0xFFFFFFFF  }
0xa5: {  	s26 =	simm.s32 $execute0_lowered;
	[smem:$0x3FD2] =	sst s25  }
0xa6: {  	s4 =	sshll.u32 s26, $0x1;
	_ =	strace $0x80000049;
	[dreg:$0x1] =	wrdreg $0xFFFFFFFF  }
0xa7: {  	s28 =	simm.s32 $_size_execute0_lowered;
	s2 =	sadd.s32 s2, s4;
	[dreg:$0x0] =	wrdreg $0x0  }
0xa8: {  	s4 =	sshll.u32 s28, $0x1;
	[dreg:$0x2] =	wrdreg s2  }
0xa9: {  	[dreg:$0x3] =	wrdreg s4  }
0xaa: {  	[dreg:$0x4] =	wrdreg $0xC0  }
0xab: {  	_ =	task [dreg:s6], $0x5FFFF  }
0xac: {  	[dreg:$0x1] =	wrdreg $0xFFFFFFFF  }
0xad: {  	[dreg:$0x0] =	wrdreg $0x60  }
0xae: {  	[dreg:$0x2] =	wrdreg s24  }
0xaf: {  	[dreg:$0x3] =	wrdreg $0x0  }
0xb0: {  	[dreg:$0x4] =	wrdreg $0x9  }
0xb1: {  	_ =	task.clear_ibuf [dreg:s6], $0x5FFFF;
	_ =	strace $0x90000049  }
0xb2: {  	s29 =	simm.s32 $0x9;
	_ =	strace $0x8000004B  }
0xb3: {  	_ =	swait.ge [sflag:s29], $0x1  }
0xb4: {  	[sflag:s29] =	ssyncadd.s32 $0xFFFFFFFF  }
0xb5: {  	_ =	strace $0x9000004B  }
0xb6: {  	_ =	sfence  }
0xb7: {  	s30 =	sld [smem:$0x0];
	_ =	sdelay $0x2  }
0xb8: {  	s31 =	sshll.u32 s1, $0xD;
	s1 =	sshrl.u32 s1, $0x2  }
0xb9: {  	s3 =	sand.u32 $0x4000, s31;
	s1 =	sadd.s32 s1, s30  }
0xba: {  	s0 =	sor.u32 s3, s0;
	s1 =	sshll.u32 s1, $0x11  }
0xbb: {  	s0 =	sor.u32 s1, s0  }
0xbc: {  	s0 =	sadd.s32 $0x8F2B, s0  }
0xbd: {  	[sflag:s0] =	ssyncadd.remote.s32 $0x1  }
0xbe: {  	_ =	sfence.sel $0xFFFF  }
0xbf: {  	[dreg:$0x0] =	wrdreg $0xFFFFFFFF;
	(pc) =	sbr.abs _section_cstart, $3  }
0xc0: {  	[dreg:$0x1] =	wrdreg $0xFFFFFFFF  }
0xc1: {  	_ =	task.clear_ibuf [dreg:s6], $0x2FFFF;
	_ =	strace $0x9FFFFFFF  }
0xc2: {  	(tm) =	ssettm $0x7FFFFFFF  }
0xc3: {  	_ =	shalt  }
tec
execute0_lowered:
.L_overlay_start_1:
0x0: {  	(tag) =	ssettag $0x1  }
0x1: {  	s0 =	rddreg [dreg:$0x0]  }
0x2: {  	s1 =	rddreg [dreg:$0x1]  }
0x3: {  	s2 =	simm.s32 $0x0;
	s8 =	stileid.u32;
	s6 =	srdreg.scid  }
0x4: {  	s30 =	simm.s32 $0x9;
	s31 =	simm.s32 $0xA;
	[smem:$0x7FF] =	sst s2  }
0x5: {  	s9 =	smul.u32 $0x13800, s8;
	s3 =	sadd.s32 $0x3E400, s0;
	s4 =	sadd.s32 $0xD400, s0  }
0x6: {  	s5 =	sadd.s32 $0x3600, s0;
	s11 =	sand.u32 $0x1, s6;
	s6 =	sadd.s32 $0x9DB200, s0  }
0x7: {  	s13 =	sshll.u32 s8, $0x1;
	s14 =	smul.u32 $0x4E000, s8;
	s18 =	sadd.s32 $0x65600, s0  }
0x8: {  	s15 =	sshll.u32 s8, $0x6;
	s22 =	sadd.s32 $0x138000, s1;
	p0 =	sne.s32 s8, $0x0  }
0x9: {  	_ =	strace $0x8000004A;
	s21 =	ssub.s32 $0x2, s11;
	s13 =	sor.u32 s11, s13  }
0xa: {  	[dreg:$0x5] =	wrdreg s22;
	s11 =	smul.u32 $0x138800, s11;
	s22 =	simm.s32 $0x13880  }
0xb: {  	s7 =	sshrl.u32 s9, $0x3;
	s12 =	sshrl.u32 s21, $0x1;
	s14 =	sshrl.u32 s14, $0x2  }
0xc: {  	s26 =	smul.u32 $0x27100, s13;
	s10 =	sadd.s32 s7, s0;
	s12 =	ssub.s32 s21, s12  }
0xd: {  	s7 =	smul.u32 $0x2710, s13;
	s14 =	sadd.s32 s14, s1;
	s0 =	sadd.s32 $0x3E200, s0  }
0xe: {  	s9 =	sadd.s32 s9, s11;
	s11 =	sshrl.u32 s11, $0x3;
	[dreg:$0x3] =	wrdreg s14  }
0xf: {  	s21 =	simm.s32 $0xB;
	s10 =	sadd.s32 $0x17200, s10;
	[dreg:$0x6] =	wrdreg s0  }
0x10: {  	s17 =	sadd.s32 s6, s26;
	s28 =	sshrl.u32 s9, $0x3;
	s29 =	sadd.s32 s18, s11  }
0x11: {  	s20 =	smax.u32 s12, $0x1;
	s26 =	simm.s32 $0x50;
	s23 =	sshrl.u32 s7, $0x3  }
0x12: {  	[dreg:$0x4] =	wrdreg s10;
	s10 =	sor.u32 $0x1C0B, s15;
	s24 =	sadd.s32 s4, s23  }
0x13: {  	s18 =	sadd.s32 s18, s28;
	s0 =	sadd.s32 s5, s23;
	[dreg:$0x7] =	wrdreg s24  }
0x14: {  	s19 =	sadd.s32 $0x27000, s29;
	s25 =	sadd.s32 $0xA, s23;
	[dreg:$0x8] =	wrdreg s0  }
0x15: {  	s15 =	sadd.s32 s4, s25;
	s16 =	sadd.s32 s5, s25;
	s0 =	simm.s32 $0x0  }
.LBB2_1:
0x16: {  	s8 =	rddreg [dreg:$0x3]  }
0x17: {  	s11 =	rddreg [dreg:$0x4];
	s23 =	sshrl.u32 s8, $0x3  }
0x18: {  	[spmem:s23], [sflag:s10] =	dma.local [hbm:s11], $0x2700  }
0x19: {  	_ =	swait.ge [sflag:s21], $0x2700  }
0x1a: {  	[sflag:s21] =	ssyncset.done $0x0;
	s8 =	rddreg [dreg:$0x5]  }
0x1b: {  	[sflag:s21] =	ssyncadd.s32 $0xFFFFD900;
	s24 =	sshrl.u32 @!p0 s8, $0x3;
	s8 =	rddreg [dreg:$0x6]  }
0x1c: {  	[spmem:s24], [sflag:s10] =	dma.local @!p0 [hbm:s8], $0x100  }
0x1d: {  	s8 =	simm.s32 @!p0 $0xB  }
0x1e: {  	_ =	swait.ge @!p0 [sflag:s8], $0x100  }
0x1f: {  	[sflag:s8] =	ssyncset.done @!p0 $0x0  }
0x20: {  	[sflag:s8] =	ssyncadd.s32 @!p0 $0xFFFFFF00  }
0x21: {  	[bflag:$0x0] =	sbarrier.arrive $0xFFFF  }
0x22: {  	s12 =	rddreg [dreg:$0x7]  }
0x23: {  	[tilespmem:s22], [sflag:$0xB] =	stream.linear.gather [hbm4b:s12+s2], $0x50, $0x38;
	[tilespmem:$0x1DC80] =	vst v63  }
0x24: {  	_ =	swait.ge [sflag:s21], $0x50  }
0x25: {  	[sflag:s21] =	ssyncset.done $0x0  }
0x26: {  	s9 =	simm.s32 $0x13A80;
	s13 =	rddreg [dreg:$0x8];
	[sflag:s21] =	ssyncadd.s32 $0xFFFFFFB0  }
0x27: {  	[tilespmem:s9], [sflag:$0xB] =	stream.linear.gather [hbm4b:s13+s2], $0x50, $0x38;
	[tilespmem:$0x1DC80] =	vst v63  }
0x28: {  	_ =	swait.ge [sflag:s21], $0x50  }
0x29: {  	[sflag:s21] =	ssyncset.done $0x0  }
0x2a: {  	s14 =	simm.s32 $0x13900;
	[sflag:s21] =	ssyncadd.s32 $0xFFFFFFB0  }
0x2b: {  	[tilespmem:s14], [sflag:$0x2] =	stream.linear.gather [hbm4b:s15+s2], $0x50, $0x38;
	[tilespmem:$0x1DC80] =	vst v63  }
0x2c: {  	s25 =	simm.s32 $0x13B00  }
0x2d: {  	[tilespmem:s25], [sflag:$0x2] =	stream.linear.gather [hbm4b:s16+s2], $0x50, $0x38;
	[tilespmem:$0x1DC80] =	vst v63  }
0x2e: {  	s28 =	simm.s32 $0x13C80  }
0x2f: {  	[tilespmem:s28], [sflag:$0x5] =	stream.indirect.gather [hbm4b:s3+s26], $0x80, s22, s26, $0xb8;
	[tilespmem:$0x1DC80] =	vst v63  }
0x30: {  	s29 =	simm.s32 $0x18C80;
	p1 =	por $0x0, $0x0;
	s25 =	simm.s32 $0x0  }
0x31: {  	[tilespmem:s29], [sflag:$0x7] =	stream.linear.gather [hbm4b:s17+s2], $0x2800, $0x38;
	[tilespmem:$0x1DC80] =	vst v63  }
.LBB2_2:
0x32: {  	s28 =	sadd.s32 $0x1, s25;
	p2 =	seq.s32 s25, $0x7C  }
0x33: {  	s8 =	sand.u32 @!p2 $0x3, s28  }
0x34: {  	s9 =	sadd.s32 @!p2 $0x1, s8  }
0x35: {  	_ =	swait.ge @!p2 [sflag:s9], $0x50  }
0x36: {  	[sflag:s9] =	ssyncset.done @!p2 $0x0  }
0x37: {  	[sflag:s9] =	ssyncadd.s32 @!p2 $0xFFFFFFB0  }
0x38: {  	p3 =	seq.s32 @!p2 s25, $0x0;
	s11 =	sand.u32 $0x1, s28;
	_ =	swait.ge @!p2 [sflag:s9], $0x50  }
0x39: {  	s13 =	smul.u32 @!p2 $0x50, s28;
	p3 =	por p3, p2;
	[sflag:s9] =	ssyncset.done @!p2 $0x0  }
0x3a: {  	s29 =	simm.s32 @!p2 $0x50;
	[sflag:s9] =	ssyncadd.s32 @!p2 $0xFFFFFFB0;
	s9 =	sadd.s32 @!p3 $0x9, s11  }
0x3b: {  	s8 =	sshll.u32 @!p2 s8, $0x7;
	s12 =	smul.u32 @!p2 $0x2800, s11;
	_ =	swait.ge @!p3 [sflag:s9], $0x2800  }
0x3c: {  	s14 =	sadd.s32 @!p2 $0x5, s11;
	s8 =	sadd.s32 @!p2 $0x13880, s8;
	[sflag:s9] =	ssyncset.done @!p3 $0x0  }
0x3d: {  	[sflag:s9] =	ssyncadd.s32 @!p3 $0xFFFFD800;
	s9 =	sadd.s32 @!p2 $0x13C80, s12;
	p3 =	sgt.u32 @!p2 s25, $0x7A  }
0x3e: {  	[tilespmem:s9], [sflag:s14] =	stream.indirect.gather @!p2 [hbm4b:s3+s29], $0x80, s8, s29, $0xb8;
	[tilespmem:$0x1DC80] =	vst v63  }
0x3f: {  	s11 =	sadd.s32 @!p2 $0x7, s11;
	s8 =	sadd.s32 @!p2 s7, s13;
	p3 =	por p3, p2  }
0x40: {  	s9 =	sadd.s32 @!p2 $0x18C80, s12;
	s8 =	sshll.u32 @!p2 s8, $0x4;
	s12 =	sadd.s32 @!p3 $0x2, s25  }
0x41: {  	s13 =	simm.s32 @!p2 $0x0;
	s8 =	sadd.s32 @!p2 s6, s8;
	s14 =	smul.u32 @!p3 $0x50, s12  }
0x42: {  	[tilespmem:s9], [sflag:s11] =	stream.linear.gather @!p2 [hbm4b:s8+s13], $0x2800, $0x38;
	[tilespmem:$0x1DC80] =	vst v63  }
0x43: {  	s29 =	sand.u32 $0x1, s25;
	s8 =	sand.u32 @!p3 $0x3, s12;
	s9 =	sadd.s32 @!p3 s7, s14  }
0x44: {  	s11 =	sadd.s32 @!p3 $0x1, s8;
	s8 =	sshll.u32 @!p3 s8, $0x7;
	s9 =	sshrl.u32 @!p3 s9, $0x3  }
0x45: {  	s14 =	simm.s32 @!p3 $0x0;
	s12 =	sadd.s32 @!p3 $0x13880, s8;
	s13 =	sadd.s32 @!p3 s4, s9  }
0x46: {  	[tilespmem:s12], [sflag:s11] =	stream.linear.gather @!p3 [hbm4b:s13+s14], $0x50, $0x38;
	[tilespmem:$0x1DC80] =	vst v63  }
0x47: {  	s8 =	sadd.s32 @!p3 $0x13A80, s8;
	s9 =	sadd.s32 @!p3 s5, s9;
	s13 =	sadd.s32 $0x5, s29  }
0x48: {  	[tilespmem:s8], [sflag:s11] =	stream.linear.gather @!p3 [hbm4b:s9+s14], $0x50, $0x38;
	[tilespmem:$0x1DC80] =	vst v63  }
0x49: {  	s9 =	simm.s32 $0x1;
	_ =	swait.ge [sflag:s13], $0x2800  }
0x4a: {  	s9 =	simm.s32 @!p1 $0x0;
	[sflag:s13] =	ssyncset.done $0x0  }
0x4b: {  	s14 =	sadd.s32 $0x7, s29;
	s9 =	smul.u32 $0xA000, s9;
	[sflag:s13] =	ssyncadd.s32 $0xFFFFD800  }
0x4c: {  	_ =	swait.ge [sflag:s14], $0x2800  }
0x4d: {  	s9 =	sshrl.u32 s9, $0x2;
	[sflag:s14] =	ssyncset.done $0x0  }
0x4e: {  	s8 =	sadd.s32 $0x13D80, s9;
	[sflag:s14] =	ssyncadd.s32 $0xFFFFD800  }
0x4f: {  	s14 =	sadd.s32 $0x18D80, s9;
	v0 =	vld [tilespmem:s8+$0x80]  }
0x50: {  	v1 =	vld [tilespmem:s14+$0x80]  }
0x51: {  	v2 =	vld [tilespmem:s14+$0xFFFFFF00]  }
0x52: {  	v3 =	vld [tilespmem:s8+$0xFFFFFF80]  }
0x53: {  	v4 =	vld [tilespmem:s14+$0xFFFFFF80]  }
0x54: {  	v5 =	vld [tilespmem:s14+$0x0]  }
0x55: {  	v0 =	vadd.f32 v1, v0;
	v1 =	vld [tilespmem:s8+$0x0]  }
0x56: {  	v6 =	vld [tilespmem:s8+$0xFFFFFF00]  }
0x57: {  	v0 =	vmax.f32 v0, $0.0e+00  }
0x58: {  	v3 =	vadd.f32 v4, v3;
	[tilespmem:s8+$0x80] =	vst v0;
	v0 =	vld [tilespmem:s8+$0x90]  }
0x59: {  	v7 =	vld [tilespmem:s14+$0x90]  }
0x5a: {  	v8 =	vld [tilespmem:s8+$0xFFFFFF90];
	v3 =	vmax.f32 v3, $0.0e+00;
	v1 =	vadd.f32 v5, v1  }
0x5b: {  	v4 =	vld [tilespmem:s8+$0xFFFFFF10];
	v2 =	vadd.f32 v2, v6;
	[tilespmem:s8+$0xFFFFFF80] =	vst v3  }
0x5c: {  	v5 =	vld [tilespmem:s14+$0xFFFFFF90];
	v1 =	vmax.f32 v1, $0.0e+00  }
0x5d: {  	v2 =	vmax.f32 v2, $0.0e+00;
	v3 =	vld [tilespmem:s8+$0x10];
	[tilespmem:s8+$0x0] =	vst v1  }
0x5e: {  	[tilespmem:s8+$0xFFFFFF00] =	vst v2;
	v0 =	vadd.f32 v7, v0;
	v1 =	vld [tilespmem:s14+$0x10]  }
0x5f: {  	v2 =	vld [tilespmem:s14+$0xFFFFFF10]  }
0x60: {  	v0 =	vmax.f32 v0, $0.0e+00  }
0x61: {  	v5 =	vadd.f32 v5, v8;
	[tilespmem:s8+$0x90] =	vst v0;
	v0 =	vld [tilespmem:s8+$0xA0]  }
0x62: {  	v7 =	vld [tilespmem:s14+$0xA0]  }
0x63: {  	v6 =	vld [tilespmem:s8+$0xFFFFFF20];
	v5 =	vmax.f32 v5, $0.0e+00;
	v1 =	vadd.f32 v1, v3  }
0x64: {  	v2 =	vadd.f32 v2, v4;
	v8 =	vld [tilespmem:s8+$0xFFFFFFA0];
	[tilespmem:s8+$0xFFFFFF90] =	vst v5  }
0x65: {  	v4 =	vld [tilespmem:s14+$0xFFFFFFA0];
	v1 =	vmax.f32 v1, $0.0e+00  }
0x66: {  	v2 =	vmax.f32 v2, $0.0e+00;
	v3 =	vld [tilespmem:s8+$0x20];
	[tilespmem:s8+$0x10] =	vst v1  }
0x67: {  	[tilespmem:s8+$0xFFFFFF10] =	vst v2;
	v0 =	vadd.f32 v7, v0;
	v1 =	vld [tilespmem:s14+$0x20]  }
0x68: {  	v2 =	vld [tilespmem:s14+$0xFFFFFF20]  }
0x69: {  	v0 =	vmax.f32 v0, $0.0e+00  }
0x6a: {  	v4 =	vadd.f32 v4, v8;
	[tilespmem:s8+$0xA0] =	vst v0;
	v0 =	vld [tilespmem:s8+$0xB0]  }
0x6b: {  	v7 =	vld [tilespmem:s14+$0xB0]  }
0x6c: {  	v9 =	vld [tilespmem:s8+$0x30];
	v4 =	vmax.f32 v4, $0.0e+00;
	v1 =	vadd.f32 v1, v3  }
0x6d: {  	v2 =	vadd.f32 v2, v6;
	v8 =	vld [tilespmem:s8+$0xFFFFFFB0];
	[tilespmem:s8+$0xFFFFFFA0] =	vst v4  }
0x6e: {  	v3 =	vld [tilespmem:s14+$0xFFFFFFB0];
	v1 =	vmax.f32 v1, $0.0e+00  }
0x6f: {  	v5 =	vld [tilespmem:s8+$0xFFFFFF30];
	[tilespmem:s8+$0x20] =	vst v1;
	v1 =	vmax.f32 v2, $0.0e+00  }
0x70: {  	v0 =	vadd.f32 v7, v0;
	[tilespmem:s8+$0xFFFFFF20] =	vst v1;
	v1 =	vld [tilespmem:s14+$0x30]  }
0x71: {  	v6 =	vld [tilespmem:s14+$0xFFFFFF30]  }
0x72: {  	v10 =	vld [tilespmem:s8+$0xFFFFFF40];
	v0 =	vmax.f32 v0, $0.0e+00  }
0x73: {  	v3 =	vadd.f32 v3, v8;
	[tilespmem:s8+$0xB0] =	vst v0;
	v0 =	vld [tilespmem:s8+$0xC0]  }
0x74: {  	v7 =	vld [tilespmem:s14+$0xC0]  }
0x75: {  	v11 =	vld [tilespmem:s8+$0xFFFFFFD0];
	v3 =	vmax.f32 v3, $0.0e+00;
	v1 =	vadd.f32 v1, v9  }
0x76: {  	v4 =	vld [tilespmem:s8+$0xFFFFFFC0];
	[tilespmem:s8+$0xFFFFFFB0] =	vst v3;
	v5 =	vadd.f32 v6, v5  }
0x77: {  	v6 =	vld [tilespmem:s14+$0xFFFFFFC0];
	v1 =	vmax.f32 v1, $0.0e+00  }
0x78: {  	v2 =	vld [tilespmem:s8+$0x40];
	[tilespmem:s8+$0x30] =	vst v1;
	v1 =	vmax.f32 v5, $0.0e+00  }
0x79: {  	v0 =	vadd.f32 v7, v0;
	v5 =	vld [tilespmem:s14+$0x40];
	[tilespmem:s8+$0xFFFFFF30] =	vst v1  }
0x7a: {  	v1 =	vld [tilespmem:s14+$0xFFFFFF40]  }
0x7b: {  	v8 =	vld [tilespmem:s8+$0xFFFFFF50];
	v0 =	vmax.f32 v0, $0.0e+00  }
0x7c: {  	[tilespmem:s8+$0xC0] =	vst v0;
	v0 =	vadd.f32 v6, v4;
	v6 =	vld [tilespmem:s8+$0xD0]  }
0x7d: {  	v7 =	vld [tilespmem:s14+$0xD0]  }
0x7e: {  	v3 =	vld [tilespmem:s8+$0xFFFFFF60];
	v0 =	vmax.f32 v0, $0.0e+00;
	v2 =	vadd.f32 v5, v2  }
0x7f: {  	v9 =	vld [tilespmem:s8+$0x50];
	[tilespmem:s8+$0xFFFFFFC0] =	vst v0;
	v0 =	vadd.f32 v1, v10  }
0x80: {  	v1 =	vld [tilespmem:s14+$0xFFFFFFD0];
	v2 =	vmax.f32 v2, $0.0e+00  }
0x81: {  	v4 =	vld [tilespmem:s8+$0xFFFFFFE0];
	[tilespmem:s8+$0x40] =	vst v2;
	v0 =	vmax.f32 v0, $0.0e+00  }
0x82: {  	v2 =	vld [tilespmem:s14+$0x50];
	v6 =	vadd.f32 v7, v6;
	[tilespmem:s8+$0xFFFFFF40] =	vst v0  }
0x83: {  	v0 =	vld [tilespmem:s14+$0xFFFFFF50]  }
0x84: {  	v5 =	vld [tilespmem:s8+$0x60];
	v6 =	vmax.f32 v6, $0.0e+00  }
0x85: {  	v1 =	vadd.f32 v1, v11;
	[tilespmem:s8+$0xD0] =	vst v6;
	v6 =	vld [tilespmem:s8+$0xE0]  }
0x86: {  	v10 =	vld [tilespmem:s14+$0xE0]  }
0x87: {  	v1 =	vmax.f32 v1, $0.0e+00;
	v7 =	vadd.f32 v2, v9;
	v2 =	vld [tilespmem:s8+$0xFFFFFF70]  }
0x88: {  	[tilespmem:s8+$0xFFFFFFD0] =	vst v1;
	v0 =	vadd.f32 v0, v8;
	v1 =	vld [tilespmem:s8+$0xFFFFFFF0]  }
0x89: {  	v8 =	vmax.f32 v7, $0.0e+00;
	v7 =	vld [tilespmem:s14+$0xFFFFFFE0]  }
0x8a: {  	[tilespmem:s8+$0x50] =	vst v8;
	v8 =	vmax.f32 v0, $0.0e+00;
	v0 =	vld [tilespmem:s8+$0x70]  }
0x8b: {  	[tilespmem:s8+$0xFFFFFF50] =	vst v8;
	v8 =	vld [tilespmem:s14+$0x60];
	v6 =	vadd.f32 v10, v6  }
0x8c: {  	s12 =	simm.s32 $0x0;
	v9 =	vld [tilespmem:s14+$0xFFFFFF60]  }
0x8d: {  	s11 =	smul.u32 $0x2800, s29;
	s13 =	sadd.s32 $0x200, s8;
	s9 =	smov.u32 s14;
	v10 =	vmax.f32 v6, $0.0e+00;
	v6 =	vld [tilespmem:s8+$0xF0]  }
.LBB2_3:
0x8e: {  	v11 =	vld [tilespmem:s13+$0x80];
	v4 =	vadd.f32 v7, v4;
	[tilespmem:s8+$0xE0] =	vst v10  }
0x8f: {  	s9 =	sadd.s32 $0x200, s9;
	v7 =	vld [tilespmem:s14+$0xF0]  }
0x90: {  	s12 =	sadd.s32 $0x4, s12;
	v10 =	vld [tilespmem:s9+$0x80];
	v4 =	vmax.f32 v4, $0.0e+00;
	v5 =	vadd.f32 v8, v5  }
0x91: {  	p2 =	slt.u32 s12, $0x4C;
	v8 =	vld [tilespmem:s9+$0xFFFFFF00];
	v3 =	vadd.f32 v9, v3;
	[tilespmem:s8+$0xFFFFFFE0] =	vst v4  }
0x92: {  	v4 =	vld [tilespmem:s13+$0xFFFFFF80];
	v5 =	vmax.f32 v5, $0.0e+00  }
0x93: {  	v9 =	vld [tilespmem:s9+$0xFFFFFF80];
	v3 =	vmax.f32 v3, $0.0e+00;
	[tilespmem:s8+$0x60] =	vst v5  }
0x94: {  	v5 =	vld [tilespmem:s13+$0x0];
	[tilespmem:s8+$0xFFFFFF60] =	vst v3;
	v3 =	vadd.f32 v7, v6  }
0x95: {  	v6 =	vld [tilespmem:s9+$0x0];
	v7 =	vadd.f32 v10, v11  }
0x96: {  	v10 =	vld [tilespmem:s13+$0xFFFFFF00];
	v3 =	vmax.f32 v3, $0.0e+00  }
0x97: {  	v11 =	vld [tilespmem:s13+$0xFFFFFF10];
	v7 =	vmax.f32 v7, $0.0e+00;
	[tilespmem:s8+$0xF0] =	vst v3  }
0x98: {  	v3 =	vadd.f32 v9, v4;
	[tilespmem:s13+$0x80] =	vst v7;
	v4 =	vld [tilespmem:s13+$0x90]  }
0x99: {  	v7 =	vld [tilespmem:s9+$0x90]  }
0x9a: {  	v3 =	vmax.f32 v3, $0.0e+00;
	v9 =	vld [tilespmem:s13+$0xFFFFFF90];
	v5 =	vadd.f32 v6, v5  }
0x9b: {  	v6 =	vadd.f32 v8, v10;
	[tilespmem:s13+$0xFFFFFF80] =	vst v3;
	v3 =	vld [tilespmem:s13+$0x10]  }
0x9c: {  	v8 =	vld [tilespmem:s9+$0xFFFFFF90];
	v5 =	vmax.f32 v5, $0.0e+00  }
0x9d: {  	v6 =	vmax.f32 v6, $0.0e+00;
	v10 =	vld [tilespmem:s13+$0xFFFFFF20];
	[tilespmem:s13+$0x0] =	vst v5  }
0x9e: {  	[tilespmem:s13+$0xFFFFFF00] =	vst v6;
	v5 =	vld [tilespmem:s9+$0x10];
	v4 =	vadd.f32 v7, v4  }
0x9f: {  	v6 =	vld [tilespmem:s9+$0xFFFFFF10]  }
0xa0: {  	v7 =	vld [tilespmem:s13+$0xFFFFFFA0];
	v4 =	vmax.f32 v4, $0.0e+00  }
0xa1: {  	v8 =	vadd.f32 v8, v9;
	[tilespmem:s13+$0x90] =	vst v4;
	v4 =	vld [tilespmem:s13+$0xA0]  }
0xa2: {  	v9 =	vld [tilespmem:s9+$0xA0]  }
0xa3: {  	v8 =	vmax.f32 v8, $0.0e+00;
	v3 =	vadd.f32 v5, v3;
	v5 =	vld [tilespmem:s13+$0x20]  }
0xa4: {  	v6 =	vadd.f32 v6, v11;
	v11 =	vld [tilespmem:s13+$0xFFFFFF30];
	[tilespmem:s13+$0xFFFFFF90] =	vst v8  }
0xa5: {  	v8 =	vld [tilespmem:s9+$0xFFFFFFA0];
	v3 =	vmax.f32 v3, $0.0e+00  }
0xa6: {  	v6 =	vmax.f32 v6, $0.0e+00;
	v12 =	vld [tilespmem:s13+$0xFFFFFFB0];
	[tilespmem:s13+$0x10] =	vst v3  }
0xa7: {  	[tilespmem:s13+$0xFFFFFF10] =	vst v6;
	v3 =	vld [tilespmem:s9+$0x20];
	v4 =	vadd.f32 v9, v4  }
0xa8: {  	v6 =	vld [tilespmem:s9+$0xFFFFFF20]  }
0xa9: {  	v9 =	vld [tilespmem:s13+$0x30];
	v4 =	vmax.f32 v4, $0.0e+00  }
0xaa: {  	v7 =	vadd.f32 v8, v7;
	[tilespmem:s13+$0xA0] =	vst v4;
	v4 =	vld [tilespmem:s13+$0xB0]  }
0xab: {  	v8 =	vld [tilespmem:s9+$0xB0]  }
0xac: {  	v13 =	vld [tilespmem:s13+$0xFFFFFF40];
	v7 =	vmax.f32 v7, $0.0e+00;
	v3 =	vadd.f32 v3, v5  }
0xad: {  	v5 =	vadd.f32 v6, v10;
	[tilespmem:s13+$0xFFFFFFA0] =	vst v7;
	v6 =	vld [tilespmem:s13+$0xFFFFFFC0]  }
0xae: {  	v7 =	vld [tilespmem:s9+$0xFFFFFFB0];
	v3 =	vmax.f32 v3, $0.0e+00  }
0xaf: {  	v5 =	vmax.f32 v5, $0.0e+00;
	[tilespmem:s13+$0x20] =	vst v3;
	v10 =	vld [tilespmem:s13+$0x40]  }
0xb0: {  	[tilespmem:s13+$0xFFFFFF20] =	vst v5;
	v3 =	vld [tilespmem:s9+$0x30];
	v4 =	vadd.f32 v8, v4  }
0xb1: {  	v5 =	vld [tilespmem:s9+$0xFFFFFF30]  }
0xb2: {  	v8 =	vld [tilespmem:s13+$0xFFFFFF50];
	v4 =	vmax.f32 v4, $0.0e+00  }
0xb3: {  	v7 =	vadd.f32 v7, v12;
	[tilespmem:s13+$0xB0] =	vst v4;
	v4 =	vld [tilespmem:s13+$0xC0]  }
0xb4: {  	v12 =	vld [tilespmem:s9+$0xC0]  }
0xb5: {  	v7 =	vmax.f32 v7, $0.0e+00;
	v14 =	vld [tilespmem:s13+$0xFFFFFFD0];
	v3 =	vadd.f32 v3, v9  }
0xb6: {  	v5 =	vadd.f32 v5, v11;
	[tilespmem:s13+$0xFFFFFFB0] =	vst v7;
	v7 =	vld [tilespmem:s13+$0x50]  }
0xb7: {  	v9 =	vld [tilespmem:s9+$0xFFFFFFC0];
	v11 =	vmax.f32 v3, $0.0e+00  }
0xb8: {  	v5 =	vmax.f32 v5, $0.0e+00;
	v3 =	vld [tilespmem:s13+$0xFFFFFF60];
	[tilespmem:s13+$0x30] =	vst v11  }
0xb9: {  	[tilespmem:s13+$0xFFFFFF30] =	vst v5;
	v5 =	vld [tilespmem:s9+$0x40];
	v11 =	vadd.f32 v12, v4  }
0xba: {  	v12 =	vld [tilespmem:s9+$0xFFFFFF40]  }
0xbb: {  	v4 =	vld [tilespmem:s13+$0xFFFFFFE0];
	v11 =	vmax.f32 v11, $0.0e+00  }
0xbc: {  	v6 =	vadd.f32 v9, v6;
	[tilespmem:s13+$0xC0] =	vst v11;
	v9 =	vld [tilespmem:s13+$0xD0]  }
0xbd: {  	v11 =	vld [tilespmem:s9+$0xD0]  }
0xbe: {  	v6 =	vmax.f32 v6, $0.0e+00;
	v10 =	vadd.f32 v5, v10;
	v5 =	vld [tilespmem:s13+$0x60]  }
0xbf: {  	v12 =	vadd.f32 v12, v13;
	[tilespmem:s13+$0xFFFFFFC0] =	vst v6;
	v6 =	vld [tilespmem:s14+$0xFFFFFF70]  }
0xc0: {  	v13 =	vld [tilespmem:s9+$0xFFFFFFD0];
	v10 =	vmax.f32 v10, $0.0e+00  }
0xc1: {  	v12 =	vmax.f32 v12, $0.0e+00;
	[tilespmem:s13+$0x40] =	vst v10;
	v10 =	vld [tilespmem:s14+$0xFFFFFFF0]  }
0xc2: {  	[tilespmem:s13+$0xFFFFFF40] =	vst v12;
	v12 =	vld [tilespmem:s9+$0x50];
	v9 =	vadd.f32 v11, v9  }
0xc3: {  	v11 =	vld [tilespmem:s9+$0xFFFFFF50]  }
0xc4: {  	v9 =	vmax.f32 v9, $0.0e+00;
	v2 =	vadd.f32 v6, v2;
	v6 =	vld [tilespmem:s14+$0x70];
	s14 =	smov.u32 s9  }
0xc5: {  	v13 =	vadd.f32 v13, v14;
	[tilespmem:s13+$0xD0] =	vst v9;
	v9 =	vld [tilespmem:s13+$0xE0]  }
0xc6: {  	v14 =	vld [tilespmem:s9+$0xE0];
	v15 =	vmax.f32 v2, $0.0e+00;
	v10 =	vadd.f32 v10, v1  }
0xc7: {  	v2 =	vld [tilespmem:s13+$0xFFFFFF70];
	v1 =	vmax.f32 v13, $0.0e+00;
	v12 =	vadd.f32 v12, v7;
	[tilespmem:s8+$0xFFFFFF70] =	vst v15  }
0xc8: {  	v8 =	vadd.f32 v11, v8;
	[tilespmem:s13+$0xFFFFFFD0] =	vst v1;
	v1 =	vld [tilespmem:s13+$0xFFFFFFF0];
	v10 =	vmax.f32 v10, $0.0e+00  }
.Ltmp0:
0xc9: {  	v7 =	vld [tilespmem:s9+$0xFFFFFFE0];
	v11 =	vmax.f32 v12, $0.0e+00;
	[tilespmem:s8+$0xFFFFFFF0] =	vst v10;
	v6 =	vadd.f32 v6, v0;
	(pc) =	sbr.rel @p2 .LBB2_3-.Ltmp0, $4  }
0xca: {  	v8 =	vmax.f32 v8, $0.0e+00;
	[tilespmem:s13+$0x50] =	vst v11;
	v0 =	vld [tilespmem:s13+$0x70]  }
0xcb: {  	[tilespmem:s13+$0xFFFFFF50] =	vst v8;
	v8 =	vld [tilespmem:s9+$0x60];
	v10 =	vadd.f32 v14, v9;
	v6 =	vmax.f32 v6, $0.0e+00  }
0xcc: {  	v9 =	vld [tilespmem:s9+$0xFFFFFF60];
	[tilespmem:s8+$0x70] =	vst v6;
	s8 =	smov.u32 s13  }
0xcd: {  	s13 =	sadd.s32 $0x200, s13;
	v10 =	vmax.f32 v10, $0.0e+00;
	v6 =	vld [tilespmem:s8+$0xF0]  }
0xce: {  	_ = 	snop  }
0xcf: {  	v4 =	vadd.f32 v7, v4  }
0xd0: {  	v5 =	vadd.f32 v8, v5  }
0xd1: {  	[tilespmem:s8+$0xE0] =	vst v10;
	v4 =	vmax.f32 v4, $0.0e+00;
	v3 =	vadd.f32 v9, v3  }
0xd2: {  	v58 =	vld [tilespmem:s14+$0xF0];
	[tilespmem:s8+$0xFFFFFFE0] =	vst v4;
	v59 =	vmax.f32 v5, $0.0e+00  }
0xd3: {  	v61 =	vld [tilespmem:s14+$0xFFFFFFF0];
	v3 =	vmax.f32 v3, $0.0e+00;
	[tilespmem:s8+$0x60] =	vst v59  }
0xd4: {  	[tilespmem:s8+$0xFFFFFF60] =	vst v3;
	v62 =	vld [tilespmem:s14+$0x70]  }
0xd5: {  	v60 =	vld [tilespmem:s14+$0xFFFFFF70];
	_ =	sdelay $0x1  }
0xd6: {  	v6 =	vadd.f32 v58, v6  }
0xd7: {  	v1 =	vadd.f32 v61, v1  }
0xd8: {  	v63 =	vmax.f32 v6, $0.0e+00;
	v0 =	vadd.f32 v62, v0  }
0xd9: {  	p2 =	sne.s32 s28, $0x7D;
	[tilespmem:s8+$0xF0] =	vst v63;
	v1 =	vmax.f32 v1, $0.0e+00;
	v2 =	vadd.f32 v60, v2  }
.Ltmp1:
0xda: {  	s9 =	sshll.u32 s25, $0x7;
	[tilespmem:s8+$0xFFFFFFF0] =	vst v1;
	v0 =	vmax.f32 v0, $0.0e+00;
	(pc) =	sbr.rel @p2 .LBB2_2-.Ltmp1, $4  }
0xdb: {  	s9 =	sand.u32 $0x180, s9;
	v2 =	vmax.f32 v2, $0.0e+00;
	[tilespmem:s8+$0x70] =	vst v0  }
0xdc: {  	s25 =	sadd.s32 $0x13C80, s11;
	s29 =	sadd.s32 $0x9, s29;
	s9 =	sadd.s32 $0x13A80, s9;
	[tilespmem:s8+$0xFFFFFF70] =	vst v2  }
0xdd: {  	[spmem:s1] =	stream.indirect.scatter.add.f32 [tilespmem:s25], [sflag:s29], $0x80, s9, s26, $0xb8;
	[tilespmem:$0x1DC80] =	vst v63  }
0xde: {  	p1 =	por !p1, !p1;
	s25 =	smov.u32 s28  }
0xdf: {  	_ =	swait.ge [sflag:s30], $0x2800  }
0xe0: {  	[sflag:s30] =	ssyncset.done $0x0  }
0xe1: {  	[sflag:s30] =	ssyncadd.s32 $0xFFFFD800  }
0xe2: {  	_ =	swait.ge [sflag:s31], $0x2800  }
0xe3: {  	[sflag:s31] =	ssyncset.done $0x0  }
0xe4: {  	[sflag:s31] =	ssyncadd.s32 $0xFFFFD800  }
0xe5: {  	[bflag:$0x0] =	sbarrier.arrive $0xFFFF  }
0xe6: {  	[hbm:s18], [sflag:s10] =	dma.local [spmem:s23], $0x2700  }
0xe7: {  	s0 =	sadd.s32 $0x1, s0;
	_ =	swait.ge [sflag:s21], $0x2700  }
0xe8: {  	p1 =	sne.s32 s0, s20;
	[sflag:s21] =	ssyncset.done $0x0  }
.Ltmp2:
0xe9: {  	s8 =	simm.s32 @!p0 $0xB;
	[sflag:s21] =	ssyncadd.s32 $0xFFFFD900;
	(pc) =	sbr.rel @p1 .LBB2_1-.Ltmp2, $4  }
0xea: {  	[hbm:s19], [sflag:s10] =	dma.local @!p0 [spmem:s24], $0x100  }
0xeb: {  	_ =	swait.ge @!p0 [sflag:s8], $0x100  }
0xec: {  	[sflag:s8] =	ssyncset.done @!p0 $0x0  }
0xed: {  	[sflag:s8] =	ssyncadd.s32 @!p0 $0xFFFFFF00  }
0xee: {  	_ =	sfence.sel $0x180000  }
0xef: {  	[bflag:$0x0] =	sbarrier.arrive $0xFFFF  }
0xf0: {  	_ =	strace $0x9000004A  }
0xf1: {  	[bflag:$0x2] =	sbarrier.arrive $0xFFFF  }
0xf2: {  	s0 =	rddreg [dreg:$0x2]  }
0xf3: {  	s0 =	sadd.s32 @!p0 $0x100000, s0  }
0xf4: {  	[sflag:s0] =	ssyncadd.tile.s32 @!p0 $0x1;
	_ =	shalt  }
.Lfunc_end2:
_tile_overlayer_lowered:
.L_overlay_start_2:
0xf5: {  	(tag) =	ssettag $0x2  }
0xf6: {  	s0 =	rddreg [dreg:$0x0];
	s2 =	stileid.u32  }
0xf7: {  	s1 =	rddreg [dreg:$0x1];
	p0 =	sne.s32 s2, $0x0  }
0xf8: {  	s3 =	rddreg [dreg:$0x2];
	[bflag:$0x3] =	sbarrier.arrive $0xFFFF;
	s2 =	simm.s32 @!p0 $0x1C0B  }
0xf9: {  	[timem:s3], [sflag:s2] =	dma.local @!p0 [hbm:s0], s1  }
0xfa: {  	s0 =	simm.s32 @!p0 $0xB  }
0xfb: {  	_ =	swait.ge @!p0 [sflag:s0], s1  }
0xfc: {  	s1 =	ssub.s32 @!p0 $0x0, s1;
	[sflag:s0] =	ssyncset.done @!p0 $0x0  }
0xfd: {  	[sflag:s0] =	ssyncadd.s32 @!p0 s1  }
0xfe: {  	[bflag:$0x3] =	sbarrier.arrive $0xFFFF  }
0xff: {  	_ =	shalt  }

// kernel: kernel.7.cloned.1.call-start
scs
__scs_entry_jumppad:
0x0: {  	(pc) =	sbr.rel $0x88, $3  }
0x1: {  	(tag) =	ssettag $0x0;
	lr =	simm.s32 $0x1  }
0x2: {  	[smem:$0x3F8F] =	sst lr;
	_ =	strace $0xD0000000  }
0x3: {  	_ = 	snop  }
0x4: {  	_ = 	snop  }
0x5: {  	_ = 	snop  }
0x6: {  	_ = 	snop  }
0x7: {  	_ = 	snop  }
__scs_overlays_trampoline_lowered:
0x8: {  	[smem:$0x3F9E] =	sst s0  }
0x9: {  	[smem:$0x3F9F] =	sst s1  }
0xa: {  	[smem:$0x3FA0] =	sst s2  }
0xb: {  	[smem:$0x3FA1] =	sst s3  }
0xc: {  	[smem:$0x3FA2] =	sst s4  }
0xd: {  	[smem:$0x3FA3] =	sst s5  }
0xe: {  	[smem:$0x3FA4] =	sst s6  }
0xf: {  	[smem:$0x3FA5] =	sst s7  }
0x10: {  	[smem:$0x3FA6] =	sst s8  }
0x11: {  	[smem:$0x3FA7] =	sst s9;
	s0 =	simm.s32 @!p0 $0x0  }
0x12: {  	s1 =	sld [smem:$0x3F8D];
	s0 =	simm.s32 @p0 $0x1  }
0x13: {  	[smem:$0x3FA8] =	sst s0;
	s0 =	simm.s32 @!p1 $0x0  }
0x14: {  	s2 =	sld [smem:$0x3F8C];
	s0 =	simm.s32 @p1 $0x1  }
0x15: {  	[smem:$0x3FA9] =	sst s0;
	s0 =	simm.s32 @!p2 $0x0  }
0x16: {  	s3 =	sld [smem:$0x3FDB];
	s0 =	simm.s32 @p2 $0x1  }
0x17: {  	s4 =	simm.s32 $0x1BF5;
	[smem:$0x3FAB] =	sst s0  }
0x18: {  	s0 =	sld [smem:$0x3F8E];
	_ =	swait.ge [sflag:s4], $0x0  }
0x19: {  	s7 =	sld [smem:$0x3F8F]  }
0x1a: {  	s8 =	sadd.s32 $0xFFFFE003, lr  }
0x1b: {  	s9 =	sadd.s32 $0xFFFFFEF7, lr;
	s5 =	simm.s32 $0xFFFFFFFF;
	p2 =	slt.u32 s8, $0xFFFFF086  }
0x1c: {  	p1 =	slt.u32 s9, $0xF7A;
	s5 =	simm.s32 @!p2 $0x0  }
0x1d: {  	s5 =	simm.s32 @p1 $0x1;
	p0 =	seq.s32 s7, s2  }
0x1e: {  	s7 =	smul.u32 @!p0 $0xF7A, s2;
	p2 =	seq.s32 @!p0 s5, $0x0  }
0x1f: {  	s9 =	smul.u32 $0xF7A, s1;
	s8 =	simm.s32 @!p0 $0x1BF5;
	p2 =	por !p2, p0  }
0x20: {  	[sflag:s8] =	ssyncset.s32 @!p0 $0xFFFFF086;
	s6 =	sadd.s32 @!p0 s3, s7;
	s7 =	simm.s32 @!p0 $0x108  }
0x21: {  	s3 =	sadd.s32 s3, s9;
	s6 =	sadd.s32 @!p0 $0x88, s6;
	s7 =	simm.s32 @p2 $0x1082  }
0x22: {  	[simem:s7], [sflag:s8] =	dma.local @!p0 [hbm:s6], $0xF7A  }
0x23: {  	s9 =	sor.u32 $0xD0000000, s2;
	s6 =	simm.s32 $0x108;
	_ =	swait.ge @!p0 [sflag:s8], $0x0  }
0x24: {  	s3 =	sadd.s32 $0x88, s3;
	s6 =	simm.s32 @!p1 $0x1082;
	[sflag:s4] =	ssyncset.s32 $0xFFFFF086  }
0x25: {  	[simem:s6], [sflag:s4] =	dma.local [hbm:s3], $0xF7A  }
0x26: {  	[smem:$0x3F8F] =	sst s1;
	(tag) =	ssettag s2;
	_ =	strace s9  }
0x27: {  	s1 =	sld [smem:$0x3F9F]  }
0x28: {  	s2 =	sld [smem:$0x3FA0]  }
0x29: {  	s4 =	sld [smem:$0x3FA2]  }
0x2a: {  	p0 =	seq.s32 s5, $0x0;
	s5 =	sld [smem:$0x3FA3]  }
0x2b: {  	s6 =	sld [smem:$0x3FA4]  }
0x2c: {  	s7 =	sld [smem:$0x3FA5]  }
0x2d: {  	s3 =	simm.s32 $0x108;
	s8 =	sld [smem:$0x3FA6]  }
0x2e: {  	s3 =	simm.s32 @!p0 $0x1082;
	s9 =	sld [smem:$0x3FA7]  }
0x2f: {  	lr =	sadd.s32 s0, s3;
	s0 =	sld [smem:$0x3F9E]  }
0x30: {  	s3 =	sld [smem:$0x3FA1]  }
0x31: {  	[smem:$0x3FAA] =	sst s10  }
0x32: {  	s10 =	sld [smem:$0x3FA8];
	_ =	sdelay $0x3  }
0x33: {  	p0 =	seq.s32 s10, $0x1;
	s10 =	sld [smem:$0x3FAA];
	_ =	sdelay $0x3  }
0x34: {  	[smem:$0x3FAA] =	sst s10  }
0x35: {  	s10 =	sld [smem:$0x3FA9];
	_ =	sdelay $0x3  }
0x36: {  	p1 =	seq.s32 s10, $0x1;
	s10 =	sld [smem:$0x3FAA];
	_ =	sdelay $0x3  }
0x37: {  	[smem:$0x3FAA] =	sst s10  }
0x38: {  	s10 =	sld [smem:$0x3FAB]  }
0x39: {  	_ = 	snop;
	(pc) =	sbr.ind lr, $3  }
0x3a: {  	_ = 	snop  }
0x3b: {  	_ = 	snop  }
0x3c: {  	p2 =	seq.s32 s10, $0x1;
	s10 =	sld [smem:$0x3FAA]  }
0x3d: {  	_ =	shalt  }
0x3e: {  	_ =	shalt  }
0x3f: {  	_ =	shalt  }
0x40: {  	_ =	shalt  }
0x41: {  	_ =	shalt  }
0x42: {  	_ =	shalt  }
0x43: {  	_ =	shalt  }
0x44: {  	_ =	shalt  }
0x45: {  	_ =	shalt  }
0x46: {  	_ =	shalt  }
0x47: {  	_ =	shalt  }
0x48: {  	_ =	shalt  }
0x49: {  	_ =	shalt  }
0x4a: {  	_ =	shalt  }
0x4b: {  	_ =	shalt  }
0x4c: {  	_ =	shalt  }
0x4d: {  	_ =	shalt  }
0x4e: {  	_ =	shalt  }
0x4f: {  	_ =	shalt  }
0x50: {  	_ =	shalt  }
0x51: {  	_ =	shalt  }
0x52: {  	_ =	shalt  }
0x53: {  	_ =	shalt  }
0x54: {  	_ =	shalt  }
0x55: {  	_ =	shalt  }
0x56: {  	_ =	shalt  }
0x57: {  	_ =	shalt  }
0x58: {  	_ =	shalt  }
0x59: {  	_ =	shalt  }
0x5a: {  	_ =	shalt  }
0x5b: {  	_ =	shalt  }
0x5c: {  	_ =	shalt  }
0x5d: {  	_ =	shalt  }
0x5e: {  	_ =	shalt  }
0x5f: {  	_ =	shalt  }
0x60: {  	_ =	shalt  }
0x61: {  	_ =	shalt  }
0x62: {  	_ =	shalt  }
0x63: {  	_ =	shalt  }
0x64: {  	_ =	shalt  }
0x65: {  	_ =	shalt  }
0x66: {  	_ =	shalt  }
0x67: {  	_ =	shalt  }
0x68: {  	_ =	shalt  }
0x69: {  	_ =	shalt  }
0x6a: {  	_ =	shalt  }
0x6b: {  	_ =	shalt  }
0x6c: {  	_ =	shalt  }
0x6d: {  	_ =	shalt  }
0x6e: {  	_ =	shalt  }
0x6f: {  	_ =	shalt  }
0x70: {  	_ =	shalt  }
0x71: {  	_ =	shalt  }
0x72: {  	_ =	shalt  }
0x73: {  	_ =	shalt  }
0x74: {  	_ =	shalt  }
0x75: {  	_ =	shalt  }
0x76: {  	_ =	shalt  }
0x77: {  	_ =	shalt  }
0x78: {  	_ =	shalt  }
0x79: {  	_ =	shalt  }
0x7a: {  	_ =	shalt  }
0x7b: {  	_ =	shalt  }
0x7c: {  	_ =	shalt  }
0x7d: {  	_ =	shalt  }
0x7e: {  	_ =	shalt  }
0x7f: {  	_ =	shalt  }
0x80: {  	_ =	shalt  }
0x81: {  	_ =	shalt  }
0x82: {  	_ =	shalt  }
0x83: {  	_ =	shalt  }
0x84: {  	_ =	shalt  }
0x85: {  	_ =	shalt  }
0x86: {  	_ =	shalt  }
0x87: {  	_ =	shalt  }
.Lfunc_end0:
.L_simem_size_0:
called_computation_lowered:
.L_overlay_start_0:
0x88: {  	s2 =	sld [smem:$0x3FD9]  }
0x89: {  	s3 =	sld [smem:$0x3FFE];
	_ =	sdelay $0x1  }
0x8a: {  	s1 =	srdreg.scid  }
0x8b: {  	s0 =	sand.u32 $0x1, s1  }
0x8c: {  	s17 =	sshll.u32 s0, $0xA;
	s2 =	sadd.s32 s3, s2  }
0x8d: {  	s2 =	sadd.s32 s2, s17  }
0x8e: {  	[smem:$0x3FB6] =	sst s2  }
0x8f: {  	_ = 	snop  }
0x90: {  	s2 =	sld [smem:$0x3FC9];
	(tm) =	ssettm $0x1  }
0x91: {  	s18 =	sld [smem:$0x3FFB];
	_ =	sdelay $0x3  }
0x92: {  	_ =	strace s18  }
0x93: {  	s3 =	sld [smem:$0x3FFC];
	_ =	sdelay $0x3  }
0x94: {  	_ =	strace s3  }
0x95: {  	s3 =	sld [smem:$0x3FFD];
	_ =	sdelay $0x3  }
0x96: {  	_ =	strace s3  }
0x97: {  	_ =	strace $0x8FFFFFFF  }
0x98: {  	s19 =	sld [smem:$0x3FDB];
	_ =	sdelay $0x1  }
0x99: {  	s4 =	simm.s32 $_scs_section_size  }
0x9a: {  	s5 =	simm.s32 $_size__tile_overlayer_lowered;
	s6 =	simm.s32 $_tile_overlayer_lowered  }
0x9b: {  	s22 =	simm.s32 $0x1BFF;
	s21 =	sshll.u32 s6, $0x1;
	s3 =	sadd.s32 s4, s19  }
0x9c: {  	s7 =	simm.s32 $0x0;
	s20 =	sshll.u32 s5, $0x1;
	s5 =	sadd.s32 s21, s3  }
0x9d: {  	[timem:s7], [sflag:s22] =	dma.local [hbm:s5], s20  }
0x9e: {  	_ =	swait.ge [sflag:s22], s20  }
0x9f: {  	s4 =	ssub.s32 $0x0, s20;
	[sflag:s22] =	ssyncset.done $0x0  }
0xa0: {  	[sflag:s22] =	ssyncadd.s32 s4;
	_ =	sdelay $0x1  }
0xa1: {  	s23 =	simm.s32 $0x1B8B  }
0xa2: {  	_ =	swait.ge [sflag:s23], $0x1  }
0xa3: {  	[sflag:s23] =	ssyncset.done $0x0  }
0xa4: {  	s25 =	simm.s32 $0x1B8E;
	s24 =	sld [smem:$0x3FFE];
	[sflag:s23] =	ssyncadd.s32 $0xFFFFFFFF  }
0xa5: {  	s26 =	simm.s32 $execute0_lowered;
	[smem:$0x3FD2] =	sst s25  }
0xa6: {  	s5 =	sshll.u32 s26, $0x1;
	_ =	strace $0x80000046;
	[dreg:$0x1] =	wrdreg $0xFFFFFFFF  }
0xa7: {  	s28 =	simm.s32 $_size_execute0_lowered;
	s3 =	sadd.s32 s3, s5;
	[dreg:$0x0] =	wrdreg $0x0  }
0xa8: {  	s5 =	sshll.u32 s28, $0x1;
	[dreg:$0x2] =	wrdreg s3  }
0xa9: {  	[dreg:$0x3] =	wrdreg s5  }
0xaa: {  	[dreg:$0x4] =	wrdreg $0xC0  }
0xab: {  	_ =	task [dreg:s7], $0x5FFFF  }
0xac: {  	[dreg:$0x1] =	wrdreg $0xFFFFFFFF  }
0xad: {  	[dreg:$0x0] =	wrdreg $0x60  }
0xae: {  	[dreg:$0x2] =	wrdreg s2  }
0xaf: {  	[dreg:$0x3] =	wrdreg s24  }
0xb0: {  	[dreg:$0x4] =	wrdreg $0x0  }
0xb1: {  	[dreg:$0x5] =	wrdreg $0x9  }
0xb2: {  	_ =	task.clear_ibuf [dreg:s7], $0x6FFFF;
	_ =	strace $0x90000046  }
0xb3: {  	s29 =	simm.s32 $0x9;
	_ =	strace $0x80000048  }
0xb4: {  	_ =	swait.ge [sflag:s29], $0x1  }
0xb5: {  	[sflag:s29] =	ssyncadd.s32 $0xFFFFFFFF  }
0xb6: {  	_ =	strace $0x90000048  }
0xb7: {  	_ =	sfence  }
0xb8: {  	s30 =	sld [smem:$0x0];
	_ =	sdelay $0x2  }
0xb9: {  	s31 =	sshll.u32 s1, $0xD;
	s1 =	sshrl.u32 s1, $0x2  }
0xba: {  	s3 =	sand.u32 $0x4000, s31;
	s1 =	sadd.s32 s1, s30  }
0xbb: {  	s0 =	sor.u32 s3, s0;
	s1 =	sshll.u32 s1, $0x11  }
0xbc: {  	s0 =	sor.u32 s1, s0  }
0xbd: {  	s0 =	sadd.s32 $0x8F2B, s0  }
0xbe: {  	[sflag:s0] =	ssyncadd.remote.s32 $0x1  }
0xbf: {  	_ =	sfence.sel $0xFFFF  }
0xc0: {  	[dreg:$0x0] =	wrdreg $0xFFFFFFFF;
	(pc) =	sbr.abs _section_cstart, $3  }
0xc1: {  	[dreg:$0x1] =	wrdreg $0xFFFFFFFF  }
0xc2: {  	_ =	task.clear_ibuf [dreg:s7], $0x2FFFF;
	_ =	strace $0x9FFFFFFF  }
0xc3: {  	(tm) =	ssettm $0x7FFFFFFF  }
tec
execute0_lowered:
.L_overlay_start_1:
0x0: {  	(tag) =	ssettag $0x1  }
0x1: {  	s1 =	rddreg [dreg:$0x0]  }
0x2: {  	s0 =	rddreg [dreg:$0x1]  }
0x3: {  	s2 =	rddreg [dreg:$0x2];
	s3 =	simm.s32 $0x0;
	s8 =	stileid.u32  }
0x4: {  	s6 =	srdreg.scid;
	s30 =	simm.s32 $0x9;
	s31 =	simm.s32 $0xA  }
0x5: {  	[smem:$0x7FF] =	sst s3;
	s9 =	smul.u32 $0x13800, s8;
	s4 =	sadd.s32 $0xD400, s0  }
0x6: {  	s5 =	sadd.s32 $0x3600, s0;
	s11 =	sand.u32 $0x1, s6;
	s6 =	sadd.s32 $0x4F9200, s0  }
0x7: {  	s13 =	sshll.u32 s8, $0x1;
	s14 =	smul.u32 $0x4E000, s8;
	s18 =	sadd.s32 $0x3E400, s0  }
0x8: {  	s15 =	sshll.u32 s8, $0x6;
	s22 =	sadd.s32 $0x138000, s2;
	p0 =	sne.s32 s8, $0x0  }
0x9: {  	_ =	strace $0x80000047;
	s21 =	ssub.s32 $0x2, s11;
	s13 =	sor.u32 s11, s13  }
0xa: {  	[dreg:$0x6] =	wrdreg s22;
	s11 =	smul.u32 $0x138800, s11;
	s22 =	simm.s32 $0x13880  }
0xb: {  	s7 =	sshrl.u32 s9, $0x3;
	s12 =	sshrl.u32 s21, $0x1;
	s14 =	sshrl.u32 s14, $0x2  }
0xc: {  	s26 =	smul.u32 $0x27100, s13;
	s10 =	sadd.s32 s7, s0;
	s12 =	ssub.s32 s21, s12  }
0xd: {  	s7 =	smul.u32 $0x2710, s13;
	s14 =	sadd.s32 s14, s2;
	s0 =	sadd.s32 $0x3E200, s0  }
0xe: {  	s9 =	sadd.s32 s9, s11;
	s11 =	sshrl.u32 s11, $0x3;
	[dreg:$0x4] =	wrdreg s14  }
0xf: {  	s21 =	simm.s32 $0xB;
	s10 =	sadd.s32 $0x17200, s10;
	[dreg:$0x7] =	wrdreg s0  }
0x10: {  	s17 =	sadd.s32 s6, s26;
	s28 =	sshrl.u32 s9, $0x3;
	s29 =	sadd.s32 s18, s11  }
0x11: {  	s20 =	smax.u32 s12, $0x1;
	s26 =	simm.s32 $0x50;
	s23 =	sshrl.u32 s7, $0x3  }
0x12: {  	[dreg:$0x5] =	wrdreg s10;
	s10 =	sor.u32 $0x1C0B, s15;
	s24 =	sadd.s32 s4, s23  }
0x13: {  	s18 =	sadd.s32 s18, s28;
	s0 =	sadd.s32 s5, s23;
	[dreg:$0x8] =	wrdreg s24  }
0x14: {  	s19 =	sadd.s32 $0x27000, s29;
	s25 =	sadd.s32 $0xA, s23;
	[dreg:$0x9] =	wrdreg s0  }
0x15: {  	s15 =	sadd.s32 s4, s25;
	s16 =	sadd.s32 s5, s25;
	s0 =	simm.s32 $0x0  }
.LBB2_1:
0x16: {  	s8 =	rddreg [dreg:$0x4]  }
0x17: {  	s11 =	rddreg [dreg:$0x5];
	s23 =	sshrl.u32 s8, $0x3  }
0x18: {  	[spmem:s23], [sflag:s10] =	dma.local [hbm:s11], $0x2700  }
0x19: {  	_ =	swait.ge [sflag:s21], $0x2700  }
0x1a: {  	[sflag:s21] =	ssyncset.done $0x0;
	s8 =	rddreg [dreg:$0x6]  }
0x1b: {  	[sflag:s21] =	ssyncadd.s32 $0xFFFFD900;
	s24 =	sshrl.u32 @!p0 s8, $0x3;
	s8 =	rddreg [dreg:$0x7]  }
0x1c: {  	[spmem:s24], [sflag:s10] =	dma.local @!p0 [hbm:s8], $0x100  }
0x1d: {  	s8 =	simm.s32 @!p0 $0xB  }
0x1e: {  	_ =	swait.ge @!p0 [sflag:s8], $0x100  }
0x1f: {  	[sflag:s8] =	ssyncset.done @!p0 $0x0  }
0x20: {  	[sflag:s8] =	ssyncadd.s32 @!p0 $0xFFFFFF00  }
0x21: {  	[bflag:$0x0] =	sbarrier.arrive $0xFFFF  }
0x22: {  	s12 =	rddreg [dreg:$0x8]  }
0x23: {  	[tilespmem:s22], [sflag:$0xB] =	stream.linear.gather [hbm4b:s12+s3], $0x50, $0x38;
	[tilespmem:$0x1DC80] =	vst v63  }
0x24: {  	_ =	swait.ge [sflag:s21], $0x50  }
0x25: {  	[sflag:s21] =	ssyncset.done $0x0  }
0x26: {  	s9 =	simm.s32 $0x13A80;
	s13 =	rddreg [dreg:$0x9];
	[sflag:s21] =	ssyncadd.s32 $0xFFFFFFB0  }
0x27: {  	[tilespmem:s9], [sflag:$0xB] =	stream.linear.gather [hbm4b:s13+s3], $0x50, $0x38;
	[tilespmem:$0x1DC80] =	vst v63  }
0x28: {  	_ =	swait.ge [sflag:s21], $0x50  }
0x29: {  	[sflag:s21] =	ssyncset.done $0x0  }
0x2a: {  	s14 =	simm.s32 $0x13900;
	[sflag:s21] =	ssyncadd.s32 $0xFFFFFFB0  }
0x2b: {  	[tilespmem:s14], [sflag:$0x2] =	stream.linear.gather [hbm4b:s15+s3], $0x50, $0x38;
	[tilespmem:$0x1DC80] =	vst v63  }
0x2c: {  	s25 =	simm.s32 $0x13B00  }
0x2d: {  	[tilespmem:s25], [sflag:$0x2] =	stream.linear.gather [hbm4b:s16+s3], $0x50, $0x38;
	[tilespmem:$0x1DC80] =	vst v63  }
0x2e: {  	s28 =	simm.s32 $0x13C80  }
0x2f: {  	[tilespmem:s28], [sflag:$0x5] =	stream.indirect.gather [hbm4b:s1+s26], $0x80, s22, s26, $0xb8;
	[tilespmem:$0x1DC80] =	vst v63  }
0x30: {  	s29 =	simm.s32 $0x18C80;
	p1 =	por $0x0, $0x0;
	s25 =	simm.s32 $0x0  }
0x31: {  	[tilespmem:s29], [sflag:$0x7] =	stream.linear.gather [hbm4b:s17+s3], $0x2800, $0x38;
	[tilespmem:$0x1DC80] =	vst v63  }
.LBB2_2:
0x32: {  	s28 =	sadd.s32 $0x1, s25;
	p2 =	seq.s32 s25, $0x7C  }
0x33: {  	s8 =	sand.u32 @!p2 $0x3, s28  }
0x34: {  	s9 =	sadd.s32 @!p2 $0x1, s8  }
0x35: {  	_ =	swait.ge @!p2 [sflag:s9], $0x50  }
0x36: {  	[sflag:s9] =	ssyncset.done @!p2 $0x0  }
0x37: {  	[sflag:s9] =	ssyncadd.s32 @!p2 $0xFFFFFFB0  }
0x38: {  	p3 =	seq.s32 @!p2 s25, $0x0;
	s11 =	sand.u32 $0x1, s28;
	_ =	swait.ge @!p2 [sflag:s9], $0x50  }
0x39: {  	s13 =	smul.u32 @!p2 $0x50, s28;
	p3 =	por p3, p2;
	[sflag:s9] =	ssyncset.done @!p2 $0x0  }
0x3a: {  	s29 =	simm.s32 @!p2 $0x50;
	[sflag:s9] =	ssyncadd.s32 @!p2 $0xFFFFFFB0;
	s9 =	sadd.s32 @!p3 $0x9, s11  }
0x3b: {  	s8 =	sshll.u32 @!p2 s8, $0x7;
	s12 =	smul.u32 @!p2 $0x2800, s11;
	_ =	swait.ge @!p3 [sflag:s9], $0x2800  }
0x3c: {  	s14 =	sadd.s32 @!p2 $0x5, s11;
	s8 =	sadd.s32 @!p2 $0x13880, s8;
	[sflag:s9] =	ssyncset.done @!p3 $0x0  }
0x3d: {  	[sflag:s9] =	ssyncadd.s32 @!p3 $0xFFFFD800;
	s9 =	sadd.s32 @!p2 $0x13C80, s12;
	p3 =	sgt.u32 @!p2 s25, $0x7A  }
0x3e: {  	[tilespmem:s9], [sflag:s14] =	stream.indirect.gather @!p2 [hbm4b:s1+s29], $0x80, s8, s29, $0xb8;
	[tilespmem:$0x1DC80] =	vst v63  }
0x3f: {  	s11 =	sadd.s32 @!p2 $0x7, s11;
	s8 =	sadd.s32 @!p2 s7, s13;
	p3 =	por p3, p2  }
0x40: {  	s9 =	sadd.s32 @!p2 $0x18C80, s12;
	s8 =	sshll.u32 @!p2 s8, $0x4;
	s12 =	sadd.s32 @!p3 $0x2, s25  }
0x41: {  	s13 =	simm.s32 @!p2 $0x0;
	s8 =	sadd.s32 @!p2 s6, s8;
	s14 =	smul.u32 @!p3 $0x50, s12  }
0x42: {  	[tilespmem:s9], [sflag:s11] =	stream.linear.gather @!p2 [hbm4b:s8+s13], $0x2800, $0x38;
	[tilespmem:$0x1DC80] =	vst v63  }
0x43: {  	s29 =	sand.u32 $0x1, s25;
	s8 =	sand.u32 @!p3 $0x3, s12;
	s9 =	sadd.s32 @!p3 s7, s14  }
0x44: {  	s11 =	sadd.s32 @!p3 $0x1, s8;
	s8 =	sshll.u32 @!p3 s8, $0x7;
	s9 =	sshrl.u32 @!p3 s9, $0x3  }
0x45: {  	s14 =	simm.s32 @!p3 $0x0;
	s12 =	sadd.s32 @!p3 $0x13880, s8;
	s13 =	sadd.s32 @!p3 s4, s9  }
0x46: {  	[tilespmem:s12], [sflag:s11] =	stream.linear.gather @!p3 [hbm4b:s13+s14], $0x50, $0x38;
	[tilespmem:$0x1DC80] =	vst v63  }
0x47: {  	s8 =	sadd.s32 @!p3 $0x13A80, s8;
	s9 =	sadd.s32 @!p3 s5, s9;
	s13 =	sadd.s32 $0x5, s29  }
0x48: {  	[tilespmem:s8], [sflag:s11] =	stream.linear.gather @!p3 [hbm4b:s9+s14], $0x50, $0x38;
	[tilespmem:$0x1DC80] =	vst v63  }
0x49: {  	s9 =	simm.s32 $0x1;
	_ =	swait.ge [sflag:s13], $0x2800  }
0x4a: {  	s9 =	simm.s32 @!p1 $0x0;
	[sflag:s13] =	ssyncset.done $0x0  }
0x4b: {  	s14 =	sadd.s32 $0x7, s29;
	s9 =	smul.u32 $0xA000, s9;
	[sflag:s13] =	ssyncadd.s32 $0xFFFFD800  }
0x4c: {  	_ =	swait.ge [sflag:s14], $0x2800  }
0x4d: {  	s9 =	sshrl.u32 s9, $0x2;
	[sflag:s14] =	ssyncset.done $0x0  }
0x4e: {  	s8 =	sadd.s32 $0x13D80, s9;
	[sflag:s14] =	ssyncadd.s32 $0xFFFFD800  }
0x4f: {  	s14 =	sadd.s32 $0x18D80, s9;
	v0 =	vld [tilespmem:s8+$0x80]  }
0x50: {  	v1 =	vld [tilespmem:s14+$0x80]  }
0x51: {  	v2 =	vld [tilespmem:s14+$0xFFFFFF00]  }
0x52: {  	v3 =	vld [tilespmem:s8+$0xFFFFFF80]  }
0x53: {  	v4 =	vld [tilespmem:s14+$0xFFFFFF80]  }
0x54: {  	v5 =	vld [tilespmem:s14+$0x0]  }
0x55: {  	v0 =	vadd.f32 v1, v0;
	v1 =	vld [tilespmem:s8+$0x0]  }
0x56: {  	v6 =	vld [tilespmem:s8+$0xFFFFFF00]  }
0x57: {  	v0 =	vmax.f32 v0, $0.0e+00  }
0x58: {  	v3 =	vadd.f32 v4, v3;
	[tilespmem:s8+$0x80] =	vst v0;
	v0 =	vld [tilespmem:s8+$0x90]  }
0x59: {  	v7 =	vld [tilespmem:s14+$0x90]  }
0x5a: {  	v8 =	vld [tilespmem:s8+$0xFFFFFF90];
	v3 =	vmax.f32 v3, $0.0e+00;
	v1 =	vadd.f32 v5, v1  }
0x5b: {  	v4 =	vld [tilespmem:s8+$0xFFFFFF10];
	v2 =	vadd.f32 v2, v6;
	[tilespmem:s8+$0xFFFFFF80] =	vst v3  }
0x5c: {  	v5 =	vld [tilespmem:s14+$0xFFFFFF90];
	v1 =	vmax.f32 v1, $0.0e+00  }
0x5d: {  	v2 =	vmax.f32 v2, $0.0e+00;
	v3 =	vld [tilespmem:s8+$0x10];
	[tilespmem:s8+$0x0] =	vst v1  }
0x5e: {  	[tilespmem:s8+$0xFFFFFF00] =	vst v2;
	v0 =	vadd.f32 v7, v0;
	v1 =	vld [tilespmem:s14+$0x10]  }
0x5f: {  	v2 =	vld [tilespmem:s14+$0xFFFFFF10]  }
0x60: {  	v0 =	vmax.f32 v0, $0.0e+00  }
0x61: {  	v5 =	vadd.f32 v5, v8;
	[tilespmem:s8+$0x90] =	vst v0;
	v0 =	vld [tilespmem:s8+$0xA0]  }
0x62: {  	v7 =	vld [tilespmem:s14+$0xA0]  }
0x63: {  	v6 =	vld [tilespmem:s8+$0xFFFFFF20];
	v5 =	vmax.f32 v5, $0.0e+00;
	v1 =	vadd.f32 v1, v3  }
0x64: {  	v2 =	vadd.f32 v2, v4;
	v8 =	vld [tilespmem:s8+$0xFFFFFFA0];
	[tilespmem:s8+$0xFFFFFF90] =	vst v5  }
0x65: {  	v4 =	vld [tilespmem:s14+$0xFFFFFFA0];
	v1 =	vmax.f32 v1, $0.0e+00  }
0x66: {  	v2 =	vmax.f32 v2, $0.0e+00;
	v3 =	vld [tilespmem:s8+$0x20];
	[tilespmem:s8+$0x10] =	vst v1  }
0x67: {  	[tilespmem:s8+$0xFFFFFF10] =	vst v2;
	v0 =	vadd.f32 v7, v0;
	v1 =	vld [tilespmem:s14+$0x20]  }
0x68: {  	v2 =	vld [tilespmem:s14+$0xFFFFFF20]  }
0x69: {  	v0 =	vmax.f32 v0, $0.0e+00  }
0x6a: {  	v4 =	vadd.f32 v4, v8;
	[tilespmem:s8+$0xA0] =	vst v0;
	v0 =	vld [tilespmem:s8+$0xB0]  }
0x6b: {  	v7 =	vld [tilespmem:s14+$0xB0]  }
0x6c: {  	v9 =	vld [tilespmem:s8+$0x30];
	v4 =	vmax.f32 v4, $0.0e+00;
	v1 =	vadd.f32 v1, v3  }
0x6d: {  	v2 =	vadd.f32 v2, v6;
	v8 =	vld [tilespmem:s8+$0xFFFFFFB0];
	[tilespmem:s8+$0xFFFFFFA0] =	vst v4  }
0x6e: {  	v3 =	vld [tilespmem:s14+$0xFFFFFFB0];
	v1 =	vmax.f32 v1, $0.0e+00  }
0x6f: {  	v5 =	vld [tilespmem:s8+$0xFFFFFF30];
	[tilespmem:s8+$0x20] =	vst v1;
	v1 =	vmax.f32 v2, $0.0e+00  }
0x70: {  	v0 =	vadd.f32 v7, v0;
	[tilespmem:s8+$0xFFFFFF20] =	vst v1;
	v1 =	vld [tilespmem:s14+$0x30]  }
0x71: {  	v6 =	vld [tilespmem:s14+$0xFFFFFF30]  }
0x72: {  	v10 =	vld [tilespmem:s8+$0xFFFFFF40];
	v0 =	vmax.f32 v0, $0.0e+00  }
0x73: {  	v3 =	vadd.f32 v3, v8;
	[tilespmem:s8+$0xB0] =	vst v0;
	v0 =	vld [tilespmem:s8+$0xC0]  }
0x74: {  	v7 =	vld [tilespmem:s14+$0xC0]  }
0x75: {  	v11 =	vld [tilespmem:s8+$0xFFFFFFD0];
	v3 =	vmax.f32 v3, $0.0e+00;
	v1 =	vadd.f32 v1, v9  }
0x76: {  	v4 =	vld [tilespmem:s8+$0xFFFFFFC0];
	[tilespmem:s8+$0xFFFFFFB0] =	vst v3;
	v5 =	vadd.f32 v6, v5  }
0x77: {  	v6 =	vld [tilespmem:s14+$0xFFFFFFC0];
	v1 =	vmax.f32 v1, $0.0e+00  }
0x78: {  	v2 =	vld [tilespmem:s8+$0x40];
	[tilespmem:s8+$0x30] =	vst v1;
	v1 =	vmax.f32 v5, $0.0e+00  }
0x79: {  	v0 =	vadd.f32 v7, v0;
	v5 =	vld [tilespmem:s14+$0x40];
	[tilespmem:s8+$0xFFFFFF30] =	vst v1  }
0x7a: {  	v1 =	vld [tilespmem:s14+$0xFFFFFF40]  }
0x7b: {  	v8 =	vld [tilespmem:s8+$0xFFFFFF50];
	v0 =	vmax.f32 v0, $0.0e+00  }
0x7c: {  	[tilespmem:s8+$0xC0] =	vst v0;
	v0 =	vadd.f32 v6, v4;
	v6 =	vld [tilespmem:s8+$0xD0]  }
0x7d: {  	v7 =	vld [tilespmem:s14+$0xD0]  }
0x7e: {  	v3 =	vld [tilespmem:s8+$0xFFFFFF60];
	v0 =	vmax.f32 v0, $0.0e+00;
	v2 =	vadd.f32 v5, v2  }
0x7f: {  	v9 =	vld [tilespmem:s8+$0x50];
	[tilespmem:s8+$0xFFFFFFC0] =	vst v0;
	v0 =	vadd.f32 v1, v10  }
0x80: {  	v1 =	vld [tilespmem:s14+$0xFFFFFFD0];
	v2 =	vmax.f32 v2, $0.0e+00  }
0x81: {  	v4 =	vld [tilespmem:s8+$0xFFFFFFE0];
	[tilespmem:s8+$0x40] =	vst v2;
	v0 =	vmax.f32 v0, $0.0e+00  }
0x82: {  	v2 =	vld [tilespmem:s14+$0x50];
	v6 =	vadd.f32 v7, v6;
	[tilespmem:s8+$0xFFFFFF40] =	vst v0  }
0x83: {  	v0 =	vld [tilespmem:s14+$0xFFFFFF50]  }
0x84: {  	v5 =	vld [tilespmem:s8+$0x60];
	v6 =	vmax.f32 v6, $0.0e+00  }
0x85: {  	v1 =	vadd.f32 v1, v11;
	[tilespmem:s8+$0xD0] =	vst v6;
	v6 =	vld [tilespmem:s8+$0xE0]  }
0x86: {  	v10 =	vld [tilespmem:s14+$0xE0]  }
0x87: {  	v1 =	vmax.f32 v1, $0.0e+00;
	v7 =	vadd.f32 v2, v9;
	v2 =	vld [tilespmem:s8+$0xFFFFFF70]  }
0x88: {  	[tilespmem:s8+$0xFFFFFFD0] =	vst v1;
	v0 =	vadd.f32 v0, v8;
	v1 =	vld [tilespmem:s8+$0xFFFFFFF0]  }
0x89: {  	v8 =	vmax.f32 v7, $0.0e+00;
	v7 =	vld [tilespmem:s14+$0xFFFFFFE0]  }
0x8a: {  	[tilespmem:s8+$0x50] =	vst v8;
	v8 =	vmax.f32 v0, $0.0e+00;
	v0 =	vld [tilespmem:s8+$0x70]  }
0x8b: {  	[tilespmem:s8+$0xFFFFFF50] =	vst v8;
	v8 =	vld [tilespmem:s14+$0x60];
	v6 =	vadd.f32 v10, v6  }
0x8c: {  	s12 =	simm.s32 $0x0;
	v9 =	vld [tilespmem:s14+$0xFFFFFF60]  }
0x8d: {  	s11 =	smul.u32 $0x2800, s29;
	s13 =	sadd.s32 $0x200, s8;
	s9 =	smov.u32 s14;
	v10 =	vmax.f32 v6, $0.0e+00;
	v6 =	vld [tilespmem:s8+$0xF0]  }
.LBB2_3:
0x8e: {  	v11 =	vld [tilespmem:s13+$0x80];
	v4 =	vadd.f32 v7, v4;
	[tilespmem:s8+$0xE0] =	vst v10  }
0x8f: {  	s9 =	sadd.s32 $0x200, s9;
	v7 =	vld [tilespmem:s14+$0xF0]  }
0x90: {  	s12 =	sadd.s32 $0x4, s12;
	v10 =	vld [tilespmem:s9+$0x80];
	v4 =	vmax.f32 v4, $0.0e+00;
	v5 =	vadd.f32 v8, v5  }
0x91: {  	p2 =	slt.u32 s12, $0x4C;
	v8 =	vld [tilespmem:s9+$0xFFFFFF00];
	v3 =	vadd.f32 v9, v3;
	[tilespmem:s8+$0xFFFFFFE0] =	vst v4  }
0x92: {  	v4 =	vld [tilespmem:s13+$0xFFFFFF80];
	v5 =	vmax.f32 v5, $0.0e+00  }
0x93: {  	v9 =	vld [tilespmem:s9+$0xFFFFFF80];
	v3 =	vmax.f32 v3, $0.0e+00;
	[tilespmem:s8+$0x60] =	vst v5  }
0x94: {  	v5 =	vld [tilespmem:s13+$0x0];
	[tilespmem:s8+$0xFFFFFF60] =	vst v3;
	v3 =	vadd.f32 v7, v6  }
0x95: {  	v6 =	vld [tilespmem:s9+$0x0];
	v7 =	vadd.f32 v10, v11  }
0x96: {  	v10 =	vld [tilespmem:s13+$0xFFFFFF00];
	v3 =	vmax.f32 v3, $0.0e+00  }
0x97: {  	v11 =	vld [tilespmem:s13+$0xFFFFFF10];
	v7 =	vmax.f32 v7, $0.0e+00;
	[tilespmem:s8+$0xF0] =	vst v3  }
0x98: {  	v3 =	vadd.f32 v9, v4;
	[tilespmem:s13+$0x80] =	vst v7;
	v4 =	vld [tilespmem:s13+$0x90]  }
0x99: {  	v7 =	vld [tilespmem:s9+$0x90]  }
0x9a: {  	v3 =	vmax.f32 v3, $0.0e+00;
	v9 =	vld [tilespmem:s13+$0xFFFFFF90];
	v5 =	vadd.f32 v6, v5  }
0x9b: {  	v6 =	vadd.f32 v8, v10;
	[tilespmem:s13+$0xFFFFFF80] =	vst v3;
	v3 =	vld [tilespmem:s13+$0x10]  }
0x9c: {  	v8 =	vld [tilespmem:s9+$0xFFFFFF90];
	v5 =	vmax.f32 v5, $0.0e+00  }
0x9d: {  	v6 =	vmax.f32 v6, $0.0e+00;
	v10 =	vld [tilespmem:s13+$0xFFFFFF20];
	[tilespmem:s13+$0x0] =	vst v5  }
0x9e: {  	[tilespmem:s13+$0xFFFFFF00] =	vst v6;
	v5 =	vld [tilespmem:s9+$0x10];
	v4 =	vadd.f32 v7, v4  }
0x9f: {  	v6 =	vld [tilespmem:s9+$0xFFFFFF10]  }
0xa0: {  	v7 =	vld [tilespmem:s13+$0xFFFFFFA0];
	v4 =	vmax.f32 v4, $0.0e+00  }
0xa1: {  	v8 =	vadd.f32 v8, v9;
	[tilespmem:s13+$0x90] =	vst v4;
	v4 =	vld [tilespmem:s13+$0xA0]  }
0xa2: {  	v9 =	vld [tilespmem:s9+$0xA0]  }
0xa3: {  	v8 =	vmax.f32 v8, $0.0e+00;
	v3 =	vadd.f32 v5, v3;
	v5 =	vld [tilespmem:s13+$0x20]  }
0xa4: {  	v6 =	vadd.f32 v6, v11;
	v11 =	vld [tilespmem:s13+$0xFFFFFF30];
	[tilespmem:s13+$0xFFFFFF90] =	vst v8  }
0xa5: {  	v8 =	vld [tilespmem:s9+$0xFFFFFFA0];
	v3 =	vmax.f32 v3, $0.0e+00  }
0xa6: {  	v6 =	vmax.f32 v6, $0.0e+00;
	v12 =	vld [tilespmem:s13+$0xFFFFFFB0];
	[tilespmem:s13+$0x10] =	vst v3  }
0xa7: {  	[tilespmem:s13+$0xFFFFFF10] =	vst v6;
	v3 =	vld [tilespmem:s9+$0x20];
	v4 =	vadd.f32 v9, v4  }
0xa8: {  	v6 =	vld [tilespmem:s9+$0xFFFFFF20]  }
0xa9: {  	v9 =	vld [tilespmem:s13+$0x30];
	v4 =	vmax.f32 v4, $0.0e+00  }
0xaa: {  	v7 =	vadd.f32 v8, v7;
	[tilespmem:s13+$0xA0] =	vst v4;
	v4 =	vld [tilespmem:s13+$0xB0]  }
0xab: {  	v8 =	vld [tilespmem:s9+$0xB0]  }
0xac: {  	v13 =	vld [tilespmem:s13+$0xFFFFFF40];
	v7 =	vmax.f32 v7, $0.0e+00;
	v3 =	vadd.f32 v3, v5  }
0xad: {  	v5 =	vadd.f32 v6, v10;
	[tilespmem:s13+$0xFFFFFFA0] =	vst v7;
	v6 =	vld [tilespmem:s13+$0xFFFFFFC0]  }
0xae: {  	v7 =	vld [tilespmem:s9+$0xFFFFFFB0];
	v3 =	vmax.f32 v3, $0.0e+00  }
0xaf: {  	v5 =	vmax.f32 v5, $0.0e+00;
	[tilespmem:s13+$0x20] =	vst v3;
	v10 =	vld [tilespmem:s13+$0x40]  }
0xb0: {  	[tilespmem:s13+$0xFFFFFF20] =	vst v5;
	v3 =	vld [tilespmem:s9+$0x30];
	v4 =	vadd.f32 v8, v4  }
0xb1: {  	v5 =	vld [tilespmem:s9+$0xFFFFFF30]  }
0xb2: {  	v8 =	vld [tilespmem:s13+$0xFFFFFF50];
	v4 =	vmax.f32 v4, $0.0e+00  }
0xb3: {  	v7 =	vadd.f32 v7, v12;
	[tilespmem:s13+$0xB0] =	vst v4;
	v4 =	vld [tilespmem:s13+$0xC0]  }
0xb4: {  	v12 =	vld [tilespmem:s9+$0xC0]  }
0xb5: {  	v7 =	vmax.f32 v7, $0.0e+00;
	v14 =	vld [tilespmem:s13+$0xFFFFFFD0];
	v3 =	vadd.f32 v3, v9  }
0xb6: {  	v5 =	vadd.f32 v5, v11;
	[tilespmem:s13+$0xFFFFFFB0] =	vst v7;
	v7 =	vld [tilespmem:s13+$0x50]  }
0xb7: {  	v9 =	vld [tilespmem:s9+$0xFFFFFFC0];
	v11 =	vmax.f32 v3, $0.0e+00  }
0xb8: {  	v5 =	vmax.f32 v5, $0.0e+00;
	v3 =	vld [tilespmem:s13+$0xFFFFFF60];
	[tilespmem:s13+$0x30] =	vst v11  }
0xb9: {  	[tilespmem:s13+$0xFFFFFF30] =	vst v5;
	v5 =	vld [tilespmem:s9+$0x40];
	v11 =	vadd.f32 v12, v4  }
0xba: {  	v12 =	vld [tilespmem:s9+$0xFFFFFF40]  }
0xbb: {  	v4 =	vld [tilespmem:s13+$0xFFFFFFE0];
	v11 =	vmax.f32 v11, $0.0e+00  }
0xbc: {  	v6 =	vadd.f32 v9, v6;
	[tilespmem:s13+$0xC0] =	vst v11;
	v9 =	vld [tilespmem:s13+$0xD0]  }
0xbd: {  	v11 =	vld [tilespmem:s9+$0xD0]  }
0xbe: {  	v6 =	vmax.f32 v6, $0.0e+00;
	v10 =	vadd.f32 v5, v10;
	v5 =	vld [tilespmem:s13+$0x60]  }
0xbf: {  	v12 =	vadd.f32 v12, v13;
	[tilespmem:s13+$0xFFFFFFC0] =	vst v6;
	v6 =	vld [tilespmem:s14+$0xFFFFFF70]  }
0xc0: {  	v13 =	vld [tilespmem:s9+$0xFFFFFFD0];
	v10 =	vmax.f32 v10, $0.0e+00  }
0xc1: {  	v12 =	vmax.f32 v12, $0.0e+00;
	[tilespmem:s13+$0x40] =	vst v10;
	v10 =	vld [tilespmem:s14+$0xFFFFFFF0]  }
0xc2: {  	[tilespmem:s13+$0xFFFFFF40] =	vst v12;
	v12 =	vld [tilespmem:s9+$0x50];
	v9 =	vadd.f32 v11, v9  }
0xc3: {  	v11 =	vld [tilespmem:s9+$0xFFFFFF50]  }
0xc4: {  	v9 =	vmax.f32 v9, $0.0e+00;
	v2 =	vadd.f32 v6, v2;
	v6 =	vld [tilespmem:s14+$0x70];
	s14 =	smov.u32 s9  }
0xc5: {  	v13 =	vadd.f32 v13, v14;
	[tilespmem:s13+$0xD0] =	vst v9;
	v9 =	vld [tilespmem:s13+$0xE0]  }
0xc6: {  	v14 =	vld [tilespmem:s9+$0xE0];
	v15 =	vmax.f32 v2, $0.0e+00;
	v10 =	vadd.f32 v10, v1  }
0xc7: {  	v2 =	vld [tilespmem:s13+$0xFFFFFF70];
	v1 =	vmax.f32 v13, $0.0e+00;
	v12 =	vadd.f32 v12, v7;
	[tilespmem:s8+$0xFFFFFF70] =	vst v15  }
0xc8: {  	v8 =	vadd.f32 v11, v8;
	[tilespmem:s13+$0xFFFFFFD0] =	vst v1;
	v1 =	vld [tilespmem:s13+$0xFFFFFFF0];
	v10 =	vmax.f32 v10, $0.0e+00  }
.Ltmp0:
0xc9: {  	v7 =	vld [tilespmem:s9+$0xFFFFFFE0];
	v11 =	vmax.f32 v12, $0.0e+00;
	[tilespmem:s8+$0xFFFFFFF0] =	vst v10;
	v6 =	vadd.f32 v6, v0;
	(pc) =	sbr.rel @p2 .LBB2_3-.Ltmp0, $4  }
0xca: {  	v8 =	vmax.f32 v8, $0.0e+00;
	[tilespmem:s13+$0x50] =	vst v11;
	v0 =	vld [tilespmem:s13+$0x70]  }
0xcb: {  	[tilespmem:s13+$0xFFFFFF50] =	vst v8;
	v8 =	vld [tilespmem:s9+$0x60];
	v10 =	vadd.f32 v14, v9;
	v6 =	vmax.f32 v6, $0.0e+00  }
0xcc: {  	v9 =	vld [tilespmem:s9+$0xFFFFFF60];
	[tilespmem:s8+$0x70] =	vst v6;
	s8 =	smov.u32 s13  }
0xcd: {  	s13 =	sadd.s32 $0x200, s13;
	v10 =	vmax.f32 v10, $0.0e+00;
	v6 =	vld [tilespmem:s8+$0xF0]  }
0xce: {  	_ = 	snop  }
0xcf: {  	v4 =	vadd.f32 v7, v4  }
0xd0: {  	v5 =	vadd.f32 v8, v5  }
0xd1: {  	[tilespmem:s8+$0xE0] =	vst v10;
	v4 =	vmax.f32 v4, $0.0e+00;
	v3 =	vadd.f32 v9, v3  }
0xd2: {  	v58 =	vld [tilespmem:s14+$0xF0];
	[tilespmem:s8+$0xFFFFFFE0] =	vst v4;
	v59 =	vmax.f32 v5, $0.0e+00  }
0xd3: {  	v61 =	vld [tilespmem:s14+$0xFFFFFFF0];
	v3 =	vmax.f32 v3, $0.0e+00;
	[tilespmem:s8+$0x60] =	vst v59  }
0xd4: {  	[tilespmem:s8+$0xFFFFFF60] =	vst v3;
	v62 =	vld [tilespmem:s14+$0x70]  }
0xd5: {  	v60 =	vld [tilespmem:s14+$0xFFFFFF70];
	_ =	sdelay $0x1  }
0xd6: {  	v6 =	vadd.f32 v58, v6  }
0xd7: {  	v1 =	vadd.f32 v61, v1  }
0xd8: {  	v63 =	vmax.f32 v6, $0.0e+00;
	v0 =	vadd.f32 v62, v0  }
0xd9: {  	p2 =	sne.s32 s28, $0x7D;
	[tilespmem:s8+$0xF0] =	vst v63;
	v1 =	vmax.f32 v1, $0.0e+00;
	v2 =	vadd.f32 v60, v2  }
.Ltmp1:
0xda: {  	s9 =	sshll.u32 s25, $0x7;
	[tilespmem:s8+$0xFFFFFFF0] =	vst v1;
	v0 =	vmax.f32 v0, $0.0e+00;
	(pc) =	sbr.rel @p2 .LBB2_2-.Ltmp1, $4  }
0xdb: {  	s9 =	sand.u32 $0x180, s9;
	v2 =	vmax.f32 v2, $0.0e+00;
	[tilespmem:s8+$0x70] =	vst v0  }
0xdc: {  	s25 =	sadd.s32 $0x13C80, s11;
	s29 =	sadd.s32 $0x9, s29;
	s9 =	sadd.s32 $0x13A80, s9;
	[tilespmem:s8+$0xFFFFFF70] =	vst v2  }
0xdd: {  	[spmem:s2] =	stream.indirect.scatter.add.f32 [tilespmem:s25], [sflag:s29], $0x80, s9, s26, $0xb8;
	[tilespmem:$0x1DC80] =	vst v63  }
0xde: {  	p1 =	por !p1, !p1;
	s25 =	smov.u32 s28  }
0xdf: {  	_ =	swait.ge [sflag:s30], $0x2800  }
0xe0: {  	[sflag:s30] =	ssyncset.done $0x0  }
0xe1: {  	[sflag:s30] =	ssyncadd.s32 $0xFFFFD800  }
0xe2: {  	_ =	swait.ge [sflag:s31], $0x2800  }
0xe3: {  	[sflag:s31] =	ssyncset.done $0x0  }
0xe4: {  	[sflag:s31] =	ssyncadd.s32 $0xFFFFD800  }
0xe5: {  	[bflag:$0x0] =	sbarrier.arrive $0xFFFF  }
0xe6: {  	[hbm:s18], [sflag:s10] =	dma.local [spmem:s23], $0x2700  }
0xe7: {  	s0 =	sadd.s32 $0x1, s0;
	_ =	swait.ge [sflag:s21], $0x2700  }
0xe8: {  	p1 =	sne.s32 s0, s20;
	[sflag:s21] =	ssyncset.done $0x0  }
.Ltmp2:
0xe9: {  	s8 =	simm.s32 @!p0 $0xB;
	[sflag:s21] =	ssyncadd.s32 $0xFFFFD900;
	(pc) =	sbr.rel @p1 .LBB2_1-.Ltmp2, $4  }
0xea: {  	[hbm:s19], [sflag:s10] =	dma.local @!p0 [spmem:s24], $0x100  }
0xeb: {  	_ =	swait.ge @!p0 [sflag:s8], $0x100  }
0xec: {  	[sflag:s8] =	ssyncset.done @!p0 $0x0  }
0xed: {  	[sflag:s8] =	ssyncadd.s32 @!p0 $0xFFFFFF00  }
0xee: {  	_ =	sfence.sel $0x180000  }
0xef: {  	[bflag:$0x0] =	sbarrier.arrive $0xFFFF  }
0xf0: {  	_ =	strace $0x90000047  }
0xf1: {  	[bflag:$0x2] =	sbarrier.arrive $0xFFFF  }
0xf2: {  	s0 =	rddreg [dreg:$0x3]  }
0xf3: {  	s0 =	sadd.s32 @!p0 $0x100000, s0  }
0xf4: {  	[sflag:s0] =	ssyncadd.tile.s32 @!p0 $0x1;
	_ =	shalt  }
.Lfunc_end2:
_tile_overlayer_lowered:
.L_overlay_start_2:
0xf5: {  	(tag) =	ssettag $0x2  }
0xf6: {  	s0 =	rddreg [dreg:$0x0];
	s2 =	stileid.u32  }
0xf7: {  	s1 =	rddreg [dreg:$0x1];
	p0 =	sne.s32 s2, $0x0  }
0xf8: {  	s3 =	rddreg [dreg:$0x2];
	[bflag:$0x3] =	sbarrier.arrive $0xFFFF;
	s2 =	simm.s32 @!p0 $0x1C0B  }
0xf9: {  	[timem:s3], [sflag:s2] =	dma.local @!p0 [hbm:s0], s1  }
0xfa: {  	s0 =	simm.s32 @!p0 $0xB  }
0xfb: {  	_ =	swait.ge @!p0 [sflag:s0], s1  }
0xfc: {  	s1 =	ssub.s32 @!p0 $0x0, s1;
	[sflag:s0] =	ssyncset.done @!p0 $0x0  }
0xfd: {  	[sflag:s0] =	ssyncadd.s32 @!p0 s1  }
0xfe: {  	[bflag:$0x3] =	sbarrier.arrive $0xFFFF  }
0xff: {  	_ =	shalt  }

</sc_bundles>
